<compile_context>
chip_gen: v7x
topology: tpu7x:2x2x1
jax: 0.10.2.dev20260603
libtpu: 0.0.44.dev20260713+nightly
codegen_flags: <defaults>
</compile_context>

<pallas_src>
import functools

import jax
import jax.numpy as jnp
from jax import lax
from jax.experimental import pallas as pl
from jax.experimental.pallas import tpu as pltpu
from jax.experimental.pallas import tpu_sc as plsc

_NC = 2
_NS = 16
_NW = _NC * _NS


def _silu(x):
    return x * jax.nn.sigmoid(x)


def _tc_precompute(h, Wa, Wb, tile_n):
    N, D = h.shape

    def body(h_ref, wa_ref, wb_ref, a_ref, b_ref):
        hx = h_ref[...]
        a_ref[...] = jnp.dot(hx, wa_ref[...], preferred_element_type=jnp.float32,
                             precision=jax.lax.Precision.HIGHEST)
        b_ref[...] = jnp.dot(hx, wb_ref[...], preferred_element_type=jnp.float32,
                             precision=jax.lax.Precision.HIGHEST)

    return pl.pallas_call(
        body,
        grid=(N // tile_n,),
        in_specs=[
            pl.BlockSpec((tile_n, D), lambda i: (i, 0)),
            pl.BlockSpec((D, D), lambda i: (0, 0)),
            pl.BlockSpec((D, D), lambda i: (0, 0)),
        ],
        out_specs=[
            pl.BlockSpec((tile_n, D), lambda i: (i, 0)),
            pl.BlockSpec((tile_n, D), lambda i: (i, 0)),
        ],
        out_shape=[jax.ShapeDtypeStruct((N, D), jnp.float32)] * 2,
    )(h, Wa, Wb)


def _sc_gather_add(row, col, A, B, chunk):
    E = row.shape[0]
    N, D = A.shape
    epw = E // _NW
    n_ch = epw // chunk
    mesh = plsc.VectorSubcoreMesh(core_axis_name="c", subcore_axis_name="s")

    @functools.partial(
        pl.kernel,
        out_type=jax.ShapeDtypeStruct((E, D), jnp.float32),
        mesh=mesh,
        scratch_types=(
            [pltpu.VMEM((chunk,), jnp.int32)] * 8
            + [pltpu.VMEM((chunk, D), jnp.float32)] * 8
            + [pltpu.SemaphoreType.DMA] * 12
        ),
    )
    def k(row_h, col_h, a_h, b_h, s_h,
          ir0, ir1, ir2, ir3, ic0, ic1, ic2, ic3,
          ba0, ba1, ba2, ba3, bb0, bb1, bb2, bb3,
          sa0, sa1, sa2, sa3, sb0, sb1, sb2, sb3, ss0, ss1, ss2, ss3):
        cid = lax.axis_index("c")
        sid = lax.axis_index("s")
        base = (sid * _NC + cid) * epw
        irs, ics = [ir0, ir1, ir2, ir3], [ic0, ic1, ic2, ic3]
        bas, bbs = [ba0, ba1, ba2, ba3], [bb0, bb1, bb2, bb3]
        sas, sbs = [sa0, sa1, sa2, sa3], [sb0, sb1, sb2, sb3]
        sss = [ss0, ss1, ss2, ss3]

        def issue(i, s):
            off = base + i * chunk
            pltpu.sync_copy(row_h.at[pl.ds(off, chunk)], irs[s])
            pltpu.sync_copy(col_h.at[pl.ds(off, chunk)], ics[s])
            pltpu.async_copy(a_h.at[irs[s]], bas[s], sas[s])
            pltpu.async_copy(b_h.at[ics[s]], bbs[s], sbs[s])

        def wait_store(i, s):
            pltpu.make_async_copy(bas[s], s_h.at[pl.ds(base + i * chunk, chunk)],
                                  sss[s]).wait()

        def step(i, s):
            s2 = (s + 2) % 4
            pltpu.make_async_copy(a_h.at[irs[s]], bas[s], sas[s]).wait()
            pltpu.make_async_copy(b_h.at[ics[s]], bbs[s], sbs[s]).wait()
            ba, bb = bas[s], bbs[s]

            def rowbody(e, carry):
                for jj in range(D // 16):
                    sl = pl.ds(jj * 16, 16)
                    ba[e, sl] = ba[e, sl] + bb[e, sl]
                return carry

            lax.fori_loop(0, chunk, rowbody, 0)
            pltpu.async_copy(ba, s_h.at[pl.ds(base + i * chunk, chunk)], sss[s])

            @pl.when(i >= 2)
            def _():
                wait_store(i - 2, s2)

            @pl.when(i + 2 < n_ch)
            def _():
                issue(i + 2, s2)

        issue(0, 0)
        issue(1, 1)

        def body(j, carry):
            i0 = 4 * j
            step(i0, 0)
            step(i0 + 1, 1)
            step(i0 + 2, 2)
            step(i0 + 3, 3)
            return carry

        lax.fori_loop(0, n_ch // 4, body, 0)
        step(n_ch - 1, (n_ch - 1) % 4)
        wait_store(n_ch - 2, (n_ch - 2) % 4)
        wait_store(n_ch - 1, (n_ch - 1) % 4)

    return k(row, col, A, B)


def _tc_edge_mlp(S, dist, wd, b1, W2, b2, tile_e):
    E, D = S.shape

    def body(s_ref, d_ref, wd_ref, b1_ref, w2_ref, b2_ref, m_ref):
        x = s_ref[...] + d_ref[...] * wd_ref[...] + b1_ref[...]
        x = _silu(x)
        y = jnp.dot(x, w2_ref[...],
                    preferred_element_type=jnp.float32) + b2_ref[...]
        m_ref[...] = _silu(y)

    return pl.pallas_call(
        body,
        grid=(E // tile_e,),
        in_specs=[
            pl.BlockSpec((tile_e, D), lambda i: (i, 0)),
            pl.BlockSpec((tile_e, 1), lambda i: (i, 0)),
            pl.BlockSpec((1, D), lambda i: (0, 0)),
            pl.BlockSpec((1, D), lambda i: (0, 0)),
            pl.BlockSpec((D, D), lambda i: (0, 0)),
            pl.BlockSpec((1, D), lambda i: (0, 0)),
        ],
        out_specs=pl.BlockSpec((tile_e, D), lambda i: (i, 0)),
        out_shape=jax.ShapeDtypeStruct((E, D), jnp.float32),
    )(S, dist, wd, b1, W2, b2)


def _sc_scatter_add(m, row, zeros, chunk):
    E, D = m.shape
    NP = zeros.shape[0]
    epw = E // _NW
    n_ch = epw // chunk
    n_pairs = n_ch // 2
    rows_per_tile = NP // _NS
    mesh = plsc.VectorSubcoreMesh(core_axis_name="c", subcore_axis_name="s")

    @functools.partial(
        pl.kernel,
        out_type=jax.ShapeDtypeStruct((_NC * NP, D), jnp.float32),
        mesh=mesh,
        scratch_types=(
            [pltpu.VMEM((chunk,), jnp.int32)] * 4
            + [pltpu.VMEM((chunk, D), jnp.float32)] * 4
            + [pltpu.VMEM_SHARED((NP, D), jnp.float32)]
            + [pltpu.SemaphoreType.DMA] * 12
        ),
    )
    def k(m_h, row_h, z_h, out_h, idx0, idx1, idx2, idx3,
          buf0, buf1, buf2, buf3, acc,
          si0, si1, si2, si3, sm0, sm1, sm2, sm3, sc0, sc1, sc2, sc3):
        cid = lax.axis_index("c")
        sid = lax.axis_index("s")
        base = (sid * _NC + cid) * epw
        idxs, bufs = [idx0, idx1, idx2, idx3], [buf0, buf1, buf2, buf3]
        sis = [si0, si1, si2, si3]
        sms = [sm0, sm1, sm2, sm3]
        scs = [sc0, sc1, sc2, sc3]
        slab = sid * rows_per_tile
        pltpu.sync_copy(z_h.at[pl.ds(slab, rows_per_tile)],
                        acc.at[pl.ds(slab, rows_per_tile)])
        plsc.subcore_barrier()

        def load(i, s):
            off = base + i * chunk
            pltpu.async_copy(row_h.at[pl.ds(off, chunk)], idxs[s], sis[s])
            pltpu.async_copy(m_h.at[pl.ds(off, chunk)], bufs[s], sms[s])

        def wait_scat(s):
            pltpu.make_async_copy(bufs[s], acc.at[idxs[s]], scs[s]).wait()

        def step(i, s):
            s2 = (s + 2) % 4
            pltpu.make_async_copy(row_h.at[pl.ds(0, chunk)], idxs[s],
                                  sis[s]).wait()
            pltpu.make_async_copy(m_h.at[pl.ds(0, chunk)], bufs[s],
                                  sms[s]).wait()

            @pl.when(i >= 2)
            def _():
                wait_scat(s2)

            @pl.when(i + 2 < n_ch)
            def _():
                load(i + 2, s2)

            pltpu.async_copy(bufs[s], acc.at[idxs[s]], scs[s], add=True)

        load(0, 0)
        load(1, 1)

        def body(j, carry):
            i0 = 4 * j
            step(i0, 0)
            step(i0 + 1, 1)
            step(i0 + 2, 2)
            step(i0 + 3, 3)
            return carry

        lax.fori_loop(0, n_ch // 4, body, 0)
        step(n_ch - 1, (n_ch - 1) % 4)
        wait_scat((n_ch - 2) % 4)
        wait_scat((n_ch - 1) % 4)
        plsc.subcore_barrier()
        pltpu.sync_copy(acc.at[pl.ds(slab, rows_per_tile)],
                        out_h.at[pl.ds(cid * NP + slab, rows_per_tile)])

    return k(m, row, zeros)


def _tc_node_mlp(h, parts, W1h, W1a, b1, W2, b2, tile_n):
    N, D = h.shape

    def body(h_ref, p0_ref, p1_ref, w1h_ref, w1a_ref, b1_ref,
             w2_ref, b2_ref, o_ref):
        agg = p0_ref[...] + p1_ref[...]
        x = (jnp.dot(h_ref[...], w1h_ref[...], preferred_element_type=jnp.float32)
             + jnp.dot(agg, w1a_ref[...], preferred_element_type=jnp.float32)
             + b1_ref[...])
        x = _silu(x)
        o_ref[...] = jnp.dot(x, w2_ref[...],
                             preferred_element_type=jnp.float32) + b2_ref[...]

    blk = pl.BlockSpec((tile_n, D), lambda i: (i, 0))
    wblk = pl.BlockSpec((D, D), lambda i: (0, 0))
    bblk = pl.BlockSpec((1, D), lambda i: (0, 0))
    return pl.pallas_call(
        body,
        grid=(N // tile_n,),
        in_specs=[blk, blk, blk, wblk, wblk, bblk, wblk, bblk],
        out_specs=blk,
        out_shape=jax.ShapeDtypeStruct((N, D), jnp.float32),
    )(h, *parts, W1h, W1a, b1, W2, b2)


def kernel(h, row, col, dist, W_e1, b_e1, W_e2, b_e2, W_n1, b_n1, W_n2, b_n2):
    N, D = h.shape
    E = row.shape[0]
    row = row.astype(jnp.int32)
    col = col.astype(jnp.int32)

    Wa = W_e1[:D]
    Wb = W_e1[D:2 * D]
    wd = W_e1[2 * D].reshape(1, D)
    b1 = b_e1.reshape(1, D)
    b2 = b_e2.reshape(1, D)
    Wn1h = W_n1[:D]
    Wn1a = W_n1[D:]
    bn1 = b_n1.reshape(1, D)
    bn2 = b_n2.reshape(1, D)

    A, B = _tc_precompute(h, Wa, Wb, tile_n=2000)
    NP = ((N + 8 * _NS - 1) // (8 * _NS)) * (8 * _NS)
    zeros = jnp.zeros((NP, D), jnp.float32)

    S = _sc_gather_add(row, col, A, B, chunk=80)
    m = _tc_edge_mlp(S, dist, wd, b1, W_e2, b2, tile_e=5000)
    P = _sc_scatter_add(m, row, zeros, chunk=80)
    parts = [P[:N], P[NP:NP + N]]
    return _tc_node_mlp(h, parts, Wn1h, Wn1a, bn1, W_n2, b2=bn2, tile_n=2000)

# --- scband reference (transcript-rebuilt; emitter-appended) ---
"""Pipeline reference for scband-egcl-16217796509989 (READ-ONLY COPY).

The authoritative reference and input builder live on the scoring server;
editing this copy changes nothing except your own understanding.
"""

import jax, jax.numpy as jnp
import numpy as np


def silu(x):
    return x * jax.nn.sigmoid(x)


def setup_inputs(seed: int = 0) -> dict:
    key = jax.random.key(seed)
    ks = jax.random.split(key, 12)
    N, E = 10000, 320000
    node_nf, hidden_nf = 128, 128
    h = jax.random.normal(ks[0], (N, node_nf), dtype=jnp.float32)
    row = jax.random.randint(ks[1], (E,), 0, N, dtype=jnp.int64) if jax.config.jax_enable_x64 else jax.random.randint(ks[1], (E,), 0, N).astype(jnp.int32)
    col = jax.random.randint(ks[2], (E,), 0, N).astype(row.dtype)
    dist = jax.random.uniform(ks[3], (E, 1), dtype=jnp.float32)
    # edge_nn: Linear(2*node_nf+1 -> hidden) SiLU Linear(hidden -> hidden) SiLU
    in_e = 2 * node_nf + 1
    s1 = 1.0 / np.sqrt(in_e)
    W_e1 = jax.random.uniform(ks[4], (in_e, hidden_nf), minval=-s1, maxval=s1, dtype=jnp.float32)
    b_e1 = jax.random.uniform(ks[5], (hidden_nf,), minval=-s1, maxval=s1, dtype=jnp.float32)
    s2 = 1.0 / np.sqrt(hidden_nf)
    W_e2 = jax.random.uniform(ks[6], (hidden_nf, hidden_nf), minval=-s2, maxval=s2, dtype=jnp.float32)
    b_e2 = jax.random.uniform(ks[7], (hidden_nf,), minval=-s2, maxval=s2, dtype=jnp.float32)
    # node_nn: Linear(hidden+node_nf -> hidden) SiLU Linear(hidden -> node_nf)
    in_n = hidden_nf + node_nf
    s3 = 1.0 / np.sqrt(in_n)
    W_n1 = jax.random.uniform(ks[8], (in_n, hidden_nf), minval=-s3, maxval=s3, dtype=jnp.float32)
    b_n1 = jax.random.uniform(ks[9], (hidden_nf,), minval=-s3, maxval=s3, dtype=jnp.float32)
    W_n2 = jax.random.uniform(ks[10], (hidden_nf, node_nf), minval=-s2, maxval=s2, dtype=jnp.float32)
    b_n2 = jax.random.uniform(ks[11], (node_nf,), minval=-s2, maxval=s2, dtype=jnp.float32)
    return {"h": h, "row": row, "col": col, "dist": dist,
            "W_e1": W_e1, "b_e1": b_e1, "W_e2": W_e2, "b_e2": b_e2,
            "W_n1": W_n1, "b_n1": b_n1, "W_n2": W_n2, "b_n2": b_n2}


def reference(h, row, col, dist, W_e1, b_e1, W_e2, b_e2, W_n1, b_n1, W_n2, b_n2):
    N = h.shape[0]
    # edge_model: gather source/target node features, concat with radial (dist)
    source = jnp.take(h, row, axis=0)
    target = jnp.take(h, col, axis=0)
    e_in = jnp.concatenate([source, target, dist], axis=1)
    m = silu(e_in @ W_e1 + b_e1)
    m = silu(m @ W_e2 + b_e2)
    # node_model: unsorted_segment_sum over destination nodes (row)
    agg = jax.ops.segment_sum(m, row, num_segments=N)
    n_in = jnp.concatenate([h, agg], axis=1)
    out = silu(n_in @ W_n1 + b_n1) @ W_n2 + b_n2
    return out

if __name__ == "__main__":
    import jax
    _d = setup_inputs()
    print(jax.jit(kernel)(*tuple(_d.values())))

</pallas_src>

<mosaic_0001>
#map = affine_map<(d0, d1) -> (0, 0)>
#map1 = affine_map<(d0, d1) -> (0)>
module attributes {stable_mosaic.version = 14 : i64} {
  func.func @k(%arg0: i32, %arg1: i32, %arg2: memref<320000x128xf32, #tpu.memory_space<hbm>>, %arg3: memref<320000xi32, #tpu.memory_space<hbm>>, %arg4: memref<10112x128xf32, #tpu.memory_space<hbm>>, %arg5: memref<20224x128xf32, #tpu.memory_space<hbm>>, %arg6: memref<80xi32, #tpu.memory_space<vmem>>, %arg7: memref<80xi32, #tpu.memory_space<vmem>>, %arg8: memref<80xi32, #tpu.memory_space<vmem>>, %arg9: memref<80xi32, #tpu.memory_space<vmem>>, %arg10: memref<80x128xf32, #tpu.memory_space<vmem>>, %arg11: memref<80x128xf32, #tpu.memory_space<vmem>>, %arg12: memref<80x128xf32, #tpu.memory_space<vmem>>, %arg13: memref<80x128xf32, #tpu.memory_space<vmem>>, %arg14: memref<10112x128xf32, #tpu.memory_space<vmem_shared>>, %arg15: memref<!tpu.dma_semaphore, #tpu.memory_space<semaphore_mem>>, %arg16: memref<!tpu.dma_semaphore, #tpu.memory_space<semaphore_mem>>, %arg17: memref<!tpu.dma_semaphore, #tpu.memory_space<semaphore_mem>>, %arg18: memref<!tpu.dma_semaphore, #tpu.memory_space<semaphore_mem>>, %arg19: memref<!tpu.dma_semaphore, #tpu.memory_space<semaphore_mem>>, %arg20: memref<!tpu.dma_semaphore, #tpu.memory_space<semaphore_mem>>, %arg21: memref<!tpu.dma_semaphore, #tpu.memory_space<semaphore_mem>>, %arg22: memref<!tpu.dma_semaphore, #tpu.memory_space<semaphore_mem>>, %arg23: memref<!tpu.dma_semaphore, #tpu.memory_space<semaphore_mem>>, %arg24: memref<!tpu.dma_semaphore, #tpu.memory_space<semaphore_mem>>, %arg25: memref<!tpu.dma_semaphore, #tpu.memory_space<semaphore_mem>>, %arg26: memref<!tpu.dma_semaphore, #tpu.memory_space<semaphore_mem>>) attributes {dimension_semantics = [#tpu.dimension_semantics<core_parallel>, #tpu.dimension_semantics<subcore_parallel>], iteration_bounds = array<i64: 2, 16>, scalar_prefetch = 0 : i64, scratch_operands = 21 : i64, tpu.core_type = #tpu.core_type<sc_vector_subcore>, window_params = [{transform_indices = #map}, {transform_indices = #map1}, {transform_indices = #map}, {transform_indices = #map}]} {
    %mul3A = arith.constant 2 : i32
    %mul3A_0 = arith.muli %arg1, %mul3A : i32
    %add3A = arith.addi %mul3A_0, %arg0 : i32
    %mul3A_1 = arith.constant 10000 : i32
    %mul3A_2 = arith.muli %add3A, %mul3A_1 : i32
    %mul3A_3 = arith.constant 632 : i32
    %mul3A_4 = arith.muli %arg1, %mul3A_3 : i32
    "tpu.region"() ({
      %run_scoped3A = tpu.sem_alloc : memref<!tpu.dma_semaphore, #tpu.memory_space<semaphore_mem>>
      %dma_start3A_50 = arith.constant 0 : i32
      %dma_start3A_51 = tpu.memref_slice %arg14[%mul3A_4, %dma_start3A_50] : memref<10112x128xf32, #tpu.memory_space<vmem_shared>> -> memref<632x128xf32, #tpu.memory_space<vmem_shared>>
      %dma_start3A_52 = arith.constant 0 : i32
      %dma_start3A_53 = tpu.memref_slice %arg4[%mul3A_4, %dma_start3A_52] : memref<10112x128xf32, #tpu.memory_space<hbm>> -> memref<632x128xf32, #tpu.memory_space<hbm>>
      tpu.enqueue_dma source(%dma_start3A_53 : memref<632x128xf32, #tpu.memory_space<hbm>>) target(%dma_start3A_51 : memref<632x128xf32, #tpu.memory_space<vmem_shared>>) target_semaphore(%run_scoped3A : memref<!tpu.dma_semaphore, #tpu.memory_space<semaphore_mem>>)
      %dma_wait3A_54 = arith.constant 0 : i32
      %dma_wait3A_55 = tpu.memref_slice %arg14[%mul3A_4, %dma_wait3A_54] : memref<10112x128xf32, #tpu.memory_space<vmem_shared>> -> memref<632x128xf32, #tpu.memory_space<vmem_shared>>
      %dma_wait3A_56 = arith.constant 0 : i32
      %dma_wait3A_57 = tpu.memref_slice %arg4[%mul3A_4, %dma_wait3A_56] : memref<10112x128xf32, #tpu.memory_space<hbm>> -> memref<632x128xf32, #tpu.memory_space<hbm>>
      tpu.wait_dma2 semaphore(%run_scoped3A : memref<!tpu.dma_semaphore, #tpu.memory_space<semaphore_mem>>) src(%dma_wait3A_57 : memref<632x128xf32, #tpu.memory_space<hbm>>) dst(%dma_wait3A_55 : memref<632x128xf32, #tpu.memory_space<vmem_shared>>)
      tpu.yield
    }) : () -> ()
    %barrier3A = arith.constant 0 : index
    tpu.barrier barrier_id(%barrier3A)
    %add3A_5 = arith.constant 0 : i32
    %add3A_6 = arith.addi %mul3A_2, %add3A_5 : i32
    %dma_start3A = tpu.memref_slice %arg3[%add3A_6] : memref<320000xi32, #tpu.memory_space<hbm>> -> memref<80xi32, #tpu.memory_space<hbm>>
    %dma_start3A_7 = tpu.memref_slice %arg3[%add3A_6] : memref<320000xi32, #tpu.memory_space<hbm>> -> memref<80xi32, #tpu.memory_space<hbm>>
    tpu.enqueue_dma source(%dma_start3A_7 : memref<80xi32, #tpu.memory_space<hbm>>) target(%arg6 : memref<80xi32, #tpu.memory_space<vmem>>) target_semaphore(%arg15 : memref<!tpu.dma_semaphore, #tpu.memory_space<semaphore_mem>>)
    %dma_start3A_8 = arith.constant 0 : i32
    %dma_start3A_9 = tpu.memref_slice %arg2[%add3A_6, %dma_start3A_8] : memref<320000x128xf32, #tpu.memory_space<hbm>> -> memref<80x128xf32, #tpu.memory_space<hbm>>
    %dma_start3A_10 = arith.constant 0 : i32
    %dma_start3A_11 = tpu.memref_slice %arg2[%add3A_6, %dma_start3A_10] : memref<320000x128xf32, #tpu.memory_space<hbm>> -> memref<80x128xf32, #tpu.memory_space<hbm>>
    tpu.enqueue_dma source(%dma_start3A_11 : memref<80x128xf32, #tpu.memory_space<hbm>>) target(%arg10 : memref<80x128xf32, #tpu.memory_space<vmem>>) target_semaphore(%arg19 : memref<!tpu.dma_semaphore, #tpu.memory_space<semaphore_mem>>)
    %add3A_12 = arith.constant 80 : i32
    %add3A_13 = arith.addi %mul3A_2, %add3A_12 : i32
    %dma_start3A_14 = tpu.memref_slice %arg3[%add3A_13] : memref<320000xi32, #tpu.memory_space<hbm>> -> memref<80xi32, #tpu.memory_space<hbm>>
    %dma_start3A_15 = tpu.memref_slice %arg3[%add3A_13] : memref<320000xi32, #tpu.memory_space<hbm>> -> memref<80xi32, #tpu.memory_space<hbm>>
    tpu.enqueue_dma source(%dma_start3A_15 : memref<80xi32, #tpu.memory_space<hbm>>) target(%arg7 : memref<80xi32, #tpu.memory_space<vmem>>) target_semaphore(%arg16 : memref<!tpu.dma_semaphore, #tpu.memory_space<semaphore_mem>>)
    %dma_start3A_16 = arith.constant 0 : i32
    %dma_start3A_17 = tpu.memref_slice %arg2[%add3A_13, %dma_start3A_16] : memref<320000x128xf32, #tpu.memory_space<hbm>> -> memref<80x128xf32, #tpu.memory_space<hbm>>
    %dma_start3A_18 = arith.constant 0 : i32
    %dma_start3A_19 = tpu.memref_slice %arg2[%add3A_13, %dma_start3A_18] : memref<320000x128xf32, #tpu.memory_space<hbm>> -> memref<80x128xf32, #tpu.memory_space<hbm>>
    tpu.enqueue_dma source(%dma_start3A_19 : memref<80x128xf32, #tpu.memory_space<hbm>>) target(%arg11 : memref<80x128xf32, #tpu.memory_space<vmem>>) target_semaphore(%arg20 : memref<!tpu.dma_semaphore, #tpu.memory_space<semaphore_mem>>)
    %scan3A = arith.constant 0 : i32
    %scan3A_20 = arith.constant 0 : i32
    %scan3A_21 = arith.constant 31 : i32
    %scan3A_22 = arith.addi %scan3A_20, %scan3A_21 : i32
    %scan3A_23 = arith.constant 1 : i32
    scf.for %scan3A_50 = %scan3A_20 to %scan3A_22 step %scan3A_23  : i32 {
      %mul3A_51 = arith.constant 4 : i32
      %mul3A_52 = arith.muli %mul3A_51, %scan3A_50 : i32
      %dma_wait3A_53 = arith.constant 0 : i32
      %dma_wait3A_54 = tpu.memref_slice %arg3[%dma_wait3A_53] : memref<320000xi32, #tpu.memory_space<hbm>> -> memref<80xi32, #tpu.memory_space<hbm>>
      %dma_wait3A_55 = arith.constant 0 : i32
      %dma_wait3A_56 = tpu.memref_slice %arg3[%dma_wait3A_55] : memref<320000xi32, #tpu.memory_space<hbm>> -> memref<80xi32, #tpu.memory_space<hbm>>
      tpu.wait_dma2 semaphore(%arg15 : memref<!tpu.dma_semaphore, #tpu.memory_space<semaphore_mem>>) src(%dma_wait3A_56 : memref<80xi32, #tpu.memory_space<hbm>>) dst(%arg6 : memref<80xi32, #tpu.memory_space<vmem>>)
      %dma_wait3A_57 = arith.constant 0 : i32
      %dma_wait3A_58 = arith.constant 0 : i32
      %dma_wait3A_59 = tpu.memref_slice %arg2[%dma_wait3A_57, %dma_wait3A_58] : memref<320000x128xf32, #tpu.memory_space<hbm>> -> memref<80x128xf32, #tpu.memory_space<hbm>>
      %dma_wait3A_60 = arith.constant 0 : i32
      %dma_wait3A_61 = arith.constant 0 : i32
      %dma_wait3A_62 = tpu.memref_slice %arg2[%dma_wait3A_60, %dma_wait3A_61] : memref<320000x128xf32, #tpu.memory_space<hbm>> -> memref<80x128xf32, #tpu.memory_space<hbm>>
      tpu.wait_dma2 semaphore(%arg19 : memref<!tpu.dma_semaphore, #tpu.memory_space<semaphore_mem>>) src(%dma_wait3A_62 : memref<80x128xf32, #tpu.memory_space<hbm>>) dst(%arg10 : memref<80x128xf32, #tpu.memory_space<vmem>>)
      %ge3A = arith.constant 2 : i32
      %ge3A_63 = arith.cmpi sge, %mul3A_52, %ge3A : i32
      %convert_element_type3A = arith.extui %ge3A_63 : i1 to i32
      %cond3A = arith.constant 0 : i32
      %cond3A_64 = arith.cmpi ne, %convert_element_type3A, %cond3A : i32
      scf.if %cond3A_64 {
        %dma_wait3A_155 = arith.constant 0 : i32
        %dma_wait3A_156 = arith.constant 0 : i32
        %dma_wait3A_157 = tpu.memref_slice %arg14[%dma_wait3A_155, %dma_wait3A_156] : memref<10112x128xf32, #tpu.memory_space<vmem_shared>> -> memref<10112x128xf32, #tpu.memory_space<vmem_shared>>
        tpu.wait_indirect_dma semaphore(%arg25 : memref<!tpu.dma_semaphore, #tpu.memory_space<semaphore_mem>>) src(%arg12 : memref<80x128xf32, #tpu.memory_space<vmem>>) dst(%dma_wait3A_157 : memref<10112x128xf32, #tpu.memory_space<vmem_shared>>)
      } else {
      }
      %add3A_65 = arith.constant 2 : i32
      %add3A_66 = arith.addi %mul3A_52, %add3A_65 : i32
      %lt3A = arith.constant 125 : i32
      %lt3A_67 = arith.cmpi slt, %add3A_66, %lt3A : i32
      %convert_element_type3A_68 = arith.extui %lt3A_67 : i1 to i32
      %cond3A_69 = arith.constant 0 : i32
      %cond3A_70 = arith.cmpi ne, %convert_element_type3A_68, %cond3A_69 : i32
      scf.if %cond3A_70 {
        %add3A_155 = arith.constant 2 : i32
        %add3A_156 = arith.addi %mul3A_52, %add3A_155 : i32
        %mul3A_157 = arith.constant 80 : i32
        %mul3A_158 = arith.muli %add3A_156, %mul3A_157 : i32
        %add3A_159 = arith.addi %mul3A_2, %mul3A_158 : i32
        %dma_start3A_160 = tpu.memref_slice %arg3[%add3A_159] : memref<320000xi32, #tpu.memory_space<hbm>> -> memref<80xi32, #tpu.memory_space<hbm>>
        %dma_start3A_161 = tpu.memref_slice %arg3[%add3A_159] : memref<320000xi32, #tpu.memory_space<hbm>> -> memref<80xi32, #tpu.memory_space<hbm>>
        tpu.enqueue_dma source(%dma_start3A_161 : memref<80xi32, #tpu.memory_space<hbm>>) target(%arg8 : memref<80xi32, #tpu.memory_space<vmem>>) target_semaphore(%arg17 : memref<!tpu.dma_semaphore, #tpu.memory_space<semaphore_mem>>)
        %dma_start3A_162 = arith.constant 0 : i32
        %dma_start3A_163 = tpu.memref_slice %arg2[%add3A_159, %dma_start3A_162] : memref<320000x128xf32, #tpu.memory_space<hbm>> -> memref<80x128xf32, #tpu.memory_space<hbm>>
        %dma_start3A_164 = arith.constant 0 : i32
        %dma_start3A_165 = tpu.memref_slice %arg2[%add3A_159, %dma_start3A_164] : memref<320000x128xf32, #tpu.memory_space<hbm>> -> memref<80x128xf32, #tpu.memory_space<hbm>>
        tpu.enqueue_dma source(%dma_start3A_165 : memref<80x128xf32, #tpu.memory_space<hbm>>) target(%arg12 : memref<80x128xf32, #tpu.memory_space<vmem>>) target_semaphore(%arg21 : memref<!tpu.dma_semaphore, #tpu.memory_space<semaphore_mem>>)
      } else {
      }
      %dma_start3A_71 = arith.constant 0 : i32
      %dma_start3A_72 = arith.constant 0 : i32
      %dma_start3A_73 = tpu.memref_slice %arg14[%dma_start3A_71, %dma_start3A_72] : memref<10112x128xf32, #tpu.memory_space<vmem_shared>> -> memref<10112x128xf32, #tpu.memory_space<vmem_shared>>
      tpu.enqueue_indirect_dma source(%arg10 : memref<80x128xf32, #tpu.memory_space<vmem>>) target(%dma_start3A_73 : memref<10112x128xf32, #tpu.memory_space<vmem_shared>>) offsets(%arg6 : memref<80xi32, #tpu.memory_space<vmem>>) semaphore(%arg23 : memref<!tpu.dma_semaphore, #tpu.memory_space<semaphore_mem>>) {add = true}
      %add3A_74 = arith.constant 1 : i32
      %add3A_75 = arith.addi %mul3A_52, %add3A_74 : i32
      %dma_wait3A_76 = arith.constant 0 : i32
      %dma_wait3A_77 = tpu.memref_slice %arg3[%dma_wait3A_76] : memref<320000xi32, #tpu.memory_space<hbm>> -> memref<80xi32, #tpu.memory_space<hbm>>
      %dma_wait3A_78 = arith.constant 0 : i32
      %dma_wait3A_79 = tpu.memref_slice %arg3[%dma_wait3A_78] : memref<320000xi32, #tpu.memory_space<hbm>> -> memref<80xi32, #tpu.memory_space<hbm>>
      tpu.wait_dma2 semaphore(%arg16 : memref<!tpu.dma_semaphore, #tpu.memory_space<semaphore_mem>>) src(%dma_wait3A_79 : memref<80xi32, #tpu.memory_space<hbm>>) dst(%arg7 : memref<80xi32, #tpu.memory_space<vmem>>)
      %dma_wait3A_80 = arith.constant 0 : i32
      %dma_wait3A_81 = arith.constant 0 : i32
      %dma_wait3A_82 = tpu.memref_slice %arg2[%dma_wait3A_80, %dma_wait3A_81] : memref<320000x128xf32, #tpu.memory_space<hbm>> -> memref<80x128xf32, #tpu.memory_space<hbm>>
      %dma_wait3A_83 = arith.constant 0 : i32
      %dma_wait3A_84 = arith.constant 0 : i32
      %dma_wait3A_85 = tpu.memref_slice %arg2[%dma_wait3A_83, %dma_wait3A_84] : memref<320000x128xf32, #tpu.memory_space<hbm>> -> memref<80x128xf32, #tpu.memory_space<hbm>>
      tpu.wait_dma2 semaphore(%arg20 : memref<!tpu.dma_semaphore, #tpu.memory_space<semaphore_mem>>) src(%dma_wait3A_85 : memref<80x128xf32, #tpu.memory_space<hbm>>) dst(%arg11 : memref<80x128xf32, #tpu.memory_space<vmem>>)
      %ge3A_86 = arith.constant 2 : i32
      %ge3A_87 = arith.cmpi sge, %add3A_75, %ge3A_86 : i32
      %convert_element_type3A_88 = arith.extui %ge3A_87 : i1 to i32
      %cond3A_89 = arith.constant 0 : i32
      %cond3A_90 = arith.cmpi ne, %convert_element_type3A_88, %cond3A_89 : i32
      scf.if %cond3A_90 {
        %dma_wait3A_155 = arith.constant 0 : i32
        %dma_wait3A_156 = arith.constant 0 : i32
        %dma_wait3A_157 = tpu.memref_slice %arg14[%dma_wait3A_155, %dma_wait3A_156] : memref<10112x128xf32, #tpu.memory_space<vmem_shared>> -> memref<10112x128xf32, #tpu.memory_space<vmem_shared>>
        tpu.wait_indirect_dma semaphore(%arg26 : memref<!tpu.dma_semaphore, #tpu.memory_space<semaphore_mem>>) src(%arg13 : memref<80x128xf32, #tpu.memory_space<vmem>>) dst(%dma_wait3A_157 : memref<10112x128xf32, #tpu.memory_space<vmem_shared>>)
      } else {
      }
      %add3A_91 = arith.constant 2 : i32
      %add3A_92 = arith.addi %add3A_75, %add3A_91 : i32
      %lt3A_93 = arith.constant 125 : i32
      %lt3A_94 = arith.cmpi slt, %add3A_92, %lt3A_93 : i32
      %convert_element_type3A_95 = arith.extui %lt3A_94 : i1 to i32
      %cond3A_96 = arith.constant 0 : i32
      %cond3A_97 = arith.cmpi ne, %convert_element_type3A_95, %cond3A_96 : i32
      scf.if %cond3A_97 {
        %add3A_155 = arith.constant 2 : i32
        %add3A_156 = arith.addi %add3A_75, %add3A_155 : i32
        %mul3A_157 = arith.constant 80 : i32
        %mul3A_158 = arith.muli %add3A_156, %mul3A_157 : i32
        %add3A_159 = arith.addi %mul3A_2, %mul3A_158 : i32
        %dma_start3A_160 = tpu.memref_slice %arg3[%add3A_159] : memref<320000xi32, #tpu.memory_space<hbm>> -> memref<80xi32, #tpu.memory_space<hbm>>
        %dma_start3A_161 = tpu.memref_slice %arg3[%add3A_159] : memref<320000xi32, #tpu.memory_space<hbm>> -> memref<80xi32, #tpu.memory_space<hbm>>
        tpu.enqueue_dma source(%dma_start3A_161 : memref<80xi32, #tpu.memory_space<hbm>>) target(%arg9 : memref<80xi32, #tpu.memory_space<vmem>>) target_semaphore(%arg18 : memref<!tpu.dma_semaphore, #tpu.memory_space<semaphore_mem>>)
        %dma_start3A_162 = arith.constant 0 : i32
        %dma_start3A_163 = tpu.memref_slice %arg2[%add3A_159, %dma_start3A_162] : memref<320000x128xf32, #tpu.memory_space<hbm>> -> memref<80x128xf32, #tpu.memory_space<hbm>>
        %dma_start3A_164 = arith.constant 0 : i32
        %dma_start3A_165 = tpu.memref_slice %arg2[%add3A_159, %dma_start3A_164] : memref<320000x128xf32, #tpu.memory_space<hbm>> -> memref<80x128xf32, #tpu.memory_space<hbm>>
        tpu.enqueue_dma source(%dma_start3A_165 : memref<80x128xf32, #tpu.memory_space<hbm>>) target(%arg13 : memref<80x128xf32, #tpu.memory_space<vmem>>) target_semaphore(%arg22 : memref<!tpu.dma_semaphore, #tpu.memory_space<semaphore_mem>>)
      } else {
      }
      %dma_start3A_98 = arith.constant 0 : i32
      %dma_start3A_99 = arith.constant 0 : i32
      %dma_start3A_100 = tpu.memref_slice %arg14[%dma_start3A_98, %dma_start3A_99] : memref<10112x128xf32, #tpu.memory_space<vmem_shared>> -> memref<10112x128xf32, #tpu.memory_space<vmem_shared>>
      tpu.enqueue_indirect_dma source(%arg11 : memref<80x128xf32, #tpu.memory_space<vmem>>) target(%dma_start3A_100 : memref<10112x128xf32, #tpu.memory_space<vmem_shared>>) offsets(%arg7 : memref<80xi32, #tpu.memory_space<vmem>>) semaphore(%arg24 : memref<!tpu.dma_semaphore, #tpu.memory_space<semaphore_mem>>) {add = true}
      %add3A_101 = arith.constant 2 : i32
      %add3A_102 = arith.addi %mul3A_52, %add3A_101 : i32
      %dma_wait3A_103 = arith.constant 0 : i32
      %dma_wait3A_104 = tpu.memref_slice %arg3[%dma_wait3A_103] : memref<320000xi32, #tpu.memory_space<hbm>> -> memref<80xi32, #tpu.memory_space<hbm>>
      %dma_wait3A_105 = arith.constant 0 : i32
      %dma_wait3A_106 = tpu.memref_slice %arg3[%dma_wait3A_105] : memref<320000xi32, #tpu.memory_space<hbm>> -> memref<80xi32, #tpu.memory_space<hbm>>
      tpu.wait_dma2 semaphore(%arg17 : memref<!tpu.dma_semaphore, #tpu.memory_space<semaphore_mem>>) src(%dma_wait3A_106 : memref<80xi32, #tpu.memory_space<hbm>>) dst(%arg8 : memref<80xi32, #tpu.memory_space<vmem>>)
      %dma_wait3A_107 = arith.constant 0 : i32
      %dma_wait3A_108 = arith.constant 0 : i32
      %dma_wait3A_109 = tpu.memref_slice %arg2[%dma_wait3A_107, %dma_wait3A_108] : memref<320000x128xf32, #tpu.memory_space<hbm>> -> memref<80x128xf32, #tpu.memory_space<hbm>>
      %dma_wait3A_110 = arith.constant 0 : i32
      %dma_wait3A_111 = arith.constant 0 : i32
      %dma_wait3A_112 = tpu.memref_slice %arg2[%dma_wait3A_110, %dma_wait3A_111] : memref<320000x128xf32, #tpu.memory_space<hbm>> -> memref<80x128xf32, #tpu.memory_space<hbm>>
      tpu.wait_dma2 semaphore(%arg21 : memref<!tpu.dma_semaphore, #tpu.memory_space<semaphore_mem>>) src(%dma_wait3A_112 : memref<80x128xf32, #tpu.memory_space<hbm>>) dst(%arg12 : memref<80x128xf32, #tpu.memory_space<vmem>>)
      %ge3A_113 = arith.constant 2 : i32
      %ge3A_114 = arith.cmpi sge, %add3A_102, %ge3A_113 : i32
      %convert_element_type3A_115 = arith.extui %ge3A_114 : i1 to i32
      %cond3A_116 = arith.constant 0 : i32
      %cond3A_117 = arith.cmpi ne, %convert_element_type3A_115, %cond3A_116 : i32
      scf.if %cond3A_117 {
        %dma_wait3A_155 = arith.constant 0 : i32
        %dma_wait3A_156 = arith.constant 0 : i32
        %dma_wait3A_157 = tpu.memref_slice %arg14[%dma_wait3A_155, %dma_wait3A_156] : memref<10112x128xf32, #tpu.memory_space<vmem_shared>> -> memref<10112x128xf32, #tpu.memory_space<vmem_shared>>
        tpu.wait_indirect_dma semaphore(%arg23 : memref<!tpu.dma_semaphore, #tpu.memory_space<semaphore_mem>>) src(%arg10 : memref<80x128xf32, #tpu.memory_space<vmem>>) dst(%dma_wait3A_157 : memref<10112x128xf32, #tpu.memory_space<vmem_shared>>)
      } else {
      }
      %add3A_118 = arith.constant 2 : i32
      %add3A_119 = arith.addi %add3A_102, %add3A_118 : i32
      %lt3A_120 = arith.constant 125 : i32
      %lt3A_121 = arith.cmpi slt, %add3A_119, %lt3A_120 : i32
      %convert_element_type3A_122 = arith.extui %lt3A_121 : i1 to i32
      %cond3A_123 = arith.constant 0 : i32
      %cond3A_124 = arith.cmpi ne, %convert_element_type3A_122, %cond3A_123 : i32
      scf.if %cond3A_124 {
        %add3A_155 = arith.constant 2 : i32
        %add3A_156 = arith.addi %add3A_102, %add3A_155 : i32
        %mul3A_157 = arith.constant 80 : i32
        %mul3A_158 = arith.muli %add3A_156, %mul3A_157 : i32
        %add3A_159 = arith.addi %mul3A_2, %mul3A_158 : i32
        %dma_start3A_160 = tpu.memref_slice %arg3[%add3A_159] : memref<320000xi32, #tpu.memory_space<hbm>> -> memref<80xi32, #tpu.memory_space<hbm>>
        %dma_start3A_161 = tpu.memref_slice %arg3[%add3A_159] : memref<320000xi32, #tpu.memory_space<hbm>> -> memref<80xi32, #tpu.memory_space<hbm>>
        tpu.enqueue_dma source(%dma_start3A_161 : memref<80xi32, #tpu.memory_space<hbm>>) target(%arg6 : memref<80xi32, #tpu.memory_space<vmem>>) target_semaphore(%arg15 : memref<!tpu.dma_semaphore, #tpu.memory_space<semaphore_mem>>)
        %dma_start3A_162 = arith.constant 0 : i32
        %dma_start3A_163 = tpu.memref_slice %arg2[%add3A_159, %dma_start3A_162] : memref<320000x128xf32, #tpu.memory_space<hbm>> -> memref<80x128xf32, #tpu.memory_space<hbm>>
        %dma_start3A_164 = arith.constant 0 : i32
        %dma_start3A_165 = tpu.memref_slice %arg2[%add3A_159, %dma_start3A_164] : memref<320000x128xf32, #tpu.memory_space<hbm>> -> memref<80x128xf32, #tpu.memory_space<hbm>>
        tpu.enqueue_dma source(%dma_start3A_165 : memref<80x128xf32, #tpu.memory_space<hbm>>) target(%arg10 : memref<80x128xf32, #tpu.memory_space<vmem>>) target_semaphore(%arg19 : memref<!tpu.dma_semaphore, #tpu.memory_space<semaphore_mem>>)
      } else {
      }
      %dma_start3A_125 = arith.constant 0 : i32
      %dma_start3A_126 = arith.constant 0 : i32
      %dma_start3A_127 = tpu.memref_slice %arg14[%dma_start3A_125, %dma_start3A_126] : memref<10112x128xf32, #tpu.memory_space<vmem_shared>> -> memref<10112x128xf32, #tpu.memory_space<vmem_shared>>
      tpu.enqueue_indirect_dma source(%arg12 : memref<80x128xf32, #tpu.memory_space<vmem>>) target(%dma_start3A_127 : memref<10112x128xf32, #tpu.memory_space<vmem_shared>>) offsets(%arg8 : memref<80xi32, #tpu.memory_space<vmem>>) semaphore(%arg25 : memref<!tpu.dma_semaphore, #tpu.memory_space<semaphore_mem>>) {add = true}
      %add3A_128 = arith.constant 3 : i32
      %add3A_129 = arith.addi %mul3A_52, %add3A_128 : i32
      %dma_wait3A_130 = arith.constant 0 : i32
      %dma_wait3A_131 = tpu.memref_slice %arg3[%dma_wait3A_130] : memref<320000xi32, #tpu.memory_space<hbm>> -> memref<80xi32, #tpu.memory_space<hbm>>
      %dma_wait3A_132 = arith.constant 0 : i32
      %dma_wait3A_133 = tpu.memref_slice %arg3[%dma_wait3A_132] : memref<320000xi32, #tpu.memory_space<hbm>> -> memref<80xi32, #tpu.memory_space<hbm>>
      tpu.wait_dma2 semaphore(%arg18 : memref<!tpu.dma_semaphore, #tpu.memory_space<semaphore_mem>>) src(%dma_wait3A_133 : memref<80xi32, #tpu.memory_space<hbm>>) dst(%arg9 : memref<80xi32, #tpu.memory_space<vmem>>)
      %dma_wait3A_134 = arith.constant 0 : i32
      %dma_wait3A_135 = arith.constant 0 : i32
      %dma_wait3A_136 = tpu.memref_slice %arg2[%dma_wait3A_134, %dma_wait3A_135] : memref<320000x128xf32, #tpu.memory_space<hbm>> -> memref<80x128xf32, #tpu.memory_space<hbm>>
      %dma_wait3A_137 = arith.constant 0 : i32
      %dma_wait3A_138 = arith.constant 0 : i32
      %dma_wait3A_139 = tpu.memref_slice %arg2[%dma_wait3A_137, %dma_wait3A_138] : memref<320000x128xf32, #tpu.memory_space<hbm>> -> memref<80x128xf32, #tpu.memory_space<hbm>>
      tpu.wait_dma2 semaphore(%arg22 : memref<!tpu.dma_semaphore, #tpu.memory_space<semaphore_mem>>) src(%dma_wait3A_139 : memref<80x128xf32, #tpu.memory_space<hbm>>) dst(%arg13 : memref<80x128xf32, #tpu.memory_space<vmem>>)
      %ge3A_140 = arith.constant 2 : i32
      %ge3A_141 = arith.cmpi sge, %add3A_129, %ge3A_140 : i32
      %convert_element_type3A_142 = arith.extui %ge3A_141 : i1 to i32
      %cond3A_143 = arith.constant 0 : i32
      %cond3A_144 = arith.cmpi ne, %convert_element_type3A_142, %cond3A_143 : i32
      scf.if %cond3A_144 {
        %dma_wait3A_155 = arith.constant 0 : i32
        %dma_wait3A_156 = arith.constant 0 : i32
        %dma_wait3A_157 = tpu.memref_slice %arg14[%dma_wait3A_155, %dma_wait3A_156] : memref<10112x128xf32, #tpu.memory_space<vmem_shared>> -> memref<10112x128xf32, #tpu.memory_space<vmem_shared>>
        tpu.wait_indirect_dma semaphore(%arg24 : memref<!tpu.dma_semaphore, #tpu.memory_space<semaphore_mem>>) src(%arg11 : memref<80x128xf32, #tpu.memory_space<vmem>>) dst(%dma_wait3A_157 : memref<10112x128xf32, #tpu.memory_space<vmem_shared>>)
      } else {
      }
      %add3A_145 = arith.constant 2 : i32
      %add3A_146 = arith.addi %add3A_129, %add3A_145 : i32
      %lt3A_147 = arith.constant 125 : i32
      %lt3A_148 = arith.cmpi slt, %add3A_146, %lt3A_147 : i32
      %convert_element_type3A_149 = arith.extui %lt3A_148 : i1 to i32
      %cond3A_150 = arith.constant 0 : i32
      %cond3A_151 = arith.cmpi ne, %convert_element_type3A_149, %cond3A_150 : i32
      scf.if %cond3A_151 {
        %add3A_155 = arith.constant 2 : i32
        %add3A_156 = arith.addi %add3A_129, %add3A_155 : i32
        %mul3A_157 = arith.constant 80 : i32
        %mul3A_158 = arith.muli %add3A_156, %mul3A_157 : i32
        %add3A_159 = arith.addi %mul3A_2, %mul3A_158 : i32
        %dma_start3A_160 = tpu.memref_slice %arg3[%add3A_159] : memref<320000xi32, #tpu.memory_space<hbm>> -> memref<80xi32, #tpu.memory_space<hbm>>
        %dma_start3A_161 = tpu.memref_slice %arg3[%add3A_159] : memref<320000xi32, #tpu.memory_space<hbm>> -> memref<80xi32, #tpu.memory_space<hbm>>
        tpu.enqueue_dma source(%dma_start3A_161 : memref<80xi32, #tpu.memory_space<hbm>>) target(%arg7 : memref<80xi32, #tpu.memory_space<vmem>>) target_semaphore(%arg16 : memref<!tpu.dma_semaphore, #tpu.memory_space<semaphore_mem>>)
        %dma_start3A_162 = arith.constant 0 : i32
        %dma_start3A_163 = tpu.memref_slice %arg2[%add3A_159, %dma_start3A_162] : memref<320000x128xf32, #tpu.memory_space<hbm>> -> memref<80x128xf32, #tpu.memory_space<hbm>>
        %dma_start3A_164 = arith.constant 0 : i32
        %dma_start3A_165 = tpu.memref_slice %arg2[%add3A_159, %dma_start3A_164] : memref<320000x128xf32, #tpu.memory_space<hbm>> -> memref<80x128xf32, #tpu.memory_space<hbm>>
        tpu.enqueue_dma source(%dma_start3A_165 : memref<80x128xf32, #tpu.memory_space<hbm>>) target(%arg11 : memref<80x128xf32, #tpu.memory_space<vmem>>) target_semaphore(%arg20 : memref<!tpu.dma_semaphore, #tpu.memory_space<semaphore_mem>>)
      } else {
      }
      %dma_start3A_152 = arith.constant 0 : i32
      %dma_start3A_153 = arith.constant 0 : i32
      %dma_start3A_154 = tpu.memref_slice %arg14[%dma_start3A_152, %dma_start3A_153] : memref<10112x128xf32, #tpu.memory_space<vmem_shared>> -> memref<10112x128xf32, #tpu.memory_space<vmem_shared>>
      tpu.enqueue_indirect_dma source(%arg13 : memref<80x128xf32, #tpu.memory_space<vmem>>) target(%dma_start3A_154 : memref<10112x128xf32, #tpu.memory_space<vmem_shared>>) offsets(%arg9 : memref<80xi32, #tpu.memory_space<vmem>>) semaphore(%arg26 : memref<!tpu.dma_semaphore, #tpu.memory_space<semaphore_mem>>) {add = true}
    }
    %scan3A_24 = arith.constant 31 : i32
    %dma_wait3A = arith.constant 0 : i32
    %dma_wait3A_25 = tpu.memref_slice %arg3[%dma_wait3A] : memref<320000xi32, #tpu.memory_space<hbm>> -> memref<80xi32, #tpu.memory_space<hbm>>
    %dma_wait3A_26 = arith.constant 0 : i32
    %dma_wait3A_27 = tpu.memref_slice %arg3[%dma_wait3A_26] : memref<320000xi32, #tpu.memory_space<hbm>> -> memref<80xi32, #tpu.memory_space<hbm>>
    tpu.wait_dma2 semaphore(%arg15 : memref<!tpu.dma_semaphore, #tpu.memory_space<semaphore_mem>>) src(%dma_wait3A_27 : memref<80xi32, #tpu.memory_space<hbm>>) dst(%arg6 : memref<80xi32, #tpu.memory_space<vmem>>)
    %dma_wait3A_28 = arith.constant 0 : i32
    %dma_wait3A_29 = arith.constant 0 : i32
    %dma_wait3A_30 = tpu.memref_slice %arg2[%dma_wait3A_28, %dma_wait3A_29] : memref<320000x128xf32, #tpu.memory_space<hbm>> -> memref<80x128xf32, #tpu.memory_space<hbm>>
    %dma_wait3A_31 = arith.constant 0 : i32
    %dma_wait3A_32 = arith.constant 0 : i32
    %dma_wait3A_33 = tpu.memref_slice %arg2[%dma_wait3A_31, %dma_wait3A_32] : memref<320000x128xf32, #tpu.memory_space<hbm>> -> memref<80x128xf32, #tpu.memory_space<hbm>>
    tpu.wait_dma2 semaphore(%arg19 : memref<!tpu.dma_semaphore, #tpu.memory_space<semaphore_mem>>) src(%dma_wait3A_33 : memref<80x128xf32, #tpu.memory_space<hbm>>) dst(%arg10 : memref<80x128xf32, #tpu.memory_space<vmem>>)
    %dma_wait3A_34 = arith.constant 0 : i32
    %dma_wait3A_35 = arith.constant 0 : i32
    %dma_wait3A_36 = tpu.memref_slice %arg14[%dma_wait3A_34, %dma_wait3A_35] : memref<10112x128xf32, #tpu.memory_space<vmem_shared>> -> memref<10112x128xf32, #tpu.memory_space<vmem_shared>>
    tpu.wait_indirect_dma semaphore(%arg25 : memref<!tpu.dma_semaphore, #tpu.memory_space<semaphore_mem>>) src(%arg12 : memref<80x128xf32, #tpu.memory_space<vmem>>) dst(%dma_wait3A_36 : memref<10112x128xf32, #tpu.memory_space<vmem_shared>>)
    %dma_start3A_37 = arith.constant 0 : i32
    %dma_start3A_38 = arith.constant 0 : i32
    %dma_start3A_39 = tpu.memref_slice %arg14[%dma_start3A_37, %dma_start3A_38] : memref<10112x128xf32, #tpu.memory_space<vmem_shared>> -> memref<10112x128xf32, #tpu.memory_space<vmem_shared>>
    tpu.enqueue_indirect_dma source(%arg10 : memref<80x128xf32, #tpu.memory_space<vmem>>) target(%dma_start3A_39 : memref<10112x128xf32, #tpu.memory_space<vmem_shared>>) offsets(%arg6 : memref<80xi32, #tpu.memory_space<vmem>>) semaphore(%arg23 : memref<!tpu.dma_semaphore, #tpu.memory_space<semaphore_mem>>) {add = true}
    %dma_wait3A_40 = arith.constant 0 : i32
    %dma_wait3A_41 = arith.constant 0 : i32
    %dma_wait3A_42 = tpu.memref_slice %arg14[%dma_wait3A_40, %dma_wait3A_41] : memref<10112x128xf32, #tpu.memory_space<vmem_shared>> -> memref<10112x128xf32, #tpu.memory_space<vmem_shared>>
    tpu.wait_indirect_dma semaphore(%arg26 : memref<!tpu.dma_semaphore, #tpu.memory_space<semaphore_mem>>) src(%arg13 : memref<80x128xf32, #tpu.memory_space<vmem>>) dst(%dma_wait3A_42 : memref<10112x128xf32, #tpu.memory_space<vmem_shared>>)
    %dma_wait3A_43 = arith.constant 0 : i32
    %dma_wait3A_44 = arith.constant 0 : i32
    %dma_wait3A_45 = tpu.memref_slice %arg14[%dma_wait3A_43, %dma_wait3A_44] : memref<10112x128xf32, #tpu.memory_space<vmem_shared>> -> memref<10112x128xf32, #tpu.memory_space<vmem_shared>>
    tpu.wait_indirect_dma semaphore(%arg23 : memref<!tpu.dma_semaphore, #tpu.memory_space<semaphore_mem>>) src(%arg10 : memref<80x128xf32, #tpu.memory_space<vmem>>) dst(%dma_wait3A_45 : memref<10112x128xf32, #tpu.memory_space<vmem_shared>>)
    %barrier3A_46 = arith.constant 0 : index
    tpu.barrier barrier_id(%barrier3A_46)
    %mul3A_47 = arith.constant 10112 : i32
    %mul3A_48 = arith.muli %arg0, %mul3A_47 : i32
    %add3A_49 = arith.addi %mul3A_48, %mul3A_4 : i32
    "tpu.region"() ({
      %run_scoped3A = tpu.sem_alloc : memref<!tpu.dma_semaphore, #tpu.memory_space<semaphore_mem>>
      %dma_start3A_50 = arith.constant 0 : i32
      %dma_start3A_51 = tpu.memref_slice %arg5[%add3A_49, %dma_start3A_50] : memref<20224x128xf32, #tpu.memory_space<hbm>> -> memref<632x128xf32, #tpu.memory_space<hbm>>
      %dma_start3A_52 = arith.constant 0 : i32
      %dma_start3A_53 = tpu.memref_slice %arg14[%mul3A_4, %dma_start3A_52] : memref<10112x128xf32, #tpu.memory_space<vmem_shared>> -> memref<632x128xf32, #tpu.memory_space<vmem_shared>>
      tpu.enqueue_dma source(%dma_start3A_53 : memref<632x128xf32, #tpu.memory_space<vmem_shared>>) target(%dma_start3A_51 : memref<632x128xf32, #tpu.memory_space<hbm>>) target_semaphore(%run_scoped3A : memref<!tpu.dma_semaphore, #tpu.memory_space<semaphore_mem>>)
      %dma_wait3A_54 = arith.constant 0 : i32
      %dma_wait3A_55 = tpu.memref_slice %arg5[%add3A_49, %dma_wait3A_54] : memref<20224x128xf32, #tpu.memory_space<hbm>> -> memref<632x128xf32, #tpu.memory_space<hbm>>
      %dma_wait3A_56 = arith.constant 0 : i32
      %dma_wait3A_57 = tpu.memref_slice %arg14[%mul3A_4, %dma_wait3A_56] : memref<10112x128xf32, #tpu.memory_space<vmem_shared>> -> memref<632x128xf32, #tpu.memory_space<vmem_shared>>
      tpu.wait_dma2 semaphore(%run_scoped3A : memref<!tpu.dma_semaphore, #tpu.memory_space<semaphore_mem>>) src(%dma_wait3A_57 : memref<632x128xf32, #tpu.memory_space<vmem_shared>>) dst(%dma_wait3A_55 : memref<632x128xf32, #tpu.memory_space<hbm>>)
      tpu.yield
    }) : () -> ()
    return
  }
}

#map = affine_map<(d0, d1) -> (0)>
#map1 = affine_map<(d0, d1) -> (0, 0)>
module attributes {stable_mosaic.version = 14 : i64} {
  func.func @k(%arg0: i32, %arg1: i32, %arg2: memref<320000xi32, #tpu.memory_space<hbm>>, %arg3: memref<320000xi32, #tpu.memory_space<hbm>>, %arg4: memref<10000x128xf32, #tpu.memory_space<hbm>>, %arg5: memref<10000x128xf32, #tpu.memory_space<hbm>>, %arg6: memref<320000x128xf32, #tpu.memory_space<hbm>>, %arg7: memref<80xi32, #tpu.memory_space<vmem>>, %arg8: memref<80xi32, #tpu.memory_space<vmem>>, %arg9: memref<80xi32, #tpu.memory_space<vmem>>, %arg10: memref<80xi32, #tpu.memory_space<vmem>>, %arg11: memref<80xi32, #tpu.memory_space<vmem>>, %arg12: memref<80xi32, #tpu.memory_space<vmem>>, %arg13: memref<80xi32, #tpu.memory_space<vmem>>, %arg14: memref<80xi32, #tpu.memory_space<vmem>>, %arg15: memref<80x128xf32, #tpu.memory_space<vmem>>, %arg16: memref<80x128xf32, #tpu.memory_space<vmem>>, %arg17: memref<80x128xf32, #tpu.memory_space<vmem>>, %arg18: memref<80x128xf32, #tpu.memory_space<vmem>>, %arg19: memref<80x128xf32, #tpu.memory_space<vmem>>, %arg20: memref<80x128xf32, #tpu.memory_space<vmem>>, %arg21: memref<80x128xf32, #tpu.memory_space<vmem>>, %arg22: memref<80x128xf32, #tpu.memory_space<vmem>>, %arg23: memref<!tpu.dma_semaphore, #tpu.memory_space<semaphore_mem>>, %arg24: memref<!tpu.dma_semaphore, #tpu.memory_space<semaphore_mem>>, %arg25: memref<!tpu.dma_semaphore, #tpu.memory_space<semaphore_mem>>, %arg26: memref<!tpu.dma_semaphore, #tpu.memory_space<semaphore_mem>>, %arg27: memref<!tpu.dma_semaphore, #tpu.memory_space<semaphore_mem>>, %arg28: memref<!tpu.dma_semaphore, #tpu.memory_space<semaphore_mem>>, %arg29: memref<!tpu.dma_semaphore, #tpu.memory_space<semaphore_mem>>, %arg30: memref<!tpu.dma_semaphore, #tpu.memory_space<semaphore_mem>>, %arg31: memref<!tpu.dma_semaphore, #tpu.memory_space<semaphore_mem>>, %arg32: memref<!tpu.dma_semaphore, #tpu.memory_space<semaphore_mem>>, %arg33: memref<!tpu.dma_semaphore, #tpu.memory_space<semaphore_mem>>, %arg34: memref<!tpu.dma_semaphore, #tpu.memory_space<semaphore_mem>>) attributes {dimension_semantics = [#tpu.dimension_semantics<core_parallel>, #tpu.dimension_semantics<subcore_parallel>], iteration_bounds = array<i64: 2, 16>, scalar_prefetch = 0 : i64, scratch_operands = 28 : i64, tpu.core_type = #tpu.core_type<sc_vector_subcore>, window_params = [{transform_indices = #map}, {transform_indices = #map}, {transform_indices = #map1}, {transform_indices = #map1}, {transform_indices = #map1}]} {
    %mul3A = arith.constant 2 : i32
    %mul3A_0 = arith.muli %arg1, %mul3A : i32
    %add3A = arith.addi %mul3A_0, %arg0 : i32
    %mul3A_1 = arith.constant 10000 : i32
    %mul3A_2 = arith.muli %add3A, %mul3A_1 : i32
    %add3A_3 = arith.constant 0 : i32
    %add3A_4 = arith.addi %mul3A_2, %add3A_3 : i32
    "tpu.region"() ({
      %run_scoped3A = tpu.sem_alloc : memref<!tpu.dma_semaphore, #tpu.memory_space<semaphore_mem>>
      %dma_start3A_58 = tpu.memref_slice %arg2[%add3A_4] : memref<320000xi32, #tpu.memory_space<hbm>> -> memref<80xi32, #tpu.memory_space<hbm>>
      %dma_start3A_59 = tpu.memref_slice %arg2[%add3A_4] : memref<320000xi32, #tpu.memory_space<hbm>> -> memref<80xi32, #tpu.memory_space<hbm>>
      tpu.enqueue_dma source(%dma_start3A_59 : memref<80xi32, #tpu.memory_space<hbm>>) target(%arg7 : memref<80xi32, #tpu.memory_space<vmem>>) target_semaphore(%run_scoped3A : memref<!tpu.dma_semaphore, #tpu.memory_space<semaphore_mem>>)
      %dma_wait3A_60 = tpu.memref_slice %arg2[%add3A_4] : memref<320000xi32, #tpu.memory_space<hbm>> -> memref<80xi32, #tpu.memory_space<hbm>>
      %dma_wait3A_61 = tpu.memref_slice %arg2[%add3A_4] : memref<320000xi32, #tpu.memory_space<hbm>> -> memref<80xi32, #tpu.memory_space<hbm>>
      tpu.wait_dma2 semaphore(%run_scoped3A : memref<!tpu.dma_semaphore, #tpu.memory_space<semaphore_mem>>) src(%dma_wait3A_61 : memref<80xi32, #tpu.memory_space<hbm>>) dst(%arg7 : memref<80xi32, #tpu.memory_space<vmem>>)
      tpu.yield
    }) : () -> ()
    "tpu.region"() ({
      %run_scoped3A = tpu.sem_alloc : memref<!tpu.dma_semaphore, #tpu.memory_space<semaphore_mem>>
      %dma_start3A_58 = tpu.memref_slice %arg3[%add3A_4] : memref<320000xi32, #tpu.memory_space<hbm>> -> memref<80xi32, #tpu.memory_space<hbm>>
      %dma_start3A_59 = tpu.memref_slice %arg3[%add3A_4] : memref<320000xi32, #tpu.memory_space<hbm>> -> memref<80xi32, #tpu.memory_space<hbm>>
      tpu.enqueue_dma source(%dma_start3A_59 : memref<80xi32, #tpu.memory_space<hbm>>) target(%arg11 : memref<80xi32, #tpu.memory_space<vmem>>) target_semaphore(%run_scoped3A : memref<!tpu.dma_semaphore, #tpu.memory_space<semaphore_mem>>)
      %dma_wait3A_60 = tpu.memref_slice %arg3[%add3A_4] : memref<320000xi32, #tpu.memory_space<hbm>> -> memref<80xi32, #tpu.memory_space<hbm>>
      %dma_wait3A_61 = tpu.memref_slice %arg3[%add3A_4] : memref<320000xi32, #tpu.memory_space<hbm>> -> memref<80xi32, #tpu.memory_space<hbm>>
      tpu.wait_dma2 semaphore(%run_scoped3A : memref<!tpu.dma_semaphore, #tpu.memory_space<semaphore_mem>>) src(%dma_wait3A_61 : memref<80xi32, #tpu.memory_space<hbm>>) dst(%arg11 : memref<80xi32, #tpu.memory_space<vmem>>)
      tpu.yield
    }) : () -> ()
    %dma_start3A = arith.constant 0 : i32
    %dma_start3A_5 = arith.constant 0 : i32
    %dma_start3A_6 = tpu.memref_slice %arg4[%dma_start3A, %dma_start3A_5] : memref<10000x128xf32, #tpu.memory_space<hbm>> -> memref<10000x128xf32, #tpu.memory_space<hbm>>
    tpu.enqueue_indirect_dma source(%dma_start3A_6 : memref<10000x128xf32, #tpu.memory_space<hbm>>) target(%arg15 : memref<80x128xf32, #tpu.memory_space<vmem>>) offsets(%arg7 : memref<80xi32, #tpu.memory_space<vmem>>) semaphore(%arg23 : memref<!tpu.dma_semaphore, #tpu.memory_space<semaphore_mem>>)
    %dma_start3A_7 = arith.constant 0 : i32
    %dma_start3A_8 = arith.constant 0 : i32
    %dma_start3A_9 = tpu.memref_slice %arg5[%dma_start3A_7, %dma_start3A_8] : memref<10000x128xf32, #tpu.memory_space<hbm>> -> memref<10000x128xf32, #tpu.memory_space<hbm>>
    tpu.enqueue_indirect_dma source(%dma_start3A_9 : memref<10000x128xf32, #tpu.memory_space<hbm>>) target(%arg19 : memref<80x128xf32, #tpu.memory_space<vmem>>) offsets(%arg11 : memref<80xi32, #tpu.memory_space<vmem>>) semaphore(%arg27 : memref<!tpu.dma_semaphore, #tpu.memory_space<semaphore_mem>>)
    %add3A_10 = arith.constant 80 : i32
    %add3A_11 = arith.addi %mul3A_2, %add3A_10 : i32
    "tpu.region"() ({
      %run_scoped3A = tpu.sem_alloc : memref<!tpu.dma_semaphore, #tpu.memory_space<semaphore_mem>>
      %dma_start3A_58 = tpu.memref_slice %arg2[%add3A_11] : memref<320000xi32, #tpu.memory_space<hbm>> -> memref<80xi32, #tpu.memory_space<hbm>>
      %dma_start3A_59 = tpu.memref_slice %arg2[%add3A_11] : memref<320000xi32, #tpu.memory_space<hbm>> -> memref<80xi32, #tpu.memory_space<hbm>>
      tpu.enqueue_dma source(%dma_start3A_59 : memref<80xi32, #tpu.memory_space<hbm>>) target(%arg8 : memref<80xi32, #tpu.memory_space<vmem>>) target_semaphore(%run_scoped3A : memref<!tpu.dma_semaphore, #tpu.memory_space<semaphore_mem>>)
      %dma_wait3A_60 = tpu.memref_slice %arg2[%add3A_11] : memref<320000xi32, #tpu.memory_space<hbm>> -> memref<80xi32, #tpu.memory_space<hbm>>
      %dma_wait3A_61 = tpu.memref_slice %arg2[%add3A_11] : memref<320000xi32, #tpu.memory_space<hbm>> -> memref<80xi32, #tpu.memory_space<hbm>>
      tpu.wait_dma2 semaphore(%run_scoped3A : memref<!tpu.dma_semaphore, #tpu.memory_space<semaphore_mem>>) src(%dma_wait3A_61 : memref<80xi32, #tpu.memory_space<hbm>>) dst(%arg8 : memref<80xi32, #tpu.memory_space<vmem>>)
      tpu.yield
    }) : () -> ()
    "tpu.region"() ({
      %run_scoped3A = tpu.sem_alloc : memref<!tpu.dma_semaphore, #tpu.memory_space<semaphore_mem>>
      %dma_start3A_58 = tpu.memref_slice %arg3[%add3A_11] : memref<320000xi32, #tpu.memory_space<hbm>> -> memref<80xi32, #tpu.memory_space<hbm>>
      %dma_start3A_59 = tpu.memref_slice %arg3[%add3A_11] : memref<320000xi32, #tpu.memory_space<hbm>> -> memref<80xi32, #tpu.memory_space<hbm>>
      tpu.enqueue_dma source(%dma_start3A_59 : memref<80xi32, #tpu.memory_space<hbm>>) target(%arg12 : memref<80xi32, #tpu.memory_space<vmem>>) target_semaphore(%run_scoped3A : memref<!tpu.dma_semaphore, #tpu.memory_space<semaphore_mem>>)
      %dma_wait3A_60 = tpu.memref_slice %arg3[%add3A_11] : memref<320000xi32, #tpu.memory_space<hbm>> -> memref<80xi32, #tpu.memory_space<hbm>>
      %dma_wait3A_61 = tpu.memref_slice %arg3[%add3A_11] : memref<320000xi32, #tpu.memory_space<hbm>> -> memref<80xi32, #tpu.memory_space<hbm>>
      tpu.wait_dma2 semaphore(%run_scoped3A : memref<!tpu.dma_semaphore, #tpu.memory_space<semaphore_mem>>) src(%dma_wait3A_61 : memref<80xi32, #tpu.memory_space<hbm>>) dst(%arg12 : memref<80xi32, #tpu.memory_space<vmem>>)
      tpu.yield
    }) : () -> ()
    %dma_start3A_12 = arith.constant 0 : i32
    %dma_start3A_13 = arith.constant 0 : i32
    %dma_start3A_14 = tpu.memref_slice %arg4[%dma_start3A_12, %dma_start3A_13] : memref<10000x128xf32, #tpu.memory_space<hbm>> -> memref<10000x128xf32, #tpu.memory_space<hbm>>
    tpu.enqueue_indirect_dma source(%dma_start3A_14 : memref<10000x128xf32, #tpu.memory_space<hbm>>) target(%arg16 : memref<80x128xf32, #tpu.memory_space<vmem>>) offsets(%arg8 : memref<80xi32, #tpu.memory_space<vmem>>) semaphore(%arg24 : memref<!tpu.dma_semaphore, #tpu.memory_space<semaphore_mem>>)
    %dma_start3A_15 = arith.constant 0 : i32
    %dma_start3A_16 = arith.constant 0 : i32
    %dma_start3A_17 = tpu.memref_slice %arg5[%dma_start3A_15, %dma_start3A_16] : memref<10000x128xf32, #tpu.memory_space<hbm>> -> memref<10000x128xf32, #tpu.memory_space<hbm>>
    tpu.enqueue_indirect_dma source(%dma_start3A_17 : memref<10000x128xf32, #tpu.memory_space<hbm>>) target(%arg20 : memref<80x128xf32, #tpu.memory_space<vmem>>) offsets(%arg12 : memref<80xi32, #tpu.memory_space<vmem>>) semaphore(%arg28 : memref<!tpu.dma_semaphore, #tpu.memory_space<semaphore_mem>>)
    %scan3A = arith.constant 0 : i32
    %scan3A_18 = arith.constant 0 : i32
    %scan3A_19 = arith.constant 31 : i32
    %scan3A_20 = arith.addi %scan3A_18, %scan3A_19 : i32
    %scan3A_21 = arith.constant 1 : i32
    scf.for %scan3A_58 = %scan3A_18 to %scan3A_20 step %scan3A_21  : i32 {
      %mul3A_59 = arith.constant 4 : i32
      %mul3A_60 = arith.muli %mul3A_59, %scan3A_58 : i32
      %dma_wait3A_61 = arith.constant 0 : i32
      %dma_wait3A_62 = arith.constant 0 : i32
      %dma_wait3A_63 = tpu.memref_slice %arg4[%dma_wait3A_61, %dma_wait3A_62] : memref<10000x128xf32, #tpu.memory_space<hbm>> -> memref<10000x128xf32, #tpu.memory_space<hbm>>
      tpu.wait_indirect_dma semaphore(%arg23 : memref<!tpu.dma_semaphore, #tpu.memory_space<semaphore_mem>>) src(%dma_wait3A_63 : memref<10000x128xf32, #tpu.memory_space<hbm>>) dst(%arg15 : memref<80x128xf32, #tpu.memory_space<vmem>>)
      %dma_wait3A_64 = arith.constant 0 : i32
      %dma_wait3A_65 = arith.constant 0 : i32
      %dma_wait3A_66 = tpu.memref_slice %arg5[%dma_wait3A_64, %dma_wait3A_65] : memref<10000x128xf32, #tpu.memory_space<hbm>> -> memref<10000x128xf32, #tpu.memory_space<hbm>>
      tpu.wait_indirect_dma semaphore(%arg27 : memref<!tpu.dma_semaphore, #tpu.memory_space<semaphore_mem>>) src(%dma_wait3A_66 : memref<10000x128xf32, #tpu.memory_space<hbm>>) dst(%arg19 : memref<80x128xf32, #tpu.memory_space<vmem>>)
      %scan3A_67 = arith.constant 0 : i32
      %scan3A_68 = arith.constant 0 : i32
      %scan3A_69 = arith.constant 80 : i32
      %scan3A_70 = arith.addi %scan3A_68, %scan3A_69 : i32
      %scan3A_71 = arith.constant 1 : i32
      scf.for %scan3A_187 = %scan3A_68 to %scan3A_70 step %scan3A_71  : i32 {
        %get3A = arith.index_cast %scan3A_187 : i32 to index
        %get3A_188 = arith.constant 0 : index
        %get3A_189 = tpu.vector_load %arg15[%get3A, %get3A_188] {strides = array<i32>} : memref<80x128xf32, #tpu.memory_space<vmem>>, vector<1x16xf32>,
        %get3A_190 = vector.shape_cast %get3A_189 : vector<1x16xf32> to vector<16xf32>
        %get3A_191 = arith.index_cast %scan3A_187 : i32 to index
        %get3A_192 = arith.constant 0 : index
        %get3A_193 = tpu.vector_load %arg19[%get3A_191, %get3A_192] {strides = array<i32>} : memref<80x128xf32, #tpu.memory_space<vmem>>, vector<1x16xf32>,
        %get3A_194 = vector.shape_cast %get3A_193 : vector<1x16xf32> to vector<16xf32>
        %add3A_195 = arith.addf %get3A_190, %get3A_194 : vector<16xf32>
        %swap3A = arith.index_cast %scan3A_187 : i32 to index
        %swap3A_196 = arith.constant 0 : index
        %swap3A_197 = tpu.vector_load %arg15[%swap3A, %swap3A_196] {strides = array<i32>} : memref<80x128xf32, #tpu.memory_space<vmem>>, vector<1x16xf32>,
        %swap3A_198 = vector.shape_cast %swap3A_197 : vector<1x16xf32> to vector<16xf32>
        %swap3A_199 = vector.shape_cast %add3A_195 : vector<16xf32> to vector<1x16xf32>
        tpu.vector_store %arg15[%swap3A, %swap3A_196], %swap3A_199 {strides = array<i32>} : memref<80x128xf32, #tpu.memory_space<vmem>>, vector<1x16xf32>,
        %get3A_200 = arith.index_cast %scan3A_187 : i32 to index
        %get3A_201 = arith.constant 16 : index
        %get3A_202 = tpu.vector_load %arg15[%get3A_200, %get3A_201] {strides = array<i32>} : memref<80x128xf32, #tpu.memory_space<vmem>>, vector<1x16xf32>,
        %get3A_203 = vector.shape_cast %get3A_202 : vector<1x16xf32> to vector<16xf32>
        %get3A_204 = arith.index_cast %scan3A_187 : i32 to index
        %get3A_205 = arith.constant 16 : index
        %get3A_206 = tpu.vector_load %arg19[%get3A_204, %get3A_205] {strides = array<i32>} : memref<80x128xf32, #tpu.memory_space<vmem>>, vector<1x16xf32>,
        %get3A_207 = vector.shape_cast %get3A_206 : vector<1x16xf32> to vector<16xf32>
        %add3A_208 = arith.addf %get3A_203, %get3A_207 : vector<16xf32>
        %swap3A_209 = arith.index_cast %scan3A_187 : i32 to index
        %swap3A_210 = arith.constant 16 : index
        %swap3A_211 = tpu.vector_load %arg15[%swap3A_209, %swap3A_210] {strides = array<i32>} : memref<80x128xf32, #tpu.memory_space<vmem>>, vector<1x16xf32>,
        %swap3A_212 = vector.shape_cast %swap3A_211 : vector<1x16xf32> to vector<16xf32>
        %swap3A_213 = vector.shape_cast %add3A_208 : vector<16xf32> to vector<1x16xf32>
        tpu.vector_store %arg15[%swap3A_209, %swap3A_210], %swap3A_213 {strides = array<i32>} : memref<80x128xf32, #tpu.memory_space<vmem>>, vector<1x16xf32>,
        %get3A_214 = arith.index_cast %scan3A_187 : i32 to index
        %get3A_215 = arith.constant 32 : index
        %get3A_216 = tpu.vector_load %arg15[%get3A_214, %get3A_215] {strides = array<i32>} : memref<80x128xf32, #tpu.memory_space<vmem>>, vector<1x16xf32>,
        %get3A_217 = vector.shape_cast %get3A_216 : vector<1x16xf32> to vector<16xf32>
        %get3A_218 = arith.index_cast %scan3A_187 : i32 to index
        %get3A_219 = arith.constant 32 : index
        %get3A_220 = tpu.vector_load %arg19[%get3A_218, %get3A_219] {strides = array<i32>} : memref<80x128xf32, #tpu.memory_space<vmem>>, vector<1x16xf32>,
        %get3A_221 = vector.shape_cast %get3A_220 : vector<1x16xf32> to vector<16xf32>
        %add3A_222 = arith.addf %get3A_217, %get3A_221 : vector<16xf32>
        %swap3A_223 = arith.index_cast %scan3A_187 : i32 to index
        %swap3A_224 = arith.constant 32 : index
        %swap3A_225 = tpu.vector_load %arg15[%swap3A_223, %swap3A_224] {strides = array<i32>} : memref<80x128xf32, #tpu.memory_space<vmem>>, vector<1x16xf32>,
        %swap3A_226 = vector.shape_cast %swap3A_225 : vector<1x16xf32> to vector<16xf32>
        %swap3A_227 = vector.shape_cast %add3A_222 : vector<16xf32> to vector<1x16xf32>
        tpu.vector_store %arg15[%swap3A_223, %swap3A_224], %swap3A_227 {strides = array<i32>} : memref<80x128xf32, #tpu.memory_space<vmem>>, vector<1x16xf32>,
        %get3A_228 = arith.index_cast %scan3A_187 : i32 to index
        %get3A_229 = arith.constant 48 : index
        %get3A_230 = tpu.vector_load %arg15[%get3A_228, %get3A_229] {strides = array<i32>} : memref<80x128xf32, #tpu.memory_space<vmem>>, vector<1x16xf32>,
        %get3A_231 = vector.shape_cast %get3A_230 : vector<1x16xf32> to vector<16xf32>
        %get3A_232 = arith.index_cast %scan3A_187 : i32 to index
        %get3A_233 = arith.constant 48 : index
        %get3A_234 = tpu.vector_load %arg19[%get3A_232, %get3A_233] {strides = array<i32>} : memref<80x128xf32, #tpu.memory_space<vmem>>, vector<1x16xf32>,
        %get3A_235 = vector.shape_cast %get3A_234 : vector<1x16xf32> to vector<16xf32>
        %add3A_236 = arith.addf %get3A_231, %get3A_235 : vector<16xf32>
        %swap3A_237 = arith.index_cast %scan3A_187 : i32 to index
        %swap3A_238 = arith.constant 48 : index
        %swap3A_239 = tpu.vector_load %arg15[%swap3A_237, %swap3A_238] {strides = array<i32>} : memref<80x128xf32, #tpu.memory_space<vmem>>, vector<1x16xf32>,
        %swap3A_240 = vector.shape_cast %swap3A_239 : vector<1x16xf32> to vector<16xf32>
        %swap3A_241 = vector.shape_cast %add3A_236 : vector<16xf32> to vector<1x16xf32>
        tpu.vector_store %arg15[%swap3A_237, %swap3A_238], %swap3A_241 {strides = array<i32>} : memref<80x128xf32, #tpu.memory_space<vmem>>, vector<1x16xf32>,
        %get3A_242 = arith.index_cast %scan3A_187 : i32 to index
        %get3A_243 = arith.constant 64 : index
        %get3A_244 = tpu.vector_load %arg15[%get3A_242, %get3A_243] {strides = array<i32>} : memref<80x128xf32, #tpu.memory_space<vmem>>, vector<1x16xf32>,
        %get3A_245 = vector.shape_cast %get3A_244 : vector<1x16xf32> to vector<16xf32>
        %get3A_246 = arith.index_cast %scan3A_187 : i32 to index
        %get3A_247 = arith.constant 64 : index
        %get3A_248 = tpu.vector_load %arg19[%get3A_246, %get3A_247] {strides = array<i32>} : memref<80x128xf32, #tpu.memory_space<vmem>>, vector<1x16xf32>,
        %get3A_249 = vector.shape_cast %get3A_248 : vector<1x16xf32> to vector<16xf32>
        %add3A_250 = arith.addf %get3A_245, %get3A_249 : vector<16xf32>
        %swap3A_251 = arith.index_cast %scan3A_187 : i32 to index
        %swap3A_252 = arith.constant 64 : index
        %swap3A_253 = tpu.vector_load %arg15[%swap3A_251, %swap3A_252] {strides = array<i32>} : memref<80x128xf32, #tpu.memory_space<vmem>>, vector<1x16xf32>,
        %swap3A_254 = vector.shape_cast %swap3A_253 : vector<1x16xf32> to vector<16xf32>
        %swap3A_255 = vector.shape_cast %add3A_250 : vector<16xf32> to vector<1x16xf32>
        tpu.vector_store %arg15[%swap3A_251, %swap3A_252], %swap3A_255 {strides = array<i32>} : memref<80x128xf32, #tpu.memory_space<vmem>>, vector<1x16xf32>,
        %get3A_256 = arith.index_cast %scan3A_187 : i32 to index
        %get3A_257 = arith.constant 80 : index
        %get3A_258 = tpu.vector_load %arg15[%get3A_256, %get3A_257] {strides = array<i32>} : memref<80x128xf32, #tpu.memory_space<vmem>>, vector<1x16xf32>,
        %get3A_259 = vector.shape_cast %get3A_258 : vector<1x16xf32> to vector<16xf32>
        %get3A_260 = arith.index_cast %scan3A_187 : i32 to index
        %get3A_261 = arith.constant 80 : index
        %get3A_262 = tpu.vector_load %arg19[%get3A_260, %get3A_261] {strides = array<i32>} : memref<80x128xf32, #tpu.memory_space<vmem>>, vector<1x16xf32>,
        %get3A_263 = vector.shape_cast %get3A_262 : vector<1x16xf32> to vector<16xf32>
        %add3A_264 = arith.addf %get3A_259, %get3A_263 : vector<16xf32>
        %swap3A_265 = arith.index_cast %scan3A_187 : i32 to index
        %swap3A_266 = arith.constant 80 : index
        %swap3A_267 = tpu.vector_load %arg15[%swap3A_265, %swap3A_266] {strides = array<i32>} : memref<80x128xf32, #tpu.memory_space<vmem>>, vector<1x16xf32>,
        %swap3A_268 = vector.shape_cast %swap3A_267 : vector<1x16xf32> to vector<16xf32>
        %swap3A_269 = vector.shape_cast %add3A_264 : vector<16xf32> to vector<1x16xf32>
        tpu.vector_store %arg15[%swap3A_265, %swap3A_266], %swap3A_269 {strides = array<i32>} : memref<80x128xf32, #tpu.memory_space<vmem>>, vector<1x16xf32>,
        %get3A_270 = arith.index_cast %scan3A_187 : i32 to index
        %get3A_271 = arith.constant 96 : index
        %get3A_272 = tpu.vector_load %arg15[%get3A_270, %get3A_271] {strides = array<i32>} : memref<80x128xf32, #tpu.memory_space<vmem>>, vector<1x16xf32>,
        %get3A_273 = vector.shape_cast %get3A_272 : vector<1x16xf32> to vector<16xf32>
        %get3A_274 = arith.index_cast %scan3A_187 : i32 to index
        %get3A_275 = arith.constant 96 : index
        %get3A_276 = tpu.vector_load %arg19[%get3A_274, %get3A_275] {strides = array<i32>} : memref<80x128xf32, #tpu.memory_space<vmem>>, vector<1x16xf32>,
        %get3A_277 = vector.shape_cast %get3A_276 : vector<1x16xf32> to vector<16xf32>
        %add3A_278 = arith.addf %get3A_273, %get3A_277 : vector<16xf32>
        %swap3A_279 = arith.index_cast %scan3A_187 : i32 to index
        %swap3A_280 = arith.constant 96 : index
        %swap3A_281 = tpu.vector_load %arg15[%swap3A_279, %swap3A_280] {strides = array<i32>} : memref<80x128xf32, #tpu.memory_space<vmem>>, vector<1x16xf32>,
        %swap3A_282 = vector.shape_cast %swap3A_281 : vector<1x16xf32> to vector<16xf32>
        %swap3A_283 = vector.shape_cast %add3A_278 : vector<16xf32> to vector<1x16xf32>
        tpu.vector_store %arg15[%swap3A_279, %swap3A_280], %swap3A_283 {strides = array<i32>} : memref<80x128xf32, #tpu.memory_space<vmem>>, vector<1x16xf32>,
        %get3A_284 = arith.index_cast %scan3A_187 : i32 to index
        %get3A_285 = arith.constant 112 : index
        %get3A_286 = tpu.vector_load %arg15[%get3A_284, %get3A_285] {strides = array<i32>} : memref<80x128xf32, #tpu.memory_space<vmem>>, vector<1x16xf32>,
        %get3A_287 = vector.shape_cast %get3A_286 : vector<1x16xf32> to vector<16xf32>
        %get3A_288 = arith.index_cast %scan3A_187 : i32 to index
        %get3A_289 = arith.constant 112 : index
        %get3A_290 = tpu.vector_load %arg19[%get3A_288, %get3A_289] {strides = array<i32>} : memref<80x128xf32, #tpu.memory_space<vmem>>, vector<1x16xf32>,
        %get3A_291 = vector.shape_cast %get3A_290 : vector<1x16xf32> to vector<16xf32>
        %add3A_292 = arith.addf %get3A_287, %get3A_291 : vector<16xf32>
        %swap3A_293 = arith.index_cast %scan3A_187 : i32 to index
        %swap3A_294 = arith.constant 112 : index
        %swap3A_295 = tpu.vector_load %arg15[%swap3A_293, %swap3A_294] {strides = array<i32>} : memref<80x128xf32, #tpu.memory_space<vmem>>, vector<1x16xf32>,
        %swap3A_296 = vector.shape_cast %swap3A_295 : vector<1x16xf32> to vector<16xf32>
        %swap3A_297 = vector.shape_cast %add3A_292 : vector<16xf32> to vector<1x16xf32>
        tpu.vector_store %arg15[%swap3A_293, %swap3A_294], %swap3A_297 {strides = array<i32>} : memref<80x128xf32, #tpu.memory_space<vmem>>, vector<1x16xf32>,
      }
      %scan3A_72 = arith.constant 80 : i32
      %mul3A_73 = arith.constant 80 : i32
      %mul3A_74 = arith.muli %mul3A_60, %mul3A_73 : i32
      %add3A_75 = arith.addi %mul3A_2, %mul3A_74 : i32
      %dma_start3A_76 = arith.constant 0 : i32
      %dma_start3A_77 = tpu.memref_slice %arg6[%add3A_75, %dma_start3A_76] : memref<320000x128xf32, #tpu.memory_space<hbm>> -> memref<80x128xf32, #tpu.memory_space<hbm>>
      %dma_start3A_78 = arith.constant 0 : i32
      %dma_start3A_79 = tpu.memref_slice %arg6[%add3A_75, %dma_start3A_78] : memref<320000x128xf32, #tpu.memory_space<hbm>> -> memref<80x128xf32, #tpu.memory_space<hbm>>
      tpu.enqueue_dma source(%arg15 : memref<80x128xf32, #tpu.memory_space<vmem>>) target(%dma_start3A_79 : memref<80x128xf32, #tpu.memory_space<hbm>>) target_semaphore(%arg31 : memref<!tpu.dma_semaphore, #tpu.memory_space<semaphore_mem>>)
      %ge3A = arith.constant 2 : i32
      %ge3A_80 = arith.cmpi sge, %mul3A_60, %ge3A : i32
      %convert_element_type3A = arith.extui %ge3A_80 : i1 to i32
      %cond3A = arith.constant 0 : i32
      %cond3A_81 = arith.cmpi ne, %convert_element_type3A, %cond3A : i32
      scf.if %cond3A_81 {
        %sub3A = arith.constant 2 : i32
        %sub3A_187 = arith.subi %mul3A_60, %sub3A : i32
        %mul3A_188 = arith.constant 80 : i32
        %mul3A_189 = arith.muli %sub3A_187, %mul3A_188 : i32
        %add3A_190 = arith.addi %mul3A_2, %mul3A_189 : i32
        %dma_wait3A_191 = arith.constant 0 : i32
        %dma_wait3A_192 = tpu.memref_slice %arg6[%add3A_190, %dma_wait3A_191] : memref<320000x128xf32, #tpu.memory_space<hbm>> -> memref<80x128xf32, #tpu.memory_space<hbm>>
        %dma_wait3A_193 = arith.constant 0 : i32
        %dma_wait3A_194 = tpu.memref_slice %arg6[%add3A_190, %dma_wait3A_193] : memref<320000x128xf32, #tpu.memory_space<hbm>> -> memref<80x128xf32, #tpu.memory_space<hbm>>
        tpu.wait_dma2 semaphore(%arg33 : memref<!tpu.dma_semaphore, #tpu.memory_space<semaphore_mem>>) src(%arg17 : memref<80x128xf32, #tpu.memory_space<vmem>>) dst(%dma_wait3A_194 : memref<80x128xf32, #tpu.memory_space<hbm>>)
      } else {
      }
      %add3A_82 = arith.constant 2 : i32
      %add3A_83 = arith.addi %mul3A_60, %add3A_82 : i32
      %lt3A = arith.constant 125 : i32
      %lt3A_84 = arith.cmpi slt, %add3A_83, %lt3A : i32
      %convert_element_type3A_85 = arith.extui %lt3A_84 : i1 to i32
      %cond3A_86 = arith.constant 0 : i32
      %cond3A_87 = arith.cmpi ne, %convert_element_type3A_85, %cond3A_86 : i32
      scf.if %cond3A_87 {
        %add3A_187 = arith.constant 2 : i32
        %add3A_188 = arith.addi %mul3A_60, %add3A_187 : i32
        %mul3A_189 = arith.constant 80 : i32
        %mul3A_190 = arith.muli %add3A_188, %mul3A_189 : i32
        %add3A_191 = arith.addi %mul3A_2, %mul3A_190 : i32
        "tpu.region"() ({
          %run_scoped3A = tpu.sem_alloc : memref<!tpu.dma_semaphore, #tpu.memory_space<semaphore_mem>>
          %dma_start3A_198 = tpu.memref_slice %arg2[%add3A_191] : memref<320000xi32, #tpu.memory_space<hbm>> -> memref<80xi32, #tpu.memory_space<hbm>>
          %dma_start3A_199 = tpu.memref_slice %arg2[%add3A_191] : memref<320000xi32, #tpu.memory_space<hbm>> -> memref<80xi32, #tpu.memory_space<hbm>>
          tpu.enqueue_dma source(%dma_start3A_199 : memref<80xi32, #tpu.memory_space<hbm>>) target(%arg9 : memref<80xi32, #tpu.memory_space<vmem>>) target_semaphore(%run_scoped3A : memref<!tpu.dma_semaphore, #tpu.memory_space<semaphore_mem>>)
          %dma_wait3A_200 = tpu.memref_slice %arg2[%add3A_191] : memref<320000xi32, #tpu.memory_space<hbm>> -> memref<80xi32, #tpu.memory_space<hbm>>
          %dma_wait3A_201 = tpu.memref_slice %arg2[%add3A_191] : memref<320000xi32, #tpu.memory_space<hbm>> -> memref<80xi32, #tpu.memory_space<hbm>>
          tpu.wait_dma2 semaphore(%run_scoped3A : memref<!tpu.dma_semaphore, #tpu.memory_space<semaphore_mem>>) src(%dma_wait3A_201 : memref<80xi32, #tpu.memory_space<hbm>>) dst(%arg9 : memref<80xi32, #tpu.memory_space<vmem>>)
          tpu.yield
        }) : () -> ()
        "tpu.region"() ({
          %run_scoped3A = tpu.sem_alloc : memref<!tpu.dma_semaphore, #tpu.memory_space<semaphore_mem>>
          %dma_start3A_198 = tpu.memref_slice %arg3[%add3A_191] : memref<320000xi32, #tpu.memory_space<hbm>> -> memref<80xi32, #tpu.memory_space<hbm>>
          %dma_start3A_199 = tpu.memref_slice %arg3[%add3A_191] : memref<320000xi32, #tpu.memory_space<hbm>> -> memref<80xi32, #tpu.memory_space<hbm>>
          tpu.enqueue_dma source(%dma_start3A_199 : memref<80xi32, #tpu.memory_space<hbm>>) target(%arg13 : memref<80xi32, #tpu.memory_space<vmem>>) target_semaphore(%run_scoped3A : memref<!tpu.dma_semaphore, #tpu.memory_space<semaphore_mem>>)
          %dma_wait3A_200 = tpu.memref_slice %arg3[%add3A_191] : memref<320000xi32, #tpu.memory_space<hbm>> -> memref<80xi32, #tpu.memory_space<hbm>>
          %dma_wait3A_201 = tpu.memref_slice %arg3[%add3A_191] : memref<320000xi32, #tpu.memory_space<hbm>> -> memref<80xi32, #tpu.memory_space<hbm>>
          tpu.wait_dma2 semaphore(%run_scoped3A : memref<!tpu.dma_semaphore, #tpu.memory_space<semaphore_mem>>) src(%dma_wait3A_201 : memref<80xi32, #tpu.memory_space<hbm>>) dst(%arg13 : memref<80xi32, #tpu.memory_space<vmem>>)
          tpu.yield
        }) : () -> ()
        %dma_start3A_192 = arith.constant 0 : i32
        %dma_start3A_193 = arith.constant 0 : i32
        %dma_start3A_194 = tpu.memref_slice %arg4[%dma_start3A_192, %dma_start3A_193] : memref<10000x128xf32, #tpu.memory_space<hbm>> -> memref<10000x128xf32, #tpu.memory_space<hbm>>
        tpu.enqueue_indirect_dma source(%dma_start3A_194 : memref<10000x128xf32, #tpu.memory_space<hbm>>) target(%arg17 : memref<80x128xf32, #tpu.memory_space<vmem>>) offsets(%arg9 : memref<80xi32, #tpu.memory_space<vmem>>) semaphore(%arg25 : memref<!tpu.dma_semaphore, #tpu.memory_space<semaphore_mem>>)
        %dma_start3A_195 = arith.constant 0 : i32
        %dma_start3A_196 = arith.constant 0 : i32
        %dma_start3A_197 = tpu.memref_slice %arg5[%dma_start3A_195, %dma_start3A_196] : memref<10000x128xf32, #tpu.memory_space<hbm>> -> memref<10000x128xf32, #tpu.memory_space<hbm>>
        tpu.enqueue_indirect_dma source(%dma_start3A_197 : memref<10000x128xf32, #tpu.memory_space<hbm>>) target(%arg21 : memref<80x128xf32, #tpu.memory_space<vmem>>) offsets(%arg13 : memref<80xi32, #tpu.memory_space<vmem>>) semaphore(%arg29 : memref<!tpu.dma_semaphore, #tpu.memory_space<semaphore_mem>>)
      } else {
      }
      %add3A_88 = arith.constant 1 : i32
      %add3A_89 = arith.addi %mul3A_60, %add3A_88 : i32
      %dma_wait3A_90 = arith.constant 0 : i32
      %dma_wait3A_91 = arith.constant 0 : i32
      %dma_wait3A_92 = tpu.memref_slice %arg4[%dma_wait3A_90, %dma_wait3A_91] : memref<10000x128xf32, #tpu.memory_space<hbm>> -> memref<10000x128xf32, #tpu.memory_space<hbm>>
      tpu.wait_indirect_dma semaphore(%arg24 : memref<!tpu.dma_semaphore, #tpu.memory_space<semaphore_mem>>) src(%dma_wait3A_92 : memref<10000x128xf32, #tpu.memory_space<hbm>>) dst(%arg16 : memref<80x128xf32, #tpu.memory_space<vmem>>)
      %dma_wait3A_93 = arith.constant 0 : i32
      %dma_wait3A_94 = arith.constant 0 : i32
      %dma_wait3A_95 = tpu.memref_slice %arg5[%dma_wait3A_93, %dma_wait3A_94] : memref<10000x128xf32, #tpu.memory_space<hbm>> -> memref<10000x128xf32, #tpu.memory_space<hbm>>
      tpu.wait_indirect_dma semaphore(%arg28 : memref<!tpu.dma_semaphore, #tpu.memory_space<semaphore_mem>>) src(%dma_wait3A_95 : memref<10000x128xf32, #tpu.memory_space<hbm>>) dst(%arg20 : memref<80x128xf32, #tpu.memory_space<vmem>>)
      %scan3A_96 = arith.constant 0 : i32
      %scan3A_97 = arith.constant 0 : i32
      %scan3A_98 = arith.constant 80 : i32
      %scan3A_99 = arith.addi %scan3A_97, %scan3A_98 : i32
      %scan3A_100 = arith.constant 1 : i32
      scf.for %scan3A_187 = %scan3A_97 to %scan3A_99 step %scan3A_100  : i32 {
        %get3A = arith.index_cast %scan3A_187 : i32 to index
        %get3A_188 = arith.constant 0 : index
        %get3A_189 = tpu.vector_load %arg16[%get3A, %get3A_188] {strides = array<i32>} : memref<80x128xf32, #tpu.memory_space<vmem>>, vector<1x16xf32>,
        %get3A_190 = vector.shape_cast %get3A_189 : vector<1x16xf32> to vector<16xf32>
        %get3A_191 = arith.index_cast %scan3A_187 : i32 to index
        %get3A_192 = arith.constant 0 : index
        %get3A_193 = tpu.vector_load %arg20[%get3A_191, %get3A_192] {strides = array<i32>} : memref<80x128xf32, #tpu.memory_space<vmem>>, vector<1x16xf32>,
        %get3A_194 = vector.shape_cast %get3A_193 : vector<1x16xf32> to vector<16xf32>
        %add3A_195 = arith.addf %get3A_190, %get3A_194 : vector<16xf32>
        %swap3A = arith.index_cast %scan3A_187 : i32 to index
        %swap3A_196 = arith.constant 0 : index
        %swap3A_197 = tpu.vector_load %arg16[%swap3A, %swap3A_196] {strides = array<i32>} : memref<80x128xf32, #tpu.memory_space<vmem>>, vector<1x16xf32>,
        %swap3A_198 = vector.shape_cast %swap3A_197 : vector<1x16xf32> to vector<16xf32>
        %swap3A_199 = vector.shape_cast %add3A_195 : vector<16xf32> to vector<1x16xf32>
        tpu.vector_store %arg16[%swap3A, %swap3A_196], %swap3A_199 {strides = array<i32>} : memref<80x128xf32, #tpu.memory_space<vmem>>, vector<1x16xf32>,
        %get3A_200 = arith.index_cast %scan3A_187 : i32 to index
        %get3A_201 = arith.constant 16 : index
        %get3A_202 = tpu.vector_load %arg16[%get3A_200, %get3A_201] {strides = array<i32>} : memref<80x128xf32, #tpu.memory_space<vmem>>, vector<1x16xf32>,
        %get3A_203 = vector.shape_cast %get3A_202 : vector<1x16xf32> to vector<16xf32>
        %get3A_204 = arith.index_cast %scan3A_187 : i32 to index
        %get3A_205 = arith.constant 16 : index
        %get3A_206 = tpu.vector_load %arg20[%get3A_204, %get3A_205] {strides = array<i32>} : memref<80x128xf32, #tpu.memory_space<vmem>>, vector<1x16xf32>,
        %get3A_207 = vector.shape_cast %get3A_206 : vector<1x16xf32> to vector<16xf32>
        %add3A_208 = arith.addf %get3A_203, %get3A_207 : vector<16xf32>
        %swap3A_209 = arith.index_cast %scan3A_187 : i32 to index
        %swap3A_210 = arith.constant 16 : index
        %swap3A_211 = tpu.vector_load %arg16[%swap3A_209, %swap3A_210] {strides = array<i32>} : memref<80x128xf32, #tpu.memory_space<vmem>>, vector<1x16xf32>,
        %swap3A_212 = vector.shape_cast %swap3A_211 : vector<1x16xf32> to vector<16xf32>
        %swap3A_213 = vector.shape_cast %add3A_208 : vector<16xf32> to vector<1x16xf32>
        tpu.vector_store %arg16[%swap3A_209, %swap3A_210], %swap3A_213 {strides = array<i32>} : memref<80x128xf32, #tpu.memory_space<vmem>>, vector<1x16xf32>,
        %get3A_214 = arith.index_cast %scan3A_187 : i32 to index
        %get3A_215 = arith.constant 32 : index
        %get3A_216 = tpu.vector_load %arg16[%get3A_214, %get3A_215] {strides = array<i32>} : memref<80x128xf32, #tpu.memory_space<vmem>>, vector<1x16xf32>,
        %get3A_217 = vector.shape_cast %get3A_216 : vector<1x16xf32> to vector<16xf32>
        %get3A_218 = arith.index_cast %scan3A_187 : i32 to index
        %get3A_219 = arith.constant 32 : index
        %get3A_220 = tpu.vector_load %arg20[%get3A_218, %get3A_219] {strides = array<i32>} : memref<80x128xf32, #tpu.memory_space<vmem>>, vector<1x16xf32>,
        %get3A_221 = vector.shape_cast %get3A_220 : vector<1x16xf32> to vector<16xf32>
        %add3A_222 = arith.addf %get3A_217, %get3A_221 : vector<16xf32>
        %swap3A_223 = arith.index_cast %scan3A_187 : i32 to index
        %swap3A_224 = arith.constant 32 : index
        %swap3A_225 = tpu.vector_load %arg16[%swap3A_223, %swap3A_224] {strides = array<i32>} : memref<80x128xf32, #tpu.memory_space<vmem>>, vector<1x16xf32>,
        %swap3A_226 = vector.shape_cast %swap3A_225 : vector<1x16xf32> to vector<16xf32>
        %swap3A_227 = vector.shape_cast %add3A_222 : vector<16xf32> to vector<1x16xf32>
        tpu.vector_store %arg16[%swap3A_223, %swap3A_224], %swap3A_227 {strides = array<i32>} : memref<80x128xf32, #tpu.memory_space<vmem>>, vector<1x16xf32>,
        %get3A_228 = arith.index_cast %scan3A_187 : i32 to index
        %get3A_229 = arith.constant 48 : index
        %get3A_230 = tpu.vector_load %arg16[%get3A_228, %get3A_229] {strides = array<i32>} : memref<80x128xf32, #tpu.memory_space<vmem>>, vector<1x16xf32>,
        %get3A_231 = vector.shape_cast %get3A_230 : vector<1x16xf32> to vector<16xf32>
        %get3A_232 = arith.index_cast %scan3A_187 : i32 to index
        %get3A_233 = arith.constant 48 : index
        %get3A_234 = tpu.vector_load %arg20[%get3A_232, %get3A_233] {strides = array<i32>} : memref<80x128xf32, #tpu.memory_space<vmem>>, vector<1x16xf32>,
        %get3A_235 = vector.shape_cast %get3A_234 : vector<1x16xf32> to vector<16xf32>
        %add3A_236 = arith.addf %get3A_231, %get3A_235 : vector<16xf32>
        %swap3A_237 = arith.index_cast %scan3A_187 : i32 to index
        %swap3A_238 = arith.constant 48 : index
        %swap3A_239 = tpu.vector_load %arg16[%swap3A_237, %swap3A_238] {strides = array<i32>} : memref<80x128xf32, #tpu.memory_space<vmem>>, vector<1x16xf32>,
        %swap3A_240 = vector.shape_cast %swap3A_239 : vector<1x16xf32> to vector<16xf32>
        %swap3A_241 = vector.shape_cast %add3A_236 : vector<16xf32> to vector<1x16xf32>
        tpu.vector_store %arg16[%swap3A_237, %swap3A_238], %swap3A_241 {strides = array<i32>} : memref<80x128xf32, #tpu.memory_space<vmem>>, vector<1x16xf32>,
        %get3A_242 = arith.index_cast %scan3A_187 : i32 to index
        %get3A_243 = arith.constant 64 : index
        %get3A_244 = tpu.vector_load %arg16[%get3A_242, %get3A_243] {strides = array<i32>} : memref<80x128xf32, #tpu.memory_space<vmem>>, vector<1x16xf32>,
        %get3A_245 = vector.shape_cast %get3A_244 : vector<1x16xf32> to vector<16xf32>
        %get3A_246 = arith.index_cast %scan3A_187 : i32 to index
        %get3A_247 = arith.constant 64 : index
        %get3A_248 = tpu.vector_load %arg20[%get3A_246, %get3A_247] {strides = array<i32>} : memref<80x128xf32, #tpu.memory_space<vmem>>, vector<1x16xf32>,
        %get3A_249 = vector.shape_cast %get3A_248 : vector<1x16xf32> to vector<16xf32>
        %add3A_250 = arith.addf %get3A_245, %get3A_249 : vector<16xf32>
        %swap3A_251 = arith.index_cast %scan3A_187 : i32 to index
        %swap3A_252 = arith.constant 64 : index
        %swap3A_253 = tpu.vector_load %arg16[%swap3A_251, %swap3A_252] {strides = array<i32>} : memref<80x128xf32, #tpu.memory_space<vmem>>, vector<1x16xf32>,
        %swap3A_254 = vector.shape_cast %swap3A_253 : vector<1x16xf32> to vector<16xf32>
        %swap3A_255 = vector.shape_cast %add3A_250 : vector<16xf32> to vector<1x16xf32>
        tpu.vector_store %arg16[%swap3A_251, %swap3A_252], %swap3A_255 {strides = array<i32>} : memref<80x128xf32, #tpu.memory_space<vmem>>, vector<1x16xf32>,
        %get3A_256 = arith.index_cast %scan3A_187 : i32 to index
        %get3A_257 = arith.constant 80 : index
        %get3A_258 = tpu.vector_load %arg16[%get3A_256, %get3A_257] {strides = array<i32>} : memref<80x128xf32, #tpu.memory_space<vmem>>, vector<1x16xf32>,
        %get3A_259 = vector.shape_cast %get3A_258 : vector<1x16xf32> to vector<16xf32>
        %get3A_260 = arith.index_cast %scan3A_187 : i32 to index
        %get3A_261 = arith.constant 80 : index
        %get3A_262 = tpu.vector_load %arg20[%get3A_260, %get3A_261] {strides = array<i32>} : memref<80x128xf32, #tpu.memory_space<vmem>>, vector<1x16xf32>,
        %get3A_263 = vector.shape_cast %get3A_262 : vector<1x16xf32> to vector<16xf32>
        %add3A_264 = arith.addf %get3A_259, %get3A_263 : vector<16xf32>
        %swap3A_265 = arith.index_cast %scan3A_187 : i32 to index
        %swap3A_266 = arith.constant 80 : index
        %swap3A_267 = tpu.vector_load %arg16[%swap3A_265, %swap3A_266] {strides = array<i32>} : memref<80x128xf32, #tpu.memory_space<vmem>>, vector<1x16xf32>,
        %swap3A_268 = vector.shape_cast %swap3A_267 : vector<1x16xf32> to vector<16xf32>
        %swap3A_269 = vector.shape_cast %add3A_264 : vector<16xf32> to vector<1x16xf32>
        tpu.vector_store %arg16[%swap3A_265, %swap3A_266], %swap3A_269 {strides = array<i32>} : memref<80x128xf32, #tpu.memory_space<vmem>>, vector<1x16xf32>,
        %get3A_270 = arith.index_cast %scan3A_187 : i32 to index
        %get3A_271 = arith.constant 96 : index
        %get3A_272 = tpu.vector_load %arg16[%get3A_270, %get3A_271] {strides = array<i32>} : memref<80x128xf32, #tpu.memory_space<vmem>>, vector<1x16xf32>,
        %get3A_273 = vector.shape_cast %get3A_272 : vector<1x16xf32> to vector<16xf32>
        %get3A_274 = arith.index_cast %scan3A_187 : i32 to index
        %get3A_275 = arith.constant 96 : index
        %get3A_276 = tpu.vector_load %arg20[%get3A_274, %get3A_275] {strides = array<i32>} : memref<80x128xf32, #tpu.memory_space<vmem>>, vector<1x16xf32>,
        %get3A_277 = vector.shape_cast %get3A_276 : vector<1x16xf32> to vector<16xf32>
        %add3A_278 = arith.addf %get3A_273, %get3A_277 : vector<16xf32>
        %swap3A_279 = arith.index_cast %scan3A_187 : i32 to index
        %swap3A_280 = arith.constant 96 : index
        %swap3A_281 = tpu.vector_load %arg16[%swap3A_279, %swap3A_280] {strides = array<i32>} : memref<80x128xf32, #tpu.memory_space<vmem>>, vector<1x16xf32>,
        %swap3A_282 = vector.shape_cast %swap3A_281 : vector<1x16xf32> to vector<16xf32>
        %swap3A_283 = vector.shape_cast %add3A_278 : vector<16xf32> to vector<1x16xf32>
        tpu.vector_store %arg16[%swap3A_279, %swap3A_280], %swap3A_283 {strides = array<i32>} : memref<80x128xf32, #tpu.memory_space<vmem>>, vector<1x16xf32>,
        %get3A_284 = arith.index_cast %scan3A_187 : i32 to index
        %get3A_285 = arith.constant 112 : index
        %get3A_286 = tpu.vector_load %arg16[%get3A_284, %get3A_285] {strides = array<i32>} : memref<80x128xf32, #tpu.memory_space<vmem>>, vector<1x16xf32>,
        %get3A_287 = vector.shape_cast %get3A_286 : vector<1x16xf32> to vector<16xf32>
        %get3A_288 = arith.index_cast %scan3A_187 : i32 to index
        %get3A_289 = arith.constant 112 : index
        %get3A_290 = tpu.vector_load %arg20[%get3A_288, %get3A_289] {strides = array<i32>} : memref<80x128xf32, #tpu.memory_space<vmem>>, vector<1x16xf32>,
        %get3A_291 = vector.shape_cast %get3A_290 : vector<1x16xf32> to vector<16xf32>
        %add3A_292 = arith.addf %get3A_287, %get3A_291 : vector<16xf32>
        %swap3A_293 = arith.index_cast %scan3A_187 : i32 to index
        %swap3A_294 = arith.constant 112 : index
        %swap3A_295 = tpu.vector_load %arg16[%swap3A_293, %swap3A_294] {strides = array<i32>} : memref<80x128xf32, #tpu.memory_space<vmem>>, vector<1x16xf32>,
        %swap3A_296 = vector.shape_cast %swap3A_295 : vector<1x16xf32> to vector<16xf32>
        %swap3A_297 = vector.shape_cast %add3A_292 : vector<16xf32> to vector<1x16xf32>
        tpu.vector_store %arg16[%swap3A_293, %swap3A_294], %swap3A_297 {strides = array<i32>} : memref<80x128xf32, #tpu.memory_space<vmem>>, vector<1x16xf32>,
      }
      %scan3A_101 = arith.constant 80 : i32
      %mul3A_102 = arith.constant 80 : i32
      %mul3A_103 = arith.muli %add3A_89, %mul3A_102 : i32
      %add3A_104 = arith.addi %mul3A_2, %mul3A_103 : i32
      %dma_start3A_105 = arith.constant 0 : i32
      %dma_start3A_106 = tpu.memref_slice %arg6[%add3A_104, %dma_start3A_105] : memref<320000x128xf32, #tpu.memory_space<hbm>> -> memref<80x128xf32, #tpu.memory_space<hbm>>
      %dma_start3A_107 = arith.constant 0 : i32
      %dma_start3A_108 = tpu.memref_slice %arg6[%add3A_104, %dma_start3A_107] : memref<320000x128xf32, #tpu.memory_space<hbm>> -> memref<80x128xf32, #tpu.memory_space<hbm>>
      tpu.enqueue_dma source(%arg16 : memref<80x128xf32, #tpu.memory_space<vmem>>) target(%dma_start3A_108 : memref<80x128xf32, #tpu.memory_space<hbm>>) target_semaphore(%arg32 : memref<!tpu.dma_semaphore, #tpu.memory_space<semaphore_mem>>)
      %ge3A_109 = arith.constant 2 : i32
      %ge3A_110 = arith.cmpi sge, %add3A_89, %ge3A_109 : i32
      %convert_element_type3A_111 = arith.extui %ge3A_110 : i1 to i32
      %cond3A_112 = arith.constant 0 : i32
      %cond3A_113 = arith.cmpi ne, %convert_element_type3A_111, %cond3A_112 : i32
      scf.if %cond3A_113 {
        %sub3A = arith.constant 2 : i32
        %sub3A_187 = arith.subi %add3A_89, %sub3A : i32
        %mul3A_188 = arith.constant 80 : i32
        %mul3A_189 = arith.muli %sub3A_187, %mul3A_188 : i32
        %add3A_190 = arith.addi %mul3A_2, %mul3A_189 : i32
        %dma_wait3A_191 = arith.constant 0 : i32
        %dma_wait3A_192 = tpu.memref_slice %arg6[%add3A_190, %dma_wait3A_191] : memref<320000x128xf32, #tpu.memory_space<hbm>> -> memref<80x128xf32, #tpu.memory_space<hbm>>
        %dma_wait3A_193 = arith.constant 0 : i32
        %dma_wait3A_194 = tpu.memref_slice %arg6[%add3A_190, %dma_wait3A_193] : memref<320000x128xf32, #tpu.memory_space<hbm>> -> memref<80x128xf32, #tpu.memory_space<hbm>>
        tpu.wait_dma2 semaphore(%arg34 : memref<!tpu.dma_semaphore, #tpu.memory_space<semaphore_mem>>) src(%arg18 : memref<80x128xf32, #tpu.memory_space<vmem>>) dst(%dma_wait3A_194 : memref<80x128xf32, #tpu.memory_space<hbm>>)
      } else {
      }
      %add3A_114 = arith.constant 2 : i32
      %add3A_115 = arith.addi %add3A_89, %add3A_114 : i32
      %lt3A_116 = arith.constant 125 : i32
      %lt3A_117 = arith.cmpi slt, %add3A_115, %lt3A_116 : i32
      %convert_element_type3A_118 = arith.extui %lt3A_117 : i1 to i32
      %cond3A_119 = arith.constant 0 : i32
      %cond3A_120 = arith.cmpi ne, %convert_element_type3A_118, %cond3A_119 : i32
      scf.if %cond3A_120 {
        %add3A_187 = arith.constant 2 : i32
        %add3A_188 = arith.addi %add3A_89, %add3A_187 : i32
        %mul3A_189 = arith.constant 80 : i32
        %mul3A_190 = arith.muli %add3A_188, %mul3A_189 : i32
        %add3A_191 = arith.addi %mul3A_2, %mul3A_190 : i32
        "tpu.region"() ({
          %run_scoped3A = tpu.sem_alloc : memref<!tpu.dma_semaphore, #tpu.memory_space<semaphore_mem>>
          %dma_start3A_198 = tpu.memref_slice %arg2[%add3A_191] : memref<320000xi32, #tpu.memory_space<hbm>> -> memref<80xi32, #tpu.memory_space<hbm>>
          %dma_start3A_199 = tpu.memref_slice %arg2[%add3A_191] : memref<320000xi32, #tpu.memory_space<hbm>> -> memref<80xi32, #tpu.memory_space<hbm>>
          tpu.enqueue_dma source(%dma_start3A_199 : memref<80xi32, #tpu.memory_space<hbm>>) target(%arg10 : memref<80xi32, #tpu.memory_space<vmem>>) target_semaphore(%run_scoped3A : memref<!tpu.dma_semaphore, #tpu.memory_space<semaphore_mem>>)
          %dma_wait3A_200 = tpu.memref_slice %arg2[%add3A_191] : memref<320000xi32, #tpu.memory_space<hbm>> -> memref<80xi32, #tpu.memory_space<hbm>>
          %dma_wait3A_201 = tpu.memref_slice %arg2[%add3A_191] : memref<320000xi32, #tpu.memory_space<hbm>> -> memref<80xi32, #tpu.memory_space<hbm>>
          tpu.wait_dma2 semaphore(%run_scoped3A : memref<!tpu.dma_semaphore, #tpu.memory_space<semaphore_mem>>) src(%dma_wait3A_201 : memref<80xi32, #tpu.memory_space<hbm>>) dst(%arg10 : memref<80xi32, #tpu.memory_space<vmem>>)
          tpu.yield
        }) : () -> ()
        "tpu.region"() ({
          %run_scoped3A = tpu.sem_alloc : memref<!tpu.dma_semaphore, #tpu.memory_space<semaphore_mem>>
          %dma_start3A_198 = tpu.memref_slice %arg3[%add3A_191] : memref<320000xi32, #tpu.memory_space<hbm>> -> memref<80xi32, #tpu.memory_space<hbm>>
          %dma_start3A_199 = tpu.memref_slice %arg3[%add3A_191] : memref<320000xi32, #tpu.memory_space<hbm>> -> memref<80xi32, #tpu.memory_space<hbm>>
          tpu.enqueue_dma source(%dma_start3A_199 : memref<80xi32, #tpu.memory_space<hbm>>) target(%arg14 : memref<80xi32, #tpu.memory_space<vmem>>) target_semaphore(%run_scoped3A : memref<!tpu.dma_semaphore, #tpu.memory_space<semaphore_mem>>)
          %dma_wait3A_200 = tpu.memref_slice %arg3[%add3A_191] : memref<320000xi32, #tpu.memory_space<hbm>> -> memref<80xi32, #tpu.memory_space<hbm>>
          %dma_wait3A_201 = tpu.memref_slice %arg3[%add3A_191] : memref<320000xi32, #tpu.memory_space<hbm>> -> memref<80xi32, #tpu.memory_space<hbm>>
          tpu.wait_dma2 semaphore(%run_scoped3A : memref<!tpu.dma_semaphore, #tpu.memory_space<semaphore_mem>>) src(%dma_wait3A_201 : memref<80xi32, #tpu.memory_space<hbm>>) dst(%arg14 : memref<80xi32, #tpu.memory_space<vmem>>)
          tpu.yield
        }) : () -> ()
        %dma_start3A_192 = arith.constant 0 : i32
        %dma_start3A_193 = arith.constant 0 : i32
        %dma_start3A_194 = tpu.memref_slice %arg4[%dma_start3A_192, %dma_start3A_193] : memref<10000x128xf32, #tpu.memory_space<hbm>> -> memref<10000x128xf32, #tpu.memory_space<hbm>>
        tpu.enqueue_indirect_dma source(%dma_start3A_194 : memref<10000x128xf32, #tpu.memory_space<hbm>>) target(%arg18 : memref<80x128xf32, #tpu.memory_space<vmem>>) offsets(%arg10 : memref<80xi32, #tpu.memory_space<vmem>>) semaphore(%arg26 : memref<!tpu.dma_semaphore, #tpu.memory_space<semaphore_mem>>)
        %dma_start3A_195 = arith.constant 0 : i32
        %dma_start3A_196 = arith.constant 0 : i32
        %dma_start3A_197 = tpu.memref_slice %arg5[%dma_start3A_195, %dma_start3A_196] : memref<10000x128xf32, #tpu.memory_space<hbm>> -> memref<10000x128xf32, #tpu.memory_space<hbm>>
        tpu.enqueue_indirect_dma source(%dma_start3A_197 : memref<10000x128xf32, #tpu.memory_space<hbm>>) target(%arg22 : memref<80x128xf32, #tpu.memory_space<vmem>>) offsets(%arg14 : memref<80xi32, #tpu.memory_space<vmem>>) semaphore(%arg30 : memref<!tpu.dma_semaphore, #tpu.memory_space<semaphore_mem>>)
      } else {
      }
      %add3A_121 = arith.constant 2 : i32
      %add3A_122 = arith.addi %mul3A_60, %add3A_121 : i32
      %dma_wait3A_123 = arith.constant 0 : i32
      %dma_wait3A_124 = arith.constant 0 : i32
      %dma_wait3A_125 = tpu.memref_slice %arg4[%dma_wait3A_123, %dma_wait3A_124] : memref<10000x128xf32, #tpu.memory_space<hbm>> -> memref<10000x128xf32, #tpu.memory_space<hbm>>
      tpu.wait_indirect_dma semaphore(%arg25 : memref<!tpu.dma_semaphore, #tpu.memory_space<semaphore_mem>>) src(%dma_wait3A_125 : memref<10000x128xf32, #tpu.memory_space<hbm>>) dst(%arg17 : memref<80x128xf32, #tpu.memory_space<vmem>>)
      %dma_wait3A_126 = arith.constant 0 : i32
      %dma_wait3A_127 = arith.constant 0 : i32
      %dma_wait3A_128 = tpu.memref_slice %arg5[%dma_wait3A_126, %dma_wait3A_127] : memref<10000x128xf32, #tpu.memory_space<hbm>> -> memref<10000x128xf32, #tpu.memory_space<hbm>>
      tpu.wait_indirect_dma semaphore(%arg29 : memref<!tpu.dma_semaphore, #tpu.memory_space<semaphore_mem>>) src(%dma_wait3A_128 : memref<10000x128xf32, #tpu.memory_space<hbm>>) dst(%arg21 : memref<80x128xf32, #tpu.memory_space<vmem>>)
      %scan3A_129 = arith.constant 0 : i32
      %scan3A_130 = arith.constant 0 : i32
      %scan3A_131 = arith.constant 80 : i32
      %scan3A_132 = arith.addi %scan3A_130, %scan3A_131 : i32
      %scan3A_133 = arith.constant 1 : i32
      scf.for %scan3A_187 = %scan3A_130 to %scan3A_132 step %scan3A_133  : i32 {
        %get3A = arith.index_cast %scan3A_187 : i32 to index
        %get3A_188 = arith.constant 0 : index
        %get3A_189 = tpu.vector_load %arg17[%get3A, %get3A_188] {strides = array<i32>} : memref<80x128xf32, #tpu.memory_space<vmem>>, vector<1x16xf32>,
        %get3A_190 = vector.shape_cast %get3A_189 : vector<1x16xf32> to vector<16xf32>
        %get3A_191 = arith.index_cast %scan3A_187 : i32 to index
        %get3A_192 = arith.constant 0 : index
        %get3A_193 = tpu.vector_load %arg21[%get3A_191, %get3A_192] {strides = array<i32>} : memref<80x128xf32, #tpu.memory_space<vmem>>, vector<1x16xf32>,
        %get3A_194 = vector.shape_cast %get3A_193 : vector<1x16xf32> to vector<16xf32>
        %add3A_195 = arith.addf %get3A_190, %get3A_194 : vector<16xf32>
        %swap3A = arith.index_cast %scan3A_187 : i32 to index
        %swap3A_196 = arith.constant 0 : index
        %swap3A_197 = tpu.vector_load %arg17[%swap3A, %swap3A_196] {strides = array<i32>} : memref<80x128xf32, #tpu.memory_space<vmem>>, vector<1x16xf32>,
        %swap3A_198 = vector.shape_cast %swap3A_197 : vector<1x16xf32> to vector<16xf32>
        %swap3A_199 = vector.shape_cast %add3A_195 : vector<16xf32> to vector<1x16xf32>
        tpu.vector_store %arg17[%swap3A, %swap3A_196], %swap3A_199 {strides = array<i32>} : memref<80x128xf32, #tpu.memory_space<vmem>>, vector<1x16xf32>,
        %get3A_200 = arith.index_cast %scan3A_187 : i32 to index
        %get3A_201 = arith.constant 16 : index
        %get3A_202 = tpu.vector_load %arg17[%get3A_200, %get3A_201] {strides = array<i32>} : memref<80x128xf32, #tpu.memory_space<vmem>>, vector<1x16xf32>,
        %get3A_203 = vector.shape_cast %get3A_202 : vector<1x16xf32> to vector<16xf32>
        %get3A_204 = arith.index_cast %scan3A_187 : i32 to index
        %get3A_205 = arith.constant 16 : index
        %get3A_206 = tpu.vector_load %arg21[%get3A_204, %get3A_205] {strides = array<i32>} : memref<80x128xf32, #tpu.memory_space<vmem>>, vector<1x16xf32>,
        %get3A_207 = vector.shape_cast %get3A_206 : vector<1x16xf32> to vector<16xf32>
        %add3A_208 = arith.addf %get3A_203, %get3A_207 : vector<16xf32>
        %swap3A_209 = arith.index_cast %scan3A_187 : i32 to index
        %swap3A_210 = arith.constant 16 : index
        %swap3A_211 = tpu.vector_load %arg17[%swap3A_209, %swap3A_210] {strides = array<i32>} : memref<80x128xf32, #tpu.memory_space<vmem>>, vector<1x16xf32>,
        %swap3A_212 = vector.shape_cast %swap3A_211 : vector<1x16xf32> to vector<16xf32>
        %swap3A_213 = vector.shape_cast %add3A_208 : vector<16xf32> to vector<1x16xf32>
        tpu.vector_store %arg17[%swap3A_209, %swap3A_210], %swap3A_213 {strides = array<i32>} : memref<80x128xf32, #tpu.memory_space<vmem>>, vector<1x16xf32>,
        %get3A_214 = arith.index_cast %scan3A_187 : i32 to index
        %get3A_215 = arith.constant 32 : index
        %get3A_216 = tpu.vector_load %arg17[%get3A_214, %get3A_215] {strides = array<i32>} : memref<80x128xf32, #tpu.memory_space<vmem>>, vector<1x16xf32>,
        %get3A_217 = vector.shape_cast %get3A_216 : vector<1x16xf32> to vector<16xf32>
        %get3A_218 = arith.index_cast %scan3A_187 : i32 to index
        %get3A_219 = arith.constant 32 : index
        %get3A_220 = tpu.vector_load %arg21[%get3A_218, %get3A_219] {strides = array<i32>} : memref<80x128xf32, #tpu.memory_space<vmem>>, vector<1x16xf32>,
        %get3A_221 = vector.shape_cast %get3A_220 : vector<1x16xf32> to vector<16xf32>
        %add3A_222 = arith.addf %get3A_217, %get3A_221 : vector<16xf32>
        %swap3A_223 = arith.index_cast %scan3A_187 : i32 to index
        %swap3A_224 = arith.constant 32 : index
        %swap3A_225 = tpu.vector_load %arg17[%swap3A_223, %swap3A_224] {strides = array<i32>} : memref<80x128xf32, #tpu.memory_space<vmem>>, vector<1x16xf32>,
        %swap3A_226 = vector.shape_cast %swap3A_225 : vector<1x16xf32> to vector<16xf32>
        %swap3A_227 = vector.shape_cast %add3A_222 : vector<16xf32> to vector<1x16xf32>
        tpu.vector_store %arg17[%swap3A_223, %swap3A_224], %swap3A_227 {strides = array<i32>} : memref<80x128xf32, #tpu.memory_space<vmem>>, vector<1x16xf32>,
        %get3A_228 = arith.index_cast %scan3A_187 : i32 to index
        %get3A_229 = arith.constant 48 : index
        %get3A_230 = tpu.vector_load %arg17[%get3A_228, %get3A_229] {strides = array<i32>} : memref<80x128xf32, #tpu.memory_space<vmem>>, vector<1x16xf32>,
        %get3A_231 = vector.shape_cast %get3A_230 : vector<1x16xf32> to vector<16xf32>
        %get3A_232 = arith.index_cast %scan3A_187 : i32 to index
        %get3A_233 = arith.constant 48 : index
        %get3A_234 = tpu.vector_load %arg21[%get3A_232, %get3A_233] {strides = array<i32>} : memref<80x128xf32, #tpu.memory_space<vmem>>, vector<1x16xf32>,
        %get3A_235 = vector.shape_cast %get3A_234 : vector<1x16xf32> to vector<16xf32>
        %add3A_236 = arith.addf %get3A_231, %get3A_235 : vector<16xf32>
        %swap3A_237 = arith.index_cast %scan3A_187 : i32 to index
        %swap3A_238 = arith.constant 48 : index
        %swap3A_239 = tpu.vector_load %arg17[%swap3A_237, %swap3A_238] {strides = array<i32>} : memref<80x128xf32, #tpu.memory_space<vmem>>, vector<1x16xf32>,
        %swap3A_240 = vector.shape_cast %swap3A_239 : vector<1x16xf32> to vector<16xf32>
        %swap3A_241 = vector.shape_cast %add3A_236 : vector<16xf32> to vector<1x16xf32>
        tpu.vector_store %arg17[%swap3A_237, %swap3A_238], %swap3A_241 {strides = array<i32>} : memref<80x128xf32, #tpu.memory_space<vmem>>, vector<1x16xf32>,
        %get3A_242 = arith.index_cast %scan3A_187 : i32 to index
        %get3A_243 = arith.constant 64 : index
        %get3A_244 = tpu.vector_load %arg17[%get3A_242, %get3A_243] {strides = array<i32>} : memref<80x128xf32, #tpu.memory_space<vmem>>, vector<1x16xf32>,
        %get3A_245 = vector.shape_cast %get3A_244 : vector<1x16xf32> to vector<16xf32>
        %get3A_246 = arith.index_cast %scan3A_187 : i32 to index
        %get3A_247 = arith.constant 64 : index
        %get3A_248 = tpu.vector_load %arg21[%get3A_246, %get3A_247] {strides = array<i32>} : memref<80x128xf32, #tpu.memory_space<vmem>>, vector<1x16xf32>,
        %get3A_249 = vector.shape_cast %get3A_248 : vector<1x16xf32> to vector<16xf32>
        %add3A_250 = arith.addf %get3A_245, %get3A_249 : vector<16xf32>
        %swap3A_251 = arith.index_cast %scan3A_187 : i32 to index
        %swap3A_252 = arith.constant 64 : index
        %swap3A_253 = tpu.vector_load %arg17[%swap3A_251, %swap3A_252] {strides = array<i32>} : memref<80x128xf32, #tpu.memory_space<vmem>>, vector<1x16xf32>,
        %swap3A_254 = vector.shape_cast %swap3A_253 : vector<1x16xf32> to vector<16xf32>
        %swap3A_255 = vector.shape_cast %add3A_250 : vector<16xf32> to vector<1x16xf32>
        tpu.vector_store %arg17[%swap3A_251, %swap3A_252], %swap3A_255 {strides = array<i32>} : memref<80x128xf32, #tpu.memory_space<vmem>>, vector<1x16xf32>,
        %get3A_256 = arith.index_cast %scan3A_187 : i32 to index
        %get3A_257 = arith.constant 80 : index
        %get3A_258 = tpu.vector_load %arg17[%get3A_256, %get3A_257] {strides = array<i32>} : memref<80x128xf32, #tpu.memory_space<vmem>>, vector<1x16xf32>,
        %get3A_259 = vector.shape_cast %get3A_258 : vector<1x16xf32> to vector<16xf32>
        %get3A_260 = arith.index_cast %scan3A_187 : i32 to index
        %get3A_261 = arith.constant 80 : index
        %get3A_262 = tpu.vector_load %arg21[%get3A_260, %get3A_261] {strides = array<i32>} : memref<80x128xf32, #tpu.memory_space<vmem>>, vector<1x16xf32>,
        %get3A_263 = vector.shape_cast %get3A_262 : vector<1x16xf32> to vector<16xf32>
        %add3A_264 = arith.addf %get3A_259, %get3A_263 : vector<16xf32>
        %swap3A_265 = arith.index_cast %scan3A_187 : i32 to index
        %swap3A_266 = arith.constant 80 : index
        %swap3A_267 = tpu.vector_load %arg17[%swap3A_265, %swap3A_266] {strides = array<i32>} : memref<80x128xf32, #tpu.memory_space<vmem>>, vector<1x16xf32>,
        %swap3A_268 = vector.shape_cast %swap3A_267 : vector<1x16xf32> to vector<16xf32>
        %swap3A_269 = vector.shape_cast %add3A_264 : vector<16xf32> to vector<1x16xf32>
        tpu.vector_store %arg17[%swap3A_265, %swap3A_266], %swap3A_269 {strides = array<i32>} : memref<80x128xf32, #tpu.memory_space<vmem>>, vector<1x16xf32>,
        %get3A_270 = arith.index_cast %scan3A_187 : i32 to index
        %get3A_271 = arith.constant 96 : index
        %get3A_272 = tpu.vector_load %arg17[%get3A_270, %get3A_271] {strides = array<i32>} : memref<80x128xf32, #tpu.memory_space<vmem>>, vector<1x16xf32>,
        %get3A_273 = vector.shape_cast %get3A_272 : vector<1x16xf32> to vector<16xf32>
        %get3A_274 = arith.index_cast %scan3A_187 : i32 to index
        %get3A_275 = arith.constant 96 : index
        %get3A_276 = tpu.vector_load %arg21[%get3A_274, %get3A_275] {strides = array<i32>} : memref<80x128xf32, #tpu.memory_space<vmem>>, vector<1x16xf32>,
        %get3A_277 = vector.shape_cast %get3A_276 : vector<1x16xf32> to vector<16xf32>
        %add3A_278 = arith.addf %get3A_273, %get3A_277 : vector<16xf32>
        %swap3A_279 = arith.index_cast %scan3A_187 : i32 to index
        %swap3A_280 = arith.constant 96 : index
        %swap3A_281 = tpu.vector_load %arg17[%swap3A_279, %swap3A_280] {strides = array<i32>} : memref<80x128xf32, #tpu.memory_space<vmem>>, vector<1x16xf32>,
        %swap3A_282 = vector.shape_cast %swap3A_281 : vector<1x16xf32> to vector<16xf32>
        %swap3A_283 = vector.shape_cast %add3A_278 : vector<16xf32> to vector<1x16xf32>
        tpu.vector_store %arg17[%swap3A_279, %swap3A_280], %swap3A_283 {strides = array<i32>} : memref<80x128xf32, #tpu.memory_space<vmem>>, vector<1x16xf32>,
        %get3A_284 = arith.index_cast %scan3A_187 : i32 to index
        %get3A_285 = arith.constant 112 : index
        %get3A_286 = tpu.vector_load %arg17[%get3A_284, %get3A_285] {strides = array<i32>} : memref<80x128xf32, #tpu.memory_space<vmem>>, vector<1x16xf32>,
        %get3A_287 = vector.shape_cast %get3A_286 : vector<1x16xf32> to vector<16xf32>
        %get3A_288 = arith.index_cast %scan3A_187 : i32 to index
        %get3A_289 = arith.constant 112 : index
        %get3A_290 = tpu.vector_load %arg21[%get3A_288, %get3A_289] {strides = array<i32>} : memref<80x128xf32, #tpu.memory_space<vmem>>, vector<1x16xf32>,
        %get3A_291 = vector.shape_cast %get3A_290 : vector<1x16xf32> to vector<16xf32>
        %add3A_292 = arith.addf %get3A_287, %get3A_291 : vector<16xf32>
        %swap3A_293 = arith.index_cast %scan3A_187 : i32 to index
        %swap3A_294 = arith.constant 112 : index
        %swap3A_295 = tpu.vector_load %arg17[%swap3A_293, %swap3A_294] {strides = array<i32>} : memref<80x128xf32, #tpu.memory_space<vmem>>, vector<1x16xf32>,
        %swap3A_296 = vector.shape_cast %swap3A_295 : vector<1x16xf32> to vector<16xf32>
        %swap3A_297 = vector.shape_cast %add3A_292 : vector<16xf32> to vector<1x16xf32>
        tpu.vector_store %arg17[%swap3A_293, %swap3A_294], %swap3A_297 {strides = array<i32>} : memref<80x128xf32, #tpu.memory_space<vmem>>, vector<1x16xf32>,
      }
      %scan3A_134 = arith.constant 80 : i32
      %mul3A_135 = arith.constant 80 : i32
      %mul3A_136 = arith.muli %add3A_122, %mul3A_135 : i32
      %add3A_137 = arith.addi %mul3A_2, %mul3A_136 : i32
      %dma_start3A_138 = arith.constant 0 : i32
      %dma_start3A_139 = tpu.memref_slice %arg6[%add3A_137, %dma_start3A_138] : memref<320000x128xf32, #tpu.memory_space<hbm>> -> memref<80x128xf32, #tpu.memory_space<hbm>>
      %dma_start3A_140 = arith.constant 0 : i32
      %dma_start3A_141 = tpu.memref_slice %arg6[%add3A_137, %dma_start3A_140] : memref<320000x128xf32, #tpu.memory_space<hbm>> -> memref<80x128xf32, #tpu.memory_space<hbm>>
      tpu.enqueue_dma source(%arg17 : memref<80x128xf32, #tpu.memory_space<vmem>>) target(%dma_start3A_141 : memref<80x128xf32, #tpu.memory_space<hbm>>) target_semaphore(%arg33 : memref<!tpu.dma_semaphore, #tpu.memory_space<semaphore_mem>>)
      %ge3A_142 = arith.constant 2 : i32
      %ge3A_143 = arith.cmpi sge, %add3A_122, %ge3A_142 : i32
      %convert_element_type3A_144 = arith.extui %ge3A_143 : i1 to i32
      %cond3A_145 = arith.constant 0 : i32
      %cond3A_146 = arith.cmpi ne, %convert_element_type3A_144, %cond3A_145 : i32
      scf.if %cond3A_146 {
        %sub3A = arith.constant 2 : i32
        %sub3A_187 = arith.subi %add3A_122, %sub3A : i32
        %mul3A_188 = arith.constant 80 : i32
        %mul3A_189 = arith.muli %sub3A_187, %mul3A_188 : i32
        %add3A_190 = arith.addi %mul3A_2, %mul3A_189 : i32
        %dma_wait3A_191 = arith.constant 0 : i32
        %dma_wait3A_192 = tpu.memref_slice %arg6[%add3A_190, %dma_wait3A_191] : memref<320000x128xf32, #tpu.memory_space<hbm>> -> memref<80x128xf32, #tpu.memory_space<hbm>>
        %dma_wait3A_193 = arith.constant 0 : i32
        %dma_wait3A_194 = tpu.memref_slice %arg6[%add3A_190, %dma_wait3A_193] : memref<320000x128xf32, #tpu.memory_space<hbm>> -> memref<80x128xf32, #tpu.memory_space<hbm>>
        tpu.wait_dma2 semaphore(%arg31 : memref<!tpu.dma_semaphore, #tpu.memory_space<semaphore_mem>>) src(%arg15 : memref<80x128xf32, #tpu.memory_space<vmem>>) dst(%dma_wait3A_194 : memref<80x128xf32, #tpu.memory_space<hbm>>)
      } else {
      }
      %add3A_147 = arith.constant 2 : i32
      %add3A_148 = arith.addi %add3A_122, %add3A_147 : i32
      %lt3A_149 = arith.constant 125 : i32
      %lt3A_150 = arith.cmpi slt, %add3A_148, %lt3A_149 : i32
      %convert_element_type3A_151 = arith.extui %lt3A_150 : i1 to i32
      %cond3A_152 = arith.constant 0 : i32
      %cond3A_153 = arith.cmpi ne, %convert_element_type3A_151, %cond3A_152 : i32
      scf.if %cond3A_153 {
        %add3A_187 = arith.constant 2 : i32
        %add3A_188 = arith.addi %add3A_122, %add3A_187 : i32
        %mul3A_189 = arith.constant 80 : i32
        %mul3A_190 = arith.muli %add3A_188, %mul3A_189 : i32
        %add3A_191 = arith.addi %mul3A_2, %mul3A_190 : i32
        "tpu.region"() ({
          %run_scoped3A = tpu.sem_alloc : memref<!tpu.dma_semaphore, #tpu.memory_space<semaphore_mem>>
          %dma_start3A_198 = tpu.memref_slice %arg2[%add3A_191] : memref<320000xi32, #tpu.memory_space<hbm>> -> memref<80xi32, #tpu.memory_space<hbm>>
          %dma_start3A_199 = tpu.memref_slice %arg2[%add3A_191] : memref<320000xi32, #tpu.memory_space<hbm>> -> memref<80xi32, #tpu.memory_space<hbm>>
          tpu.enqueue_dma source(%dma_start3A_199 : memref<80xi32, #tpu.memory_space<hbm>>) target(%arg7 : memref<80xi32, #tpu.memory_space<vmem>>) target_semaphore(%run_scoped3A : memref<!tpu.dma_semaphore, #tpu.memory_space<semaphore_mem>>)
          %dma_wait3A_200 = tpu.memref_slice %arg2[%add3A_191] : memref<320000xi32, #tpu.memory_space<hbm>> -> memref<80xi32, #tpu.memory_space<hbm>>
          %dma_wait3A_201 = tpu.memref_slice %arg2[%add3A_191] : memref<320000xi32, #tpu.memory_space<hbm>> -> memref<80xi32, #tpu.memory_space<hbm>>
          tpu.wait_dma2 semaphore(%run_scoped3A : memref<!tpu.dma_semaphore, #tpu.memory_space<semaphore_mem>>) src(%dma_wait3A_201 : memref<80xi32, #tpu.memory_space<hbm>>) dst(%arg7 : memref<80xi32, #tpu.memory_space<vmem>>)
          tpu.yield
        }) : () -> ()
        "tpu.region"() ({
          %run_scoped3A = tpu.sem_alloc : memref<!tpu.dma_semaphore, #tpu.memory_space<semaphore_mem>>
          %dma_start3A_198 = tpu.memref_slice %arg3[%add3A_191] : memref<320000xi32, #tpu.memory_space<hbm>> -> memref<80xi32, #tpu.memory_space<hbm>>
          %dma_start3A_199 = tpu.memref_slice %arg3[%add3A_191] : memref<320000xi32, #tpu.memory_space<hbm>> -> memref<80xi32, #tpu.memory_space<hbm>>
          tpu.enqueue_dma source(%dma_start3A_199 : memref<80xi32, #tpu.memory_space<hbm>>) target(%arg11 : memref<80xi32, #tpu.memory_space<vmem>>) target_semaphore(%run_scoped3A : memref<!tpu.dma_semaphore, #tpu.memory_space<semaphore_mem>>)
          %dma_wait3A_200 = tpu.memref_slice %arg3[%add3A_191] : memref<320000xi32, #tpu.memory_space<hbm>> -> memref<80xi32, #tpu.memory_space<hbm>>
          %dma_wait3A_201 = tpu.memref_slice %arg3[%add3A_191] : memref<320000xi32, #tpu.memory_space<hbm>> -> memref<80xi32, #tpu.memory_space<hbm>>
          tpu.wait_dma2 semaphore(%run_scoped3A : memref<!tpu.dma_semaphore, #tpu.memory_space<semaphore_mem>>) src(%dma_wait3A_201 : memref<80xi32, #tpu.memory_space<hbm>>) dst(%arg11 : memref<80xi32, #tpu.memory_space<vmem>>)
          tpu.yield
        }) : () -> ()
        %dma_start3A_192 = arith.constant 0 : i32
        %dma_start3A_193 = arith.constant 0 : i32
        %dma_start3A_194 = tpu.memref_slice %arg4[%dma_start3A_192, %dma_start3A_193] : memref<10000x128xf32, #tpu.memory_space<hbm>> -> memref<10000x128xf32, #tpu.memory_space<hbm>>
        tpu.enqueue_indirect_dma source(%dma_start3A_194 : memref<10000x128xf32, #tpu.memory_space<hbm>>) target(%arg15 : memref<80x128xf32, #tpu.memory_space<vmem>>) offsets(%arg7 : memref<80xi32, #tpu.memory_space<vmem>>) semaphore(%arg23 : memref<!tpu.dma_semaphore, #tpu.memory_space<semaphore_mem>>)
        %dma_start3A_195 = arith.constant 0 : i32
        %dma_start3A_196 = arith.constant 0 : i32
        %dma_start3A_197 = tpu.memref_slice %arg5[%dma_start3A_195, %dma_start3A_196] : memref<10000x128xf32, #tpu.memory_space<hbm>> -> memref<10000x128xf32, #tpu.memory_space<hbm>>
        tpu.enqueue_indirect_dma source(%dma_start3A_197 : memref<10000x128xf32, #tpu.memory_space<hbm>>) target(%arg19 : memref<80x128xf32, #tpu.memory_space<vmem>>) offsets(%arg11 : memref<80xi32, #tpu.memory_space<vmem>>) semaphore(%arg27 : memref<!tpu.dma_semaphore, #tpu.memory_space<semaphore_mem>>)
      } else {
      }
      %add3A_154 = arith.constant 3 : i32
      %add3A_155 = arith.addi %mul3A_60, %add3A_154 : i32
      %dma_wait3A_156 = arith.constant 0 : i32
      %dma_wait3A_157 = arith.constant 0 : i32
      %dma_wait3A_158 = tpu.memref_slice %arg4[%dma_wait3A_156, %dma_wait3A_157] : memref<10000x128xf32, #tpu.memory_space<hbm>> -> memref<10000x128xf32, #tpu.memory_space<hbm>>
      tpu.wait_indirect_dma semaphore(%arg26 : memref<!tpu.dma_semaphore, #tpu.memory_space<semaphore_mem>>) src(%dma_wait3A_158 : memref<10000x128xf32, #tpu.memory_space<hbm>>) dst(%arg18 : memref<80x128xf32, #tpu.memory_space<vmem>>)
      %dma_wait3A_159 = arith.constant 0 : i32
      %dma_wait3A_160 = arith.constant 0 : i32
      %dma_wait3A_161 = tpu.memref_slice %arg5[%dma_wait3A_159, %dma_wait3A_160] : memref<10000x128xf32, #tpu.memory_space<hbm>> -> memref<10000x128xf32, #tpu.memory_space<hbm>>
      tpu.wait_indirect_dma semaphore(%arg30 : memref<!tpu.dma_semaphore, #tpu.memory_space<semaphore_mem>>) src(%dma_wait3A_161 : memref<10000x128xf32, #tpu.memory_space<hbm>>) dst(%arg22 : memref<80x128xf32, #tpu.memory_space<vmem>>)
      %scan3A_162 = arith.constant 0 : i32
      %scan3A_163 = arith.constant 0 : i32
      %scan3A_164 = arith.constant 80 : i32
      %scan3A_165 = arith.addi %scan3A_163, %scan3A_164 : i32
      %scan3A_166 = arith.constant 1 : i32
      scf.for %scan3A_187 = %scan3A_163 to %scan3A_165 step %scan3A_166  : i32 {
        %get3A = arith.index_cast %scan3A_187 : i32 to index
        %get3A_188 = arith.constant 0 : index
        %get3A_189 = tpu.vector_load %arg18[%get3A, %get3A_188] {strides = array<i32>} : memref<80x128xf32, #tpu.memory_space<vmem>>, vector<1x16xf32>,
        %get3A_190 = vector.shape_cast %get3A_189 : vector<1x16xf32> to vector<16xf32>
        %get3A_191 = arith.index_cast %scan3A_187 : i32 to index
        %get3A_192 = arith.constant 0 : index
        %get3A_193 = tpu.vector_load %arg22[%get3A_191, %get3A_192] {strides = array<i32>} : memref<80x128xf32, #tpu.memory_space<vmem>>, vector<1x16xf32>,
        %get3A_194 = vector.shape_cast %get3A_193 : vector<1x16xf32> to vector<16xf32>
        %add3A_195 = arith.addf %get3A_190, %get3A_194 : vector<16xf32>
        %swap3A = arith.index_cast %scan3A_187 : i32 to index
        %swap3A_196 = arith.constant 0 : index
        %swap3A_197 = tpu.vector_load %arg18[%swap3A, %swap3A_196] {strides = array<i32>} : memref<80x128xf32, #tpu.memory_space<vmem>>, vector<1x16xf32>,
        %swap3A_198 = vector.shape_cast %swap3A_197 : vector<1x16xf32> to vector<16xf32>
        %swap3A_199 = vector.shape_cast %add3A_195 : vector<16xf32> to vector<1x16xf32>
        tpu.vector_store %arg18[%swap3A, %swap3A_196], %swap3A_199 {strides = array<i32>} : memref<80x128xf32, #tpu.memory_space<vmem>>, vector<1x16xf32>,
        %get3A_200 = arith.index_cast %scan3A_187 : i32 to index
        %get3A_201 = arith.constant 16 : index
        %get3A_202 = tpu.vector_load %arg18[%get3A_200, %get3A_201] {strides = array<i32>} : memref<80x128xf32, #tpu.memory_space<vmem>>, vector<1x16xf32>,
        %get3A_203 = vector.shape_cast %get3A_202 : vector<1x16xf32> to vector<16xf32>
        %get3A_204 = arith.index_cast %scan3A_187 : i32 to index
        %get3A_205 = arith.constant 16 : index
        %get3A_206 = tpu.vector_load %arg22[%get3A_204, %get3A_205] {strides = array<i32>} : memref<80x128xf32, #tpu.memory_space<vmem>>, vector<1x16xf32>,
        %get3A_207 = vector.shape_cast %get3A_206 : vector<1x16xf32> to vector<16xf32>
        %add3A_208 = arith.addf %get3A_203, %get3A_207 : vector<16xf32>
        %swap3A_209 = arith.index_cast %scan3A_187 : i32 to index
        %swap3A_210 = arith.constant 16 : index
        %swap3A_211 = tpu.vector_load %arg18[%swap3A_209, %swap3A_210] {strides = array<i32>} : memref<80x128xf32, #tpu.memory_space<vmem>>, vector<1x16xf32>,
        %swap3A_212 = vector.shape_cast %swap3A_211 : vector<1x16xf32> to vector<16xf32>
        %swap3A_213 = vector.shape_cast %add3A_208 : vector<16xf32> to vector<1x16xf32>
        tpu.vector_store %arg18[%swap3A_209, %swap3A_210], %swap3A_213 {strides = array<i32>} : memref<80x128xf32, #tpu.memory_space<vmem>>, vector<1x16xf32>,
        %get3A_214 = arith.index_cast %scan3A_187 : i32 to index
        %get3A_215 = arith.constant 32 : index
        %get3A_216 = tpu.vector_load %arg18[%get3A_214, %get3A_215] {strides = array<i32>} : memref<80x128xf32, #tpu.memory_space<vmem>>, vector<1x16xf32>,
        %get3A_217 = vector.shape_cast %get3A_216 : vector<1x16xf32> to vector<16xf32>
        %get3A_218 = arith.index_cast %scan3A_187 : i32 to index
        %get3A_219 = arith.constant 32 : index
        %get3A_220 = tpu.vector_load %arg22[%get3A_218, %get3A_219] {strides = array<i32>} : memref<80x128xf32, #tpu.memory_space<vmem>>, vector<1x16xf32>,
        %get3A_221 = vector.shape_cast %get3A_220 : vector<1x16xf32> to vector<16xf32>
        %add3A_222 = arith.addf %get3A_217, %get3A_221 : vector<16xf32>
        %swap3A_223 = arith.index_cast %scan3A_187 : i32 to index
        %swap3A_224 = arith.constant 32 : index
        %swap3A_225 = tpu.vector_load %arg18[%swap3A_223, %swap3A_224] {strides = array<i32>} : memref<80x128xf32, #tpu.memory_space<vmem>>, vector<1x16xf32>,
        %swap3A_226 = vector.shape_cast %swap3A_225 : vector<1x16xf32> to vector<16xf32>
        %swap3A_227 = vector.shape_cast %add3A_222 : vector<16xf32> to vector<1x16xf32>
        tpu.vector_store %arg18[%swap3A_223, %swap3A_224], %swap3A_227 {strides = array<i32>} : memref<80x128xf32, #tpu.memory_space<vmem>>, vector<1x16xf32>,
        %get3A_228 = arith.index_cast %scan3A_187 : i32 to index
        %get3A_229 = arith.constant 48 : index
        %get3A_230 = tpu.vector_load %arg18[%get3A_228, %get3A_229] {strides = array<i32>} : memref<80x128xf32, #tpu.memory_space<vmem>>, vector<1x16xf32>,
        %get3A_231 = vector.shape_cast %get3A_230 : vector<1x16xf32> to vector<16xf32>
        %get3A_232 = arith.index_cast %scan3A_187 : i32 to index
        %get3A_233 = arith.constant 48 : index
        %get3A_234 = tpu.vector_load %arg22[%get3A_232, %get3A_233] {strides = array<i32>} : memref<80x128xf32, #tpu.memory_space<vmem>>, vector<1x16xf32>,
        %get3A_235 = vector.shape_cast %get3A_234 : vector<1x16xf32> to vector<16xf32>
        %add3A_236 = arith.addf %get3A_231, %get3A_235 : vector<16xf32>
        %swap3A_237 = arith.index_cast %scan3A_187 : i32 to index
        %swap3A_238 = arith.constant 48 : index
        %swap3A_239 = tpu.vector_load %arg18[%swap3A_237, %swap3A_238] {strides = array<i32>} : memref<80x128xf32, #tpu.memory_space<vmem>>, vector<1x16xf32>,
        %swap3A_240 = vector.shape_cast %swap3A_239 : vector<1x16xf32> to vector<16xf32>
        %swap3A_241 = vector.shape_cast %add3A_236 : vector<16xf32> to vector<1x16xf32>
        tpu.vector_store %arg18[%swap3A_237, %swap3A_238], %swap3A_241 {strides = array<i32>} : memref<80x128xf32, #tpu.memory_space<vmem>>, vector<1x16xf32>,
        %get3A_242 = arith.index_cast %scan3A_187 : i32 to index
        %get3A_243 = arith.constant 64 : index
        %get3A_244 = tpu.vector_load %arg18[%get3A_242, %get3A_243] {strides = array<i32>} : memref<80x128xf32, #tpu.memory_space<vmem>>, vector<1x16xf32>,
        %get3A_245 = vector.shape_cast %get3A_244 : vector<1x16xf32> to vector<16xf32>
        %get3A_246 = arith.index_cast %scan3A_187 : i32 to index
        %get3A_247 = arith.constant 64 : index
        %get3A_248 = tpu.vector_load %arg22[%get3A_246, %get3A_247] {strides = array<i32>} : memref<80x128xf32, #tpu.memory_space<vmem>>, vector<1x16xf32>,
        %get3A_249 = vector.shape_cast %get3A_248 : vector<1x16xf32> to vector<16xf32>
        %add3A_250 = arith.addf %get3A_245, %get3A_249 : vector<16xf32>
        %swap3A_251 = arith.index_cast %scan3A_187 : i32 to index
        %swap3A_252 = arith.constant 64 : index
        %swap3A_253 = tpu.vector_load %arg18[%swap3A_251, %swap3A_252] {strides = array<i32>} : memref<80x128xf32, #tpu.memory_space<vmem>>, vector<1x16xf32>,
        %swap3A_254 = vector.shape_cast %swap3A_253 : vector<1x16xf32> to vector<16xf32>
        %swap3A_255 = vector.shape_cast %add3A_250 : vector<16xf32> to vector<1x16xf32>
        tpu.vector_store %arg18[%swap3A_251, %swap3A_252], %swap3A_255 {strides = array<i32>} : memref<80x128xf32, #tpu.memory_space<vmem>>, vector<1x16xf32>,
        %get3A_256 = arith.index_cast %scan3A_187 : i32 to index
        %get3A_257 = arith.constant 80 : index
        %get3A_258 = tpu.vector_load %arg18[%get3A_256, %get3A_257] {strides = array<i32>} : memref<80x128xf32, #tpu.memory_space<vmem>>, vector<1x16xf32>,
        %get3A_259 = vector.shape_cast %get3A_258 : vector<1x16xf32> to vector<16xf32>
        %get3A_260 = arith.index_cast %scan3A_187 : i32 to index
        %get3A_261 = arith.constant 80 : index
        %get3A_262 = tpu.vector_load %arg22[%get3A_260, %get3A_261] {strides = array<i32>} : memref<80x128xf32, #tpu.memory_space<vmem>>, vector<1x16xf32>,
        %get3A_263 = vector.shape_cast %get3A_262 : vector<1x16xf32> to vector<16xf32>
        %add3A_264 = arith.addf %get3A_259, %get3A_263 : vector<16xf32>
        %swap3A_265 = arith.index_cast %scan3A_187 : i32 to index
        %swap3A_266 = arith.constant 80 : index
        %swap3A_267 = tpu.vector_load %arg18[%swap3A_265, %swap3A_266] {strides = array<i32>} : memref<80x128xf32, #tpu.memory_space<vmem>>, vector<1x16xf32>,
        %swap3A_268 = vector.shape_cast %swap3A_267 : vector<1x16xf32> to vector<16xf32>
        %swap3A_269 = vector.shape_cast %add3A_264 : vector<16xf32> to vector<1x16xf32>
        tpu.vector_store %arg18[%swap3A_265, %swap3A_266], %swap3A_269 {strides = array<i32>} : memref<80x128xf32, #tpu.memory_space<vmem>>, vector<1x16xf32>,
        %get3A_270 = arith.index_cast %scan3A_187 : i32 to index
        %get3A_271 = arith.constant 96 : index
        %get3A_272 = tpu.vector_load %arg18[%get3A_270, %get3A_271] {strides = array<i32>} : memref<80x128xf32, #tpu.memory_space<vmem>>, vector<1x16xf32>,
        %get3A_273 = vector.shape_cast %get3A_272 : vector<1x16xf32> to vector<16xf32>
        %get3A_274 = arith.index_cast %scan3A_187 : i32 to index
        %get3A_275 = arith.constant 96 : index
        %get3A_276 = tpu.vector_load %arg22[%get3A_274, %get3A_275] {strides = array<i32>} : memref<80x128xf32, #tpu.memory_space<vmem>>, vector<1x16xf32>,
        %get3A_277 = vector.shape_cast %get3A_276 : vector<1x16xf32> to vector<16xf32>
        %add3A_278 = arith.addf %get3A_273, %get3A_277 : vector<16xf32>
        %swap3A_279 = arith.index_cast %scan3A_187 : i32 to index
        %swap3A_280 = arith.constant 96 : index
        %swap3A_281 = tpu.vector_load %arg18[%swap3A_279, %swap3A_280] {strides = array<i32>} : memref<80x128xf32, #tpu.memory_space<vmem>>, vector<1x16xf32>,
        %swap3A_282 = vector.shape_cast %swap3A_281 : vector<1x16xf32> to vector<16xf32>
        %swap3A_283 = vector.shape_cast %add3A_278 : vector<16xf32> to vector<1x16xf32>
        tpu.vector_store %arg18[%swap3A_279, %swap3A_280], %swap3A_283 {strides = array<i32>} : memref<80x128xf32, #tpu.memory_space<vmem>>, vector<1x16xf32>,
        %get3A_284 = arith.index_cast %scan3A_187 : i32 to index
        %get3A_285 = arith.constant 112 : index
        %get3A_286 = tpu.vector_load %arg18[%get3A_284, %get3A_285] {strides = array<i32>} : memref<80x128xf32, #tpu.memory_space<vmem>>, vector<1x16xf32>,
        %get3A_287 = vector.shape_cast %get3A_286 : vector<1x16xf32> to vector<16xf32>
        %get3A_288 = arith.index_cast %scan3A_187 : i32 to index
        %get3A_289 = arith.constant 112 : index
        %get3A_290 = tpu.vector_load %arg22[%get3A_288, %get3A_289] {strides = array<i32>} : memref<80x128xf32, #tpu.memory_space<vmem>>, vector<1x16xf32>,
        %get3A_291 = vector.shape_cast %get3A_290 : vector<1x16xf32> to vector<16xf32>
        %add3A_292 = arith.addf %get3A_287, %get3A_291 : vector<16xf32>
        %swap3A_293 = arith.index_cast %scan3A_187 : i32 to index
        %swap3A_294 = arith.constant 112 : index
        %swap3A_295 = tpu.vector_load %arg18[%swap3A_293, %swap3A_294] {strides = array<i32>} : memref<80x128xf32, #tpu.memory_space<vmem>>, vector<1x16xf32>,
        %swap3A_296 = vector.shape_cast %swap3A_295 : vector<1x16xf32> to vector<16xf32>
        %swap3A_297 = vector.shape_cast %add3A_292 : vector<16xf32> to vector<1x16xf32>
        tpu.vector_store %arg18[%swap3A_293, %swap3A_294], %swap3A_297 {strides = array<i32>} : memref<80x128xf32, #tpu.memory_space<vmem>>, vector<1x16xf32>,
      }
      %scan3A_167 = arith.constant 80 : i32
      %mul3A_168 = arith.constant 80 : i32
      %mul3A_169 = arith.muli %add3A_155, %mul3A_168 : i32
      %add3A_170 = arith.addi %mul3A_2, %mul3A_169 : i32
      %dma_start3A_171 = arith.constant 0 : i32
      %dma_start3A_172 = tpu.memref_slice %arg6[%add3A_170, %dma_start3A_171] : memref<320000x128xf32, #tpu.memory_space<hbm>> -> memref<80x128xf32, #tpu.memory_space<hbm>>
      %dma_start3A_173 = arith.constant 0 : i32
      %dma_start3A_174 = tpu.memref_slice %arg6[%add3A_170, %dma_start3A_173] : memref<320000x128xf32, #tpu.memory_space<hbm>> -> memref<80x128xf32, #tpu.memory_space<hbm>>
      tpu.enqueue_dma source(%arg18 : memref<80x128xf32, #tpu.memory_space<vmem>>) target(%dma_start3A_174 : memref<80x128xf32, #tpu.memory_space<hbm>>) target_semaphore(%arg34 : memref<!tpu.dma_semaphore, #tpu.memory_space<semaphore_mem>>)
      %ge3A_175 = arith.constant 2 : i32
      %ge3A_176 = arith.cmpi sge, %add3A_155, %ge3A_175 : i32
      %convert_element_type3A_177 = arith.extui %ge3A_176 : i1 to i32
      %cond3A_178 = arith.constant 0 : i32
      %cond3A_179 = arith.cmpi ne, %convert_element_type3A_177, %cond3A_178 : i32
      scf.if %cond3A_179 {
        %sub3A = arith.constant 2 : i32
        %sub3A_187 = arith.subi %add3A_155, %sub3A : i32
        %mul3A_188 = arith.constant 80 : i32
        %mul3A_189 = arith.muli %sub3A_187, %mul3A_188 : i32
        %add3A_190 = arith.addi %mul3A_2, %mul3A_189 : i32
        %dma_wait3A_191 = arith.constant 0 : i32
        %dma_wait3A_192 = tpu.memref_slice %arg6[%add3A_190, %dma_wait3A_191] : memref<320000x128xf32, #tpu.memory_space<hbm>> -> memref<80x128xf32, #tpu.memory_space<hbm>>
        %dma_wait3A_193 = arith.constant 0 : i32
        %dma_wait3A_194 = tpu.memref_slice %arg6[%add3A_190, %dma_wait3A_193] : memref<320000x128xf32, #tpu.memory_space<hbm>> -> memref<80x128xf32, #tpu.memory_space<hbm>>
        tpu.wait_dma2 semaphore(%arg32 : memref<!tpu.dma_semaphore, #tpu.memory_space<semaphore_mem>>) src(%arg16 : memref<80x128xf32, #tpu.memory_space<vmem>>) dst(%dma_wait3A_194 : memref<80x128xf32, #tpu.memory_space<hbm>>)
      } else {
      }
      %add3A_180 = arith.constant 2 : i32
      %add3A_181 = arith.addi %add3A_155, %add3A_180 : i32
      %lt3A_182 = arith.constant 125 : i32
      %lt3A_183 = arith.cmpi slt, %add3A_181, %lt3A_182 : i32
      %convert_element_type3A_184 = arith.extui %lt3A_183 : i1 to i32
      %cond3A_185 = arith.constant 0 : i32
      %cond3A_186 = arith.cmpi ne, %convert_element_type3A_184, %cond3A_185 : i32
      scf.if %cond3A_186 {
        %add3A_187 = arith.constant 2 : i32
        %add3A_188 = arith.addi %add3A_155, %add3A_187 : i32
        %mul3A_189 = arith.constant 80 : i32
        %mul3A_190 = arith.muli %add3A_188, %mul3A_189 : i32
        %add3A_191 = arith.addi %mul3A_2, %mul3A_190 : i32
        "tpu.region"() ({
          %run_scoped3A = tpu.sem_alloc : memref<!tpu.dma_semaphore, #tpu.memory_space<semaphore_mem>>
          %dma_start3A_198 = tpu.memref_slice %arg2[%add3A_191] : memref<320000xi32, #tpu.memory_space<hbm>> -> memref<80xi32, #tpu.memory_space<hbm>>
          %dma_start3A_199 = tpu.memref_slice %arg2[%add3A_191] : memref<320000xi32, #tpu.memory_space<hbm>> -> memref<80xi32, #tpu.memory_space<hbm>>
          tpu.enqueue_dma source(%dma_start3A_199 : memref<80xi32, #tpu.memory_space<hbm>>) target(%arg8 : memref<80xi32, #tpu.memory_space<vmem>>) target_semaphore(%run_scoped3A : memref<!tpu.dma_semaphore, #tpu.memory_space<semaphore_mem>>)
          %dma_wait3A_200 = tpu.memref_slice %arg2[%add3A_191] : memref<320000xi32, #tpu.memory_space<hbm>> -> memref<80xi32, #tpu.memory_space<hbm>>
          %dma_wait3A_201 = tpu.memref_slice %arg2[%add3A_191] : memref<320000xi32, #tpu.memory_space<hbm>> -> memref<80xi32, #tpu.memory_space<hbm>>
          tpu.wait_dma2 semaphore(%run_scoped3A : memref<!tpu.dma_semaphore, #tpu.memory_space<semaphore_mem>>) src(%dma_wait3A_201 : memref<80xi32, #tpu.memory_space<hbm>>) dst(%arg8 : memref<80xi32, #tpu.memory_space<vmem>>)
          tpu.yield
        }) : () -> ()
        "tpu.region"() ({
          %run_scoped3A = tpu.sem_alloc : memref<!tpu.dma_semaphore, #tpu.memory_space<semaphore_mem>>
          %dma_start3A_198 = tpu.memref_slice %arg3[%add3A_191] : memref<320000xi32, #tpu.memory_space<hbm>> -> memref<80xi32, #tpu.memory_space<hbm>>
          %dma_start3A_199 = tpu.memref_slice %arg3[%add3A_191] : memref<320000xi32, #tpu.memory_space<hbm>> -> memref<80xi32, #tpu.memory_space<hbm>>
          tpu.enqueue_dma source(%dma_start3A_199 : memref<80xi32, #tpu.memory_space<hbm>>) target(%arg12 : memref<80xi32, #tpu.memory_space<vmem>>) target_semaphore(%run_scoped3A : memref<!tpu.dma_semaphore, #tpu.memory_space<semaphore_mem>>)
          %dma_wait3A_200 = tpu.memref_slice %arg3[%add3A_191] : memref<320000xi32, #tpu.memory_space<hbm>> -> memref<80xi32, #tpu.memory_space<hbm>>
          %dma_wait3A_201 = tpu.memref_slice %arg3[%add3A_191] : memref<320000xi32, #tpu.memory_space<hbm>> -> memref<80xi32, #tpu.memory_space<hbm>>
          tpu.wait_dma2 semaphore(%run_scoped3A : memref<!tpu.dma_semaphore, #tpu.memory_space<semaphore_mem>>) src(%dma_wait3A_201 : memref<80xi32, #tpu.memory_space<hbm>>) dst(%arg12 : memref<80xi32, #tpu.memory_space<vmem>>)
          tpu.yield
        }) : () -> ()
        %dma_start3A_192 = arith.constant 0 : i32
        %dma_start3A_193 = arith.constant 0 : i32
        %dma_start3A_194 = tpu.memref_slice %arg4[%dma_start3A_192, %dma_start3A_193] : memref<10000x128xf32, #tpu.memory_space<hbm>> -> memref<10000x128xf32, #tpu.memory_space<hbm>>
        tpu.enqueue_indirect_dma source(%dma_start3A_194 : memref<10000x128xf32, #tpu.memory_space<hbm>>) target(%arg16 : memref<80x128xf32, #tpu.memory_space<vmem>>) offsets(%arg8 : memref<80xi32, #tpu.memory_space<vmem>>) semaphore(%arg24 : memref<!tpu.dma_semaphore, #tpu.memory_space<semaphore_mem>>)
        %dma_start3A_195 = arith.constant 0 : i32
        %dma_start3A_196 = arith.constant 0 : i32
        %dma_start3A_197 = tpu.memref_slice %arg5[%dma_start3A_195, %dma_start3A_196] : memref<10000x128xf32, #tpu.memory_space<hbm>> -> memref<10000x128xf32, #tpu.memory_space<hbm>>
        tpu.enqueue_indirect_dma source(%dma_start3A_197 : memref<10000x128xf32, #tpu.memory_space<hbm>>) target(%arg20 : memref<80x128xf32, #tpu.memory_space<vmem>>) offsets(%arg12 : memref<80xi32, #tpu.memory_space<vmem>>) semaphore(%arg28 : memref<!tpu.dma_semaphore, #tpu.memory_space<semaphore_mem>>)
      } else {
      }
    }
    %scan3A_22 = arith.constant 31 : i32
    %dma_wait3A = arith.constant 0 : i32
    %dma_wait3A_23 = arith.constant 0 : i32
    %dma_wait3A_24 = tpu.memref_slice %arg4[%dma_wait3A, %dma_wait3A_23] : memref<10000x128xf32, #tpu.memory_space<hbm>> -> memref<10000x128xf32, #tpu.memory_space<hbm>>
    tpu.wait_indirect_dma semaphore(%arg23 : memref<!tpu.dma_semaphore, #tpu.memory_space<semaphore_mem>>) src(%dma_wait3A_24 : memref<10000x128xf32, #tpu.memory_space<hbm>>) dst(%arg15 : memref<80x128xf32, #tpu.memory_space<vmem>>)
    %dma_wait3A_25 = arith.constant 0 : i32
    %dma_wait3A_26 = arith.constant 0 : i32
    %dma_wait3A_27 = tpu.memref_slice %arg5[%dma_wait3A_25, %dma_wait3A_26] : memref<10000x128xf32, #tpu.memory_space<hbm>> -> memref<10000x128xf32, #tpu.memory_space<hbm>>
    tpu.wait_indirect_dma semaphore(%arg27 : memref<!tpu.dma_semaphore, #tpu.memory_space<semaphore_mem>>) src(%dma_wait3A_27 : memref<10000x128xf32, #tpu.memory_space<hbm>>) dst(%arg19 : memref<80x128xf32, #tpu.memory_space<vmem>>)
    %scan3A_28 = arith.constant 0 : i32
    %scan3A_29 = arith.constant 0 : i32
    %scan3A_30 = arith.constant 80 : i32
    %scan3A_31 = arith.addi %scan3A_29, %scan3A_30 : i32
    %scan3A_32 = arith.constant 1 : i32
    scf.for %scan3A_58 = %scan3A_29 to %scan3A_31 step %scan3A_32  : i32 {
      %get3A = arith.index_cast %scan3A_58 : i32 to index
      %get3A_59 = arith.constant 0 : index
      %get3A_60 = tpu.vector_load %arg15[%get3A, %get3A_59] {strides = array<i32>} : memref<80x128xf32, #tpu.memory_space<vmem>>, vector<1x16xf32>,
      %get3A_61 = vector.shape_cast %get3A_60 : vector<1x16xf32> to vector<16xf32>
      %get3A_62 = arith.index_cast %scan3A_58 : i32 to index
      %get3A_63 = arith.constant 0 : index
      %get3A_64 = tpu.vector_load %arg19[%get3A_62, %get3A_63] {strides = array<i32>} : memref<80x128xf32, #tpu.memory_space<vmem>>, vector<1x16xf32>,
      %get3A_65 = vector.shape_cast %get3A_64 : vector<1x16xf32> to vector<16xf32>
      %add3A_66 = arith.addf %get3A_61, %get3A_65 : vector<16xf32>
      %swap3A = arith.index_cast %scan3A_58 : i32 to index
      %swap3A_67 = arith.constant 0 : index
      %swap3A_68 = tpu.vector_load %arg15[%swap3A, %swap3A_67] {strides = array<i32>} : memref<80x128xf32, #tpu.memory_space<vmem>>, vector<1x16xf32>,
      %swap3A_69 = vector.shape_cast %swap3A_68 : vector<1x16xf32> to vector<16xf32>
      %swap3A_70 = vector.shape_cast %add3A_66 : vector<16xf32> to vector<1x16xf32>
      tpu.vector_store %arg15[%swap3A, %swap3A_67], %swap3A_70 {strides = array<i32>} : memref<80x128xf32, #tpu.memory_space<vmem>>, vector<1x16xf32>,
      %get3A_71 = arith.index_cast %scan3A_58 : i32 to index
      %get3A_72 = arith.constant 16 : index
      %get3A_73 = tpu.vector_load %arg15[%get3A_71, %get3A_72] {strides = array<i32>} : memref<80x128xf32, #tpu.memory_space<vmem>>, vector<1x16xf32>,
      %get3A_74 = vector.shape_cast %get3A_73 : vector<1x16xf32> to vector<16xf32>
      %get3A_75 = arith.index_cast %scan3A_58 : i32 to index
      %get3A_76 = arith.constant 16 : index
      %get3A_77 = tpu.vector_load %arg19[%get3A_75, %get3A_76] {strides = array<i32>} : memref<80x128xf32, #tpu.memory_space<vmem>>, vector<1x16xf32>,
      %get3A_78 = vector.shape_cast %get3A_77 : vector<1x16xf32> to vector<16xf32>
      %add3A_79 = arith.addf %get3A_74, %get3A_78 : vector<16xf32>
      %swap3A_80 = arith.index_cast %scan3A_58 : i32 to index
      %swap3A_81 = arith.constant 16 : index
      %swap3A_82 = tpu.vector_load %arg15[%swap3A_80, %swap3A_81] {strides = array<i32>} : memref<80x128xf32, #tpu.memory_space<vmem>>, vector<1x16xf32>,
      %swap3A_83 = vector.shape_cast %swap3A_82 : vector<1x16xf32> to vector<16xf32>
      %swap3A_84 = vector.shape_cast %add3A_79 : vector<16xf32> to vector<1x16xf32>
      tpu.vector_store %arg15[%swap3A_80, %swap3A_81], %swap3A_84 {strides = array<i32>} : memref<80x128xf32, #tpu.memory_space<vmem>>, vector<1x16xf32>,
      %get3A_85 = arith.index_cast %scan3A_58 : i32 to index
      %get3A_86 = arith.constant 32 : index
      %get3A_87 = tpu.vector_load %arg15[%get3A_85, %get3A_86] {strides = array<i32>} : memref<80x128xf32, #tpu.memory_space<vmem>>, vector<1x16xf32>,
      %get3A_88 = vector.shape_cast %get3A_87 : vector<1x16xf32> to vector<16xf32>
      %get3A_89 = arith.index_cast %scan3A_58 : i32 to index
      %get3A_90 = arith.constant 32 : index
      %get3A_91 = tpu.vector_load %arg19[%get3A_89, %get3A_90] {strides = array<i32>} : memref<80x128xf32, #tpu.memory_space<vmem>>, vector<1x16xf32>,
      %get3A_92 = vector.shape_cast %get3A_91 : vector<1x16xf32> to vector<16xf32>
      %add3A_93 = arith.addf %get3A_88, %get3A_92 : vector<16xf32>
      %swap3A_94 = arith.index_cast %scan3A_58 : i32 to index
      %swap3A_95 = arith.constant 32 : index
      %swap3A_96 = tpu.vector_load %arg15[%swap3A_94, %swap3A_95] {strides = array<i32>} : memref<80x128xf32, #tpu.memory_space<vmem>>, vector<1x16xf32>,
      %swap3A_97 = vector.shape_cast %swap3A_96 : vector<1x16xf32> to vector<16xf32>
      %swap3A_98 = vector.shape_cast %add3A_93 : vector<16xf32> to vector<1x16xf32>
      tpu.vector_store %arg15[%swap3A_94, %swap3A_95], %swap3A_98 {strides = array<i32>} : memref<80x128xf32, #tpu.memory_space<vmem>>, vector<1x16xf32>,
      %get3A_99 = arith.index_cast %scan3A_58 : i32 to index
      %get3A_100 = arith.constant 48 : index
      %get3A_101 = tpu.vector_load %arg15[%get3A_99, %get3A_100] {strides = array<i32>} : memref<80x128xf32, #tpu.memory_space<vmem>>, vector<1x16xf32>,
      %get3A_102 = vector.shape_cast %get3A_101 : vector<1x16xf32> to vector<16xf32>
      %get3A_103 = arith.index_cast %scan3A_58 : i32 to index
      %get3A_104 = arith.constant 48 : index
      %get3A_105 = tpu.vector_load %arg19[%get3A_103, %get3A_104] {strides = array<i32>} : memref<80x128xf32, #tpu.memory_space<vmem>>, vector<1x16xf32>,
      %get3A_106 = vector.shape_cast %get3A_105 : vector<1x16xf32> to vector<16xf32>
      %add3A_107 = arith.addf %get3A_102, %get3A_106 : vector<16xf32>
      %swap3A_108 = arith.index_cast %scan3A_58 : i32 to index
      %swap3A_109 = arith.constant 48 : index
      %swap3A_110 = tpu.vector_load %arg15[%swap3A_108, %swap3A_109] {strides = array<i32>} : memref<80x128xf32, #tpu.memory_space<vmem>>, vector<1x16xf32>,
      %swap3A_111 = vector.shape_cast %swap3A_110 : vector<1x16xf32> to vector<16xf32>
      %swap3A_112 = vector.shape_cast %add3A_107 : vector<16xf32> to vector<1x16xf32>
      tpu.vector_store %arg15[%swap3A_108, %swap3A_109], %swap3A_112 {strides = array<i32>} : memref<80x128xf32, #tpu.memory_space<vmem>>, vector<1x16xf32>,
      %get3A_113 = arith.index_cast %scan3A_58 : i32 to index
      %get3A_114 = arith.constant 64 : index
      %get3A_115 = tpu.vector_load %arg15[%get3A_113, %get3A_114] {strides = array<i32>} : memref<80x128xf32, #tpu.memory_space<vmem>>, vector<1x16xf32>,
      %get3A_116 = vector.shape_cast %get3A_115 : vector<1x16xf32> to vector<16xf32>
      %get3A_117 = arith.index_cast %scan3A_58 : i32 to index
      %get3A_118 = arith.constant 64 : index
      %get3A_119 = tpu.vector_load %arg19[%get3A_117, %get3A_118] {strides = array<i32>} : memref<80x128xf32, #tpu.memory_space<vmem>>, vector<1x16xf32>,
      %get3A_120 = vector.shape_cast %get3A_119 : vector<1x16xf32> to vector<16xf32>
      %add3A_121 = arith.addf %get3A_116, %get3A_120 : vector<16xf32>
      %swap3A_122 = arith.index_cast %scan3A_58 : i32 to index
      %swap3A_123 = arith.constant 64 : index
      %swap3A_124 = tpu.vector_load %arg15[%swap3A_122, %swap3A_123] {strides = array<i32>} : memref<80x128xf32, #tpu.memory_space<vmem>>, vector<1x16xf32>,
      %swap3A_125 = vector.shape_cast %swap3A_124 : vector<1x16xf32> to vector<16xf32>
      %swap3A_126 = vector.shape_cast %add3A_121 : vector<16xf32> to vector<1x16xf32>
      tpu.vector_store %arg15[%swap3A_122, %swap3A_123], %swap3A_126 {strides = array<i32>} : memref<80x128xf32, #tpu.memory_space<vmem>>, vector<1x16xf32>,
      %get3A_127 = arith.index_cast %scan3A_58 : i32 to index
      %get3A_128 = arith.constant 80 : index
      %get3A_129 = tpu.vector_load %arg15[%get3A_127, %get3A_128] {strides = array<i32>} : memref<80x128xf32, #tpu.memory_space<vmem>>, vector<1x16xf32>,
      %get3A_130 = vector.shape_cast %get3A_129 : vector<1x16xf32> to vector<16xf32>
      %get3A_131 = arith.index_cast %scan3A_58 : i32 to index
      %get3A_132 = arith.constant 80 : index
      %get3A_133 = tpu.vector_load %arg19[%get3A_131, %get3A_132] {strides = array<i32>} : memref<80x128xf32, #tpu.memory_space<vmem>>, vector<1x16xf32>,
      %get3A_134 = vector.shape_cast %get3A_133 : vector<1x16xf32> to vector<16xf32>
      %add3A_135 = arith.addf %get3A_130, %get3A_134 : vector<16xf32>
      %swap3A_136 = arith.index_cast %scan3A_58 : i32 to index
      %swap3A_137 = arith.constant 80 : index
      %swap3A_138 = tpu.vector_load %arg15[%swap3A_136, %swap3A_137] {strides = array<i32>} : memref<80x128xf32, #tpu.memory_space<vmem>>, vector<1x16xf32>,
      %swap3A_139 = vector.shape_cast %swap3A_138 : vector<1x16xf32> to vector<16xf32>
      %swap3A_140 = vector.shape_cast %add3A_135 : vector<16xf32> to vector<1x16xf32>
      tpu.vector_store %arg15[%swap3A_136, %swap3A_137], %swap3A_140 {strides = array<i32>} : memref<80x128xf32, #tpu.memory_space<vmem>>, vector<1x16xf32>,
      %get3A_141 = arith.index_cast %scan3A_58 : i32 to index
      %get3A_142 = arith.constant 96 : index
      %get3A_143 = tpu.vector_load %arg15[%get3A_141, %get3A_142] {strides = array<i32>} : memref<80x128xf32, #tpu.memory_space<vmem>>, vector<1x16xf32>,
      %get3A_144 = vector.shape_cast %get3A_143 : vector<1x16xf32> to vector<16xf32>
      %get3A_145 = arith.index_cast %scan3A_58 : i32 to index
      %get3A_146 = arith.constant 96 : index
      %get3A_147 = tpu.vector_load %arg19[%get3A_145, %get3A_146] {strides = array<i32>} : memref<80x128xf32, #tpu.memory_space<vmem>>, vector<1x16xf32>,
      %get3A_148 = vector.shape_cast %get3A_147 : vector<1x16xf32> to vector<16xf32>
      %add3A_149 = arith.addf %get3A_144, %get3A_148 : vector<16xf32>
      %swap3A_150 = arith.index_cast %scan3A_58 : i32 to index
      %swap3A_151 = arith.constant 96 : index
      %swap3A_152 = tpu.vector_load %arg15[%swap3A_150, %swap3A_151] {strides = array<i32>} : memref<80x128xf32, #tpu.memory_space<vmem>>, vector<1x16xf32>,
      %swap3A_153 = vector.shape_cast %swap3A_152 : vector<1x16xf32> to vector<16xf32>
      %swap3A_154 = vector.shape_cast %add3A_149 : vector<16xf32> to vector<1x16xf32>
      tpu.vector_store %arg15[%swap3A_150, %swap3A_151], %swap3A_154 {strides = array<i32>} : memref<80x128xf32, #tpu.memory_space<vmem>>, vector<1x16xf32>,
      %get3A_155 = arith.index_cast %scan3A_58 : i32 to index
      %get3A_156 = arith.constant 112 : index
      %get3A_157 = tpu.vector_load %arg15[%get3A_155, %get3A_156] {strides = array<i32>} : memref<80x128xf32, #tpu.memory_space<vmem>>, vector<1x16xf32>,
      %get3A_158 = vector.shape_cast %get3A_157 : vector<1x16xf32> to vector<16xf32>
      %get3A_159 = arith.index_cast %scan3A_58 : i32 to index
      %get3A_160 = arith.constant 112 : index
      %get3A_161 = tpu.vector_load %arg19[%get3A_159, %get3A_160] {strides = array<i32>} : memref<80x128xf32, #tpu.memory_space<vmem>>, vector<1x16xf32>,
      %get3A_162 = vector.shape_cast %get3A_161 : vector<1x16xf32> to vector<16xf32>
      %add3A_163 = arith.addf %get3A_158, %get3A_162 : vector<16xf32>
      %swap3A_164 = arith.index_cast %scan3A_58 : i32 to index
      %swap3A_165 = arith.constant 112 : index
      %swap3A_166 = tpu.vector_load %arg15[%swap3A_164, %swap3A_165] {strides = array<i32>} : memref<80x128xf32, #tpu.memory_space<vmem>>, vector<1x16xf32>,
      %swap3A_167 = vector.shape_cast %swap3A_166 : vector<1x16xf32> to vector<16xf32>
      %swap3A_168 = vector.shape_cast %add3A_163 : vector<16xf32> to vector<1x16xf32>
      tpu.vector_store %arg15[%swap3A_164, %swap3A_165], %swap3A_168 {strides = array<i32>} : memref<80x128xf32, #tpu.memory_space<vmem>>, vector<1x16xf32>,
    }
    %scan3A_33 = arith.constant 80 : i32
    %add3A_34 = arith.constant 9920 : i32
    %add3A_35 = arith.addi %mul3A_2, %add3A_34 : i32
    %dma_start3A_36 = arith.constant 0 : i32
    %dma_start3A_37 = tpu.memref_slice %arg6[%add3A_35, %dma_start3A_36] : memref<320000x128xf32, #tpu.memory_space<hbm>> -> memref<80x128xf32, #tpu.memory_space<hbm>>
    %dma_start3A_38 = arith.constant 0 : i32
    %dma_start3A_39 = tpu.memref_slice %arg6[%add3A_35, %dma_start3A_38] : memref<320000x128xf32, #tpu.memory_space<hbm>> -> memref<80x128xf32, #tpu.memory_space<hbm>>
    tpu.enqueue_dma source(%arg15 : memref<80x128xf32, #tpu.memory_space<vmem>>) target(%dma_start3A_39 : memref<80x128xf32, #tpu.memory_space<hbm>>) target_semaphore(%arg31 : memref<!tpu.dma_semaphore, #tpu.memory_space<semaphore_mem>>)
    %add3A_40 = arith.constant 9760 : i32
    %add3A_41 = arith.addi %mul3A_2, %add3A_40 : i32
    %dma_wait3A_42 = arith.constant 0 : i32
    %dma_wait3A_43 = tpu.memref_slice %arg6[%add3A_41, %dma_wait3A_42] : memref<320000x128xf32, #tpu.memory_space<hbm>> -> memref<80x128xf32, #tpu.memory_space<hbm>>
    %dma_wait3A_44 = arith.constant 0 : i32
    %dma_wait3A_45 = tpu.memref_slice %arg6[%add3A_41, %dma_wait3A_44] : memref<320000x128xf32, #tpu.memory_space<hbm>> -> memref<80x128xf32, #tpu.memory_space<hbm>>
    tpu.wait_dma2 semaphore(%arg33 : memref<!tpu.dma_semaphore, #tpu.memory_space<semaphore_mem>>) src(%arg17 : memref<80x128xf32, #tpu.memory_space<vmem>>) dst(%dma_wait3A_45 : memref<80x128xf32, #tpu.memory_space<hbm>>)
    %add3A_46 = arith.constant 9840 : i32
    %add3A_47 = arith.addi %mul3A_2, %add3A_46 : i32
    %dma_wait3A_48 = arith.constant 0 : i32
    %dma_wait3A_49 = tpu.memref_slice %arg6[%add3A_47, %dma_wait3A_48] : memref<320000x128xf32, #tpu.memory_space<hbm>> -> memref<80x128xf32, #tpu.memory_space<hbm>>
    %dma_wait3A_50 = arith.constant 0 : i32
    %dma_wait3A_51 = tpu.memref_slice %arg6[%add3A_47, %dma_wait3A_50] : memref<320000x128xf32, #tpu.memory_space<hbm>> -> memref<80x128xf32, #tpu.memory_space<hbm>>
    tpu.wait_dma2 semaphore(%arg34 : memref<!tpu.dma_semaphore, #tpu.memory_space<semaphore_mem>>) src(%arg18 : memref<80x128xf32, #tpu.memory_space<vmem>>) dst(%dma_wait3A_51 : memref<80x128xf32, #tpu.memory_space<hbm>>)
    %add3A_52 = arith.constant 9920 : i32
    %add3A_53 = arith.addi %mul3A_2, %add3A_52 : i32
    %dma_wait3A_54 = arith.constant 0 : i32
    %dma_wait3A_55 = tpu.memref_slice %arg6[%add3A_53, %dma_wait3A_54] : memref<320000x128xf32, #tpu.memory_space<hbm>> -> memref<80x128xf32, #tpu.memory_space<hbm>>
    %dma_wait3A_56 = arith.constant 0 : i32
    %dma_wait3A_57 = tpu.memref_slice %arg6[%add3A_53, %dma_wait3A_56] : memref<320000x128xf32, #tpu.memory_space<hbm>> -> memref<80x128xf32, #tpu.memory_space<hbm>>
    tpu.wait_dma2 semaphore(%arg31 : memref<!tpu.dma_semaphore, #tpu.memory_space<semaphore_mem>>) src(%arg15 : memref<80x128xf32, #tpu.memory_space<vmem>>) dst(%dma_wait3A_57 : memref<80x128xf32, #tpu.memory_space<hbm>>)
    return
  }
}

module attributes {stable_mosaic.version = 14 : i64} {
  func.func @body(%arg0: i32, %arg1: memref<2000x128xf32, #tpu.memory_space<vmem>>, %arg2: memref<128x128xf32, #tpu.memory_space<vmem>>, %arg3: memref<128x128xf32, #tpu.memory_space<vmem>>, %arg4: memref<2000x128xf32, #tpu.memory_space<vmem>>, %arg5: memref<2000x128xf32, #tpu.memory_space<vmem>>) attributes {dimension_semantics = [#tpu.dimension_semantics<arbitrary>], iteration_bounds = array<i64: 5>, scalar_prefetch = 0 : i64, scratch_operands = 0 : i64, tpu.core_type = #tpu.core_type<tc>, window_params = [{transform_indices = @transform_0, window_bounds = array<i64: 2000, 128>}, {pipeline_mode = #tpu.pipeline_mode<synchronous>, transform_indices = @transform_1, window_bounds = array<i64: 128, 128>}, {pipeline_mode = #tpu.pipeline_mode<synchronous>, transform_indices = @transform_2, window_bounds = array<i64: 128, 128>}, {transform_indices = @transform_3, window_bounds = array<i64: 2000, 128>}, {transform_indices = @transform_4, window_bounds = array<i64: 2000, 128>}]} {
    %get3A = arith.constant 0 : index
    %get3A_0 = arith.constant 0 : index
    %get3A_1 = vector.load %arg1[%get3A, %get3A_0] : memref<2000x128xf32, #tpu.memory_space<vmem>>, vector<2000x128xf32>
    %get3A_2 = arith.constant 0 : index
    %get3A_3 = arith.constant 0 : index
    %get3A_4 = vector.load %arg2[%get3A_2, %get3A_3] : memref<128x128xf32, #tpu.memory_space<vmem>>, vector<128x128xf32>
    %dot_general3A = arith.constant dense<0.000000e+00> : vector<2000x128xf32>
    %dot_general3A_5 = tpu.matmul %get3A_1, %get3A_4, %dot_general3A {dimension_numbers = #tpu.dot_dimension_numbers<[1], [0], [0], [1], [0, 0, 1, 1], [], []>, precision = #tpu.contract_precision<fp32>, transpose_lhs_hint = false} : vector<2000x128xf32>, vector<128x128xf32>, vector<2000x128xf32> -> vector<2000x128xf32>
    %swap3A = arith.constant 0 : index
    %swap3A_6 = arith.constant 0 : index
    %swap3A_7 = vector.load %arg4[%swap3A, %swap3A_6] : memref<2000x128xf32, #tpu.memory_space<vmem>>, vector<2000x128xf32>
    tpu.vector_store %arg4[%swap3A, %swap3A_6], %dot_general3A_5 {strides = array<i32>} : memref<2000x128xf32, #tpu.memory_space<vmem>>, vector<2000x128xf32>,
    %get3A_8 = arith.constant 0 : index
    %get3A_9 = arith.constant 0 : index
    %get3A_10 = vector.load %arg3[%get3A_8, %get3A_9] : memref<128x128xf32, #tpu.memory_space<vmem>>, vector<128x128xf32>
    %dot_general3A_11 = arith.constant dense<0.000000e+00> : vector<2000x128xf32>
    %dot_general3A_12 = tpu.matmul %get3A_1, %get3A_10, %dot_general3A_11 {dimension_numbers = #tpu.dot_dimension_numbers<[1], [0], [0], [1], [0, 0, 1, 1], [], []>, precision = #tpu.contract_precision<fp32>, transpose_lhs_hint = false} : vector<2000x128xf32>, vector<128x128xf32>, vector<2000x128xf32> -> vector<2000x128xf32>
    %swap3A_13 = arith.constant 0 : index
    %swap3A_14 = arith.constant 0 : index
    %swap3A_15 = vector.load %arg5[%swap3A_13, %swap3A_14] : memref<2000x128xf32, #tpu.memory_space<vmem>>, vector<2000x128xf32>
    tpu.vector_store %arg5[%swap3A_13, %swap3A_14], %dot_general3A_12 {strides = array<i32>} : memref<2000x128xf32, #tpu.memory_space<vmem>>, vector<2000x128xf32>,
    return
  }
  func.func @transform_0(%arg0: i32) -> (i32, i32) {
    %c0_i32 = arith.constant 0 : i32
    %c0_i32_0 = arith.constant 0 : i32
    return %arg0, %c0_i32 : i32, i32
  }
  func.func @transform_1(%arg0: i32) -> (i32, i32) {
    %c0_i32 = arith.constant 0 : i32
    %c0_i32_0 = arith.constant 0 : i32
    %c0_i32_1 = arith.constant 0 : i32
    return %c0_i32, %c0_i32_0 : i32, i32
  }
  func.func @transform_2(%arg0: i32) -> (i32, i32) {
    %c0_i32 = arith.constant 0 : i32
    %c0_i32_0 = arith.constant 0 : i32
    %c0_i32_1 = arith.constant 0 : i32
    return %c0_i32, %c0_i32_0 : i32, i32
  }
  func.func @transform_3(%arg0: i32) -> (i32, i32) {
    %c0_i32 = arith.constant 0 : i32
    %c0_i32_0 = arith.constant 0 : i32
    return %arg0, %c0_i32 : i32, i32
  }
  func.func @transform_4(%arg0: i32) -> (i32, i32) {
    %c0_i32 = arith.constant 0 : i32
    %c0_i32_0 = arith.constant 0 : i32
    return %arg0, %c0_i32 : i32, i32
  }
}

module attributes {stable_mosaic.version = 14 : i64} {
  func.func @body(%arg0: i32, %arg1: memref<5000x128xf32, #tpu.memory_space<vmem>>, %arg2: memref<5000x1xf32, #tpu.memory_space<vmem>>, %arg3: memref<1x128xf32, #tpu.memory_space<vmem>>, %arg4: memref<1x128xf32, #tpu.memory_space<vmem>>, %arg5: memref<128x128xf32, #tpu.memory_space<vmem>>, %arg6: memref<1x128xf32, #tpu.memory_space<vmem>>, %arg7: memref<5000x128xf32, #tpu.memory_space<vmem>>) attributes {dimension_semantics = [#tpu.dimension_semantics<arbitrary>], iteration_bounds = array<i64: 64>, scalar_prefetch = 0 : i64, scratch_operands = 0 : i64, tpu.core_type = #tpu.core_type<tc>, window_params = [{transform_indices = @transform_0, window_bounds = array<i64: 5000, 128>}, {transform_indices = @transform_1, window_bounds = array<i64: 5000, 1>}, {pipeline_mode = #tpu.pipeline_mode<synchronous>, transform_indices = @transform_2, window_bounds = array<i64: 1, 128>}, {pipeline_mode = #tpu.pipeline_mode<synchronous>, transform_indices = @transform_3, window_bounds = array<i64: 1, 128>}, {pipeline_mode = #tpu.pipeline_mode<synchronous>, transform_indices = @transform_4, window_bounds = array<i64: 128, 128>}, {pipeline_mode = #tpu.pipeline_mode<synchronous>, transform_indices = @transform_5, window_bounds = array<i64: 1, 128>}, {transform_indices = @transform_6, window_bounds = array<i64: 5000, 128>}]} {
    %get3A = arith.constant 0 : index
    %get3A_0 = arith.constant 0 : index
    %get3A_1 = vector.load %arg1[%get3A, %get3A_0] : memref<5000x128xf32, #tpu.memory_space<vmem>>, vector<5000x128xf32>
    %get3A_2 = arith.constant 0 : index
    %get3A_3 = arith.constant 0 : index
    %get3A_4 = vector.load %arg2[%get3A_2, %get3A_3] : memref<5000x1xf32, #tpu.memory_space<vmem>>, vector<5000x1xf32>
    %get3A_5 = arith.constant 0 : index
    %get3A_6 = arith.constant 0 : index
    %get3A_7 = vector.load %arg3[%get3A_5, %get3A_6] : memref<1x128xf32, #tpu.memory_space<vmem>>, vector<1x128xf32>
    %mul3A = vector.broadcast %get3A_4 : vector<5000x1xf32> to vector<5000x128xf32>
    %mul3A_8 = vector.broadcast %get3A_7 : vector<1x128xf32> to vector<5000x128xf32>
    %mul3A_9 = arith.mulf %mul3A, %mul3A_8 : vector<5000x128xf32>
    %add3A = arith.addf %get3A_1, %mul3A_9 : vector<5000x128xf32>
    %get3A_10 = arith.constant 0 : index
    %get3A_11 = arith.constant 0 : index
    %get3A_12 = vector.load %arg4[%get3A_10, %get3A_11] : memref<1x128xf32, #tpu.memory_space<vmem>>, vector<1x128xf32>
    %add3A_13 = vector.broadcast %get3A_12 : vector<1x128xf32> to vector<5000x128xf32>
    %add3A_14 = arith.addf %add3A, %add3A_13 : vector<5000x128xf32>
    %logistic3A = arith.negf %add3A_14 : vector<5000x128xf32>
    %logistic3A_15 = math.exp %logistic3A : vector<5000x128xf32>
    %logistic3A_16 = arith.constant 1.000000e+00 : f32
    %logistic3A_17 = vector.broadcast %logistic3A_16 : f32 to vector<5000x128xf32>
    %logistic3A_18 = arith.addf %logistic3A_17, %logistic3A_15 : vector<5000x128xf32>
    %logistic3A_19 = arith.divf %logistic3A_17, %logistic3A_18 : vector<5000x128xf32>
    %mul3A_20 = arith.mulf %add3A_14, %logistic3A_19 : vector<5000x128xf32>
    %get3A_21 = arith.constant 0 : index
    %get3A_22 = arith.constant 0 : index
    %get3A_23 = vector.load %arg5[%get3A_21, %get3A_22] : memref<128x128xf32, #tpu.memory_space<vmem>>, vector<128x128xf32>
    %dot_general3A = arith.constant dense<0.000000e+00> : vector<5000x128xf32>
    %dot_general3A_24 = tpu.matmul %mul3A_20, %get3A_23, %dot_general3A {dimension_numbers = #tpu.dot_dimension_numbers<[1], [0], [0], [1], [0, 0, 1, 1], [], []>, transpose_lhs_hint = false} : vector<5000x128xf32>, vector<128x128xf32>, vector<5000x128xf32> -> vector<5000x128xf32>
    %get3A_25 = arith.constant 0 : index
    %get3A_26 = arith.constant 0 : index
    %get3A_27 = vector.load %arg6[%get3A_25, %get3A_26] : memref<1x128xf32, #tpu.memory_space<vmem>>, vector<1x128xf32>
    %add3A_28 = vector.broadcast %get3A_27 : vector<1x128xf32> to vector<5000x128xf32>
    %add3A_29 = arith.addf %dot_general3A_24, %add3A_28 : vector<5000x128xf32>
    %logistic3A_30 = arith.negf %add3A_29 : vector<5000x128xf32>
    %logistic3A_31 = math.exp %logistic3A_30 : vector<5000x128xf32>
    %logistic3A_32 = arith.constant 1.000000e+00 : f32
    %logistic3A_33 = vector.broadcast %logistic3A_32 : f32 to vector<5000x128xf32>
    %logistic3A_34 = arith.addf %logistic3A_33, %logistic3A_31 : vector<5000x128xf32>
    %logistic3A_35 = arith.divf %logistic3A_33, %logistic3A_34 : vector<5000x128xf32>
    %mul3A_36 = arith.mulf %add3A_29, %logistic3A_35 : vector<5000x128xf32>
    %swap3A = arith.constant 0 : index
    %swap3A_37 = arith.constant 0 : index
    %swap3A_38 = vector.load %arg7[%swap3A, %swap3A_37] : memref<5000x128xf32, #tpu.memory_space<vmem>>, vector<5000x128xf32>
    tpu.vector_store %arg7[%swap3A, %swap3A_37], %mul3A_36 {strides = array<i32>} : memref<5000x128xf32, #tpu.memory_space<vmem>>, vector<5000x128xf32>,
    return
  }
  func.func @transform_0(%arg0: i32) -> (i32, i32) {
    %c0_i32 = arith.constant 0 : i32
    %c0_i32_0 = arith.constant 0 : i32
    return %arg0, %c0_i32 : i32, i32
  }
  func.func @transform_1(%arg0: i32) -> (i32, i32) {
    %c0_i32 = arith.constant 0 : i32
    %c0_i32_0 = arith.constant 0 : i32
    return %arg0, %c0_i32 : i32, i32
  }
  func.func @transform_2(%arg0: i32) -> (i32, i32) {
    %c0_i32 = arith.constant 0 : i32
    %c0_i32_0 = arith.constant 0 : i32
    %c0_i32_1 = arith.constant 0 : i32
    return %c0_i32, %c0_i32_0 : i32, i32
  }
  func.func @transform_3(%arg0: i32) -> (i32, i32) {
    %c0_i32 = arith.constant 0 : i32
    %c0_i32_0 = arith.constant 0 : i32
    %c0_i32_1 = arith.constant 0 : i32
    return %c0_i32, %c0_i32_0 : i32, i32
  }
  func.func @transform_4(%arg0: i32) -> (i32, i32) {
    %c0_i32 = arith.constant 0 : i32
    %c0_i32_0 = arith.constant 0 : i32
    %c0_i32_1 = arith.constant 0 : i32
    return %c0_i32, %c0_i32_0 : i32, i32
  }
  func.func @transform_5(%arg0: i32) -> (i32, i32) {
    %c0_i32 = arith.constant 0 : i32
    %c0_i32_0 = arith.constant 0 : i32
    %c0_i32_1 = arith.constant 0 : i32
    return %c0_i32, %c0_i32_0 : i32, i32
  }
  func.func @transform_6(%arg0: i32) -> (i32, i32) {
    %c0_i32 = arith.constant 0 : i32
    %c0_i32_0 = arith.constant 0 : i32
    return %arg0, %c0_i32 : i32, i32
  }
}

module attributes {stable_mosaic.version = 14 : i64} {
  func.func @body(%arg0: i32, %arg1: memref<2000x128xf32, #tpu.memory_space<vmem>>, %arg2: memref<2000x128xf32, #tpu.memory_space<vmem>>, %arg3: memref<2000x128xf32, #tpu.memory_space<vmem>>, %arg4: memref<128x128xf32, #tpu.memory_space<vmem>>, %arg5: memref<128x128xf32, #tpu.memory_space<vmem>>, %arg6: memref<1x128xf32, #tpu.memory_space<vmem>>, %arg7: memref<128x128xf32, #tpu.memory_space<vmem>>, %arg8: memref<1x128xf32, #tpu.memory_space<vmem>>, %arg9: memref<2000x128xf32, #tpu.memory_space<vmem>>) attributes {dimension_semantics = [#tpu.dimension_semantics<arbitrary>], iteration_bounds = array<i64: 5>, scalar_prefetch = 0 : i64, scratch_operands = 0 : i64, tpu.core_type = #tpu.core_type<tc>, window_params = [{transform_indices = @transform_0, window_bounds = array<i64: 2000, 128>}, {transform_indices = @transform_1, window_bounds = array<i64: 2000, 128>}, {transform_indices = @transform_2, window_bounds = array<i64: 2000, 128>}, {pipeline_mode = #tpu.pipeline_mode<synchronous>, transform_indices = @transform_3, window_bounds = array<i64: 128, 128>}, {pipeline_mode = #tpu.pipeline_mode<synchronous>, transform_indices = @transform_4, window_bounds = array<i64: 128, 128>}, {pipeline_mode = #tpu.pipeline_mode<synchronous>, transform_indices = @transform_5, window_bounds = array<i64: 1, 128>}, {pipeline_mode = #tpu.pipeline_mode<synchronous>, transform_indices = @transform_6, window_bounds = array<i64: 128, 128>}, {pipeline_mode = #tpu.pipeline_mode<synchronous>, transform_indices = @transform_7, window_bounds = array<i64: 1, 128>}, {transform_indices = @transform_8, window_bounds = array<i64: 2000, 128>}]} {
    %get3A = arith.constant 0 : index
    %get3A_0 = arith.constant 0 : index
    %get3A_1 = vector.load %arg2[%get3A, %get3A_0] : memref<2000x128xf32, #tpu.memory_space<vmem>>, vector<2000x128xf32>
    %get3A_2 = arith.constant 0 : index
    %get3A_3 = arith.constant 0 : index
    %get3A_4 = vector.load %arg3[%get3A_2, %get3A_3] : memref<2000x128xf32, #tpu.memory_space<vmem>>, vector<2000x128xf32>
    %add3A = arith.addf %get3A_1, %get3A_4 : vector<2000x128xf32>
    %get3A_5 = arith.constant 0 : index
    %get3A_6 = arith.constant 0 : index
    %get3A_7 = vector.load %arg1[%get3A_5, %get3A_6] : memref<2000x128xf32, #tpu.memory_space<vmem>>, vector<2000x128xf32>
    %get3A_8 = arith.constant 0 : index
    %get3A_9 = arith.constant 0 : index
    %get3A_10 = vector.load %arg4[%get3A_8, %get3A_9] : memref<128x128xf32, #tpu.memory_space<vmem>>, vector<128x128xf32>
    %dot_general3A = arith.constant dense<0.000000e+00> : vector<2000x128xf32>
    %dot_general3A_11 = tpu.matmul %get3A_7, %get3A_10, %dot_general3A {dimension_numbers = #tpu.dot_dimension_numbers<[1], [0], [0], [1], [0, 0, 1, 1], [], []>, transpose_lhs_hint = false} : vector<2000x128xf32>, vector<128x128xf32>, vector<2000x128xf32> -> vector<2000x128xf32>
    %get3A_12 = arith.constant 0 : index
    %get3A_13 = arith.constant 0 : index
    %get3A_14 = vector.load %arg5[%get3A_12, %get3A_13] : memref<128x128xf32, #tpu.memory_space<vmem>>, vector<128x128xf32>
    %dot_general3A_15 = arith.constant dense<0.000000e+00> : vector<2000x128xf32>
    %dot_general3A_16 = tpu.matmul %add3A, %get3A_14, %dot_general3A_15 {dimension_numbers = #tpu.dot_dimension_numbers<[1], [0], [0], [1], [0, 0, 1, 1], [], []>, transpose_lhs_hint = false} : vector<2000x128xf32>, vector<128x128xf32>, vector<2000x128xf32> -> vector<2000x128xf32>
    %add3A_17 = arith.addf %dot_general3A_11, %dot_general3A_16 : vector<2000x128xf32>
    %get3A_18 = arith.constant 0 : index
    %get3A_19 = arith.constant 0 : index
    %get3A_20 = vector.load %arg6[%get3A_18, %get3A_19] : memref<1x128xf32, #tpu.memory_space<vmem>>, vector<1x128xf32>
    %add3A_21 = vector.broadcast %get3A_20 : vector<1x128xf32> to vector<2000x128xf32>
    %add3A_22 = arith.addf %add3A_17, %add3A_21 : vector<2000x128xf32>
    %logistic3A = arith.negf %add3A_22 : vector<2000x128xf32>
    %logistic3A_23 = math.exp %logistic3A : vector<2000x128xf32>
    %logistic3A_24 = arith.constant 1.000000e+00 : f32
    %logistic3A_25 = vector.broadcast %logistic3A_24 : f32 to vector<2000x128xf32>
    %logistic3A_26 = arith.addf %logistic3A_25, %logistic3A_23 : vector<2000x128xf32>
    %logistic3A_27 = arith.divf %logistic3A_25, %logistic3A_26 : vector<2000x128xf32>
    %mul3A = arith.mulf %add3A_22, %logistic3A_27 : vector<2000x128xf32>
    %get3A_28 = arith.constant 0 : index
    %get3A_29 = arith.constant 0 : index
    %get3A_30 = vector.load %arg7[%get3A_28, %get3A_29] : memref<128x128xf32, #tpu.memory_space<vmem>>, vector<128x128xf32>
    %dot_general3A_31 = arith.constant dense<0.000000e+00> : vector<2000x128xf32>
    %dot_general3A_32 = tpu.matmul %mul3A, %get3A_30, %dot_general3A_31 {dimension_numbers = #tpu.dot_dimension_numbers<[1], [0], [0], [1], [0, 0, 1, 1], [], []>, transpose_lhs_hint = false} : vector<2000x128xf32>, vector<128x128xf32>, vector<2000x128xf32> -> vector<2000x128xf32>
    %get3A_33 = arith.constant 0 : index
    %get3A_34 = arith.constant 0 : index
    %get3A_35 = vector.load %arg8[%get3A_33, %get3A_34] : memref<1x128xf32, #tpu.memory_space<vmem>>, vector<1x128xf32>
    %add3A_36 = vector.broadcast %get3A_35 : vector<1x128xf32> to vector<2000x128xf32>
    %add3A_37 = arith.addf %dot_general3A_32, %add3A_36 : vector<2000x128xf32>
    %swap3A = arith.constant 0 : index
    %swap3A_38 = arith.constant 0 : index
    %swap3A_39 = vector.load %arg9[%swap3A, %swap3A_38] : memref<2000x128xf32, #tpu.memory_space<vmem>>, vector<2000x128xf32>
    tpu.vector_store %arg9[%swap3A, %swap3A_38], %add3A_37 {strides = array<i32>} : memref<2000x128xf32, #tpu.memory_space<vmem>>, vector<2000x128xf32>,
    return
  }
  func.func @transform_0(%arg0: i32) -> (i32, i32) {
    %c0_i32 = arith.constant 0 : i32
    %c0_i32_0 = arith.constant 0 : i32
    return %arg0, %c0_i32 : i32, i32
  }
  func.func @transform_1(%arg0: i32) -> (i32, i32) {
    %c0_i32 = arith.constant 0 : i32
    %c0_i32_0 = arith.constant 0 : i32
    return %arg0, %c0_i32 : i32, i32
  }
  func.func @transform_2(%arg0: i32) -> (i32, i32) {
    %c0_i32 = arith.constant 0 : i32
    %c0_i32_0 = arith.constant 0 : i32
    return %arg0, %c0_i32 : i32, i32
  }
  func.func @transform_3(%arg0: i32) -> (i32, i32) {
    %c0_i32 = arith.constant 0 : i32
    %c0_i32_0 = arith.constant 0 : i32
    %c0_i32_1 = arith.constant 0 : i32
    return %c0_i32, %c0_i32_0 : i32, i32
  }
  func.func @transform_4(%arg0: i32) -> (i32, i32) {
    %c0_i32 = arith.constant 0 : i32
    %c0_i32_0 = arith.constant 0 : i32
    %c0_i32_1 = arith.constant 0 : i32
    return %c0_i32, %c0_i32_0 : i32, i32
  }
  func.func @transform_5(%arg0: i32) -> (i32, i32) {
    %c0_i32 = arith.constant 0 : i32
    %c0_i32_0 = arith.constant 0 : i32
    %c0_i32_1 = arith.constant 0 : i32
    return %c0_i32, %c0_i32_0 : i32, i32
  }
  func.func @transform_6(%arg0: i32) -> (i32, i32) {
    %c0_i32 = arith.constant 0 : i32
    %c0_i32_0 = arith.constant 0 : i32
    %c0_i32_1 = arith.constant 0 : i32
    return %c0_i32, %c0_i32_0 : i32, i32
  }
  func.func @transform_7(%arg0: i32) -> (i32, i32) {
    %c0_i32 = arith.constant 0 : i32
    %c0_i32_0 = arith.constant 0 : i32
    %c0_i32_1 = arith.constant 0 : i32
    return %c0_i32, %c0_i32_0 : i32, i32
  }
  func.func @transform_8(%arg0: i32) -> (i32, i32) {
    %c0_i32 = arith.constant 0 : i32
    %c0_i32_0 = arith.constant 0 : i32
    return %arg0, %c0_i32 : i32, i32
  }
}

</mosaic_0001>

<sc_bundles>
// kernel: kernel.10.cloned.1.call-start
scs
__scs_entry_jumppad:
0x0: {  	(pc) =	sbr.rel $0x88, $3  }
0x1: {  	(tag) =	ssettag $0x0;
	lr =	simm.s32 $0x1  }
0x2: {  	[smem:$0x3F95] =	sst lr;
	_ =	strace $0xD0000000  }
0x3: {  	_ = 	snop  }
0x4: {  	_ = 	snop  }
0x5: {  	_ = 	snop  }
0x6: {  	_ = 	snop  }
0x7: {  	_ = 	snop  }
__scs_overlays_trampoline_lowered:
0x8: {  	[smem:$0x3FA4] =	sst s0  }
0x9: {  	[smem:$0x3FA5] =	sst s1  }
0xa: {  	[smem:$0x3FA6] =	sst s2  }
0xb: {  	[smem:$0x3FA7] =	sst s3  }
0xc: {  	[smem:$0x3FA8] =	sst s4  }
0xd: {  	[smem:$0x3FA9] =	sst s5  }
0xe: {  	[smem:$0x3FAA] =	sst s6  }
0xf: {  	[smem:$0x3FAB] =	sst s7  }
0x10: {  	[smem:$0x3FAC] =	sst s8  }
0x11: {  	[smem:$0x3FAD] =	sst s9;
	s0 =	simm.s32 @!p0 $0x0  }
0x12: {  	s1 =	sld [smem:$0x3F93];
	s0 =	simm.s32 @p0 $0x1  }
0x13: {  	[smem:$0x3FAE] =	sst s0;
	s0 =	simm.s32 @!p1 $0x0  }
0x14: {  	s2 =	sld [smem:$0x3F92];
	s0 =	simm.s32 @p1 $0x1  }
0x15: {  	[smem:$0x3FAF] =	sst s0;
	s0 =	simm.s32 @!p2 $0x0  }
0x16: {  	s3 =	sld [smem:$0x3FDB];
	s0 =	simm.s32 @p2 $0x1  }
0x17: {  	s4 =	simm.s32 $0x1BF5;
	[smem:$0x3FB1] =	sst s0  }
0x18: {  	s0 =	sld [smem:$0x3F94];
	_ =	swait.ge [sflag:s4], $0x0  }
0x19: {  	s7 =	sld [smem:$0x3F95]  }
0x1a: {  	s8 =	sadd.s32 $0xFFFFE003, lr  }
0x1b: {  	s9 =	sadd.s32 $0xFFFFFEF7, lr;
	s5 =	simm.s32 $0xFFFFFFFF;
	p2 =	slt.u32 s8, $0xFFFFF086  }
0x1c: {  	p1 =	slt.u32 s9, $0xF7A;
	s5 =	simm.s32 @!p2 $0x0  }
0x1d: {  	s5 =	simm.s32 @p1 $0x1;
	p0 =	seq.s32 s7, s2  }
0x1e: {  	s7 =	smul.u32 @!p0 $0xF7A, s2;
	p2 =	seq.s32 @!p0 s5, $0x0  }
0x1f: {  	s9 =	smul.u32 $0xF7A, s1;
	s8 =	simm.s32 @!p0 $0x1BF5;
	p2 =	por !p2, p0  }
0x20: {  	[sflag:s8] =	ssyncset.s32 @!p0 $0xFFFFF086;
	s6 =	sadd.s32 @!p0 s3, s7;
	s7 =	simm.s32 @!p0 $0x108  }
0x21: {  	s3 =	sadd.s32 s3, s9;
	s6 =	sadd.s32 @!p0 $0x88, s6;
	s7 =	simm.s32 @p2 $0x1082  }
0x22: {  	[simem:s7], [sflag:s8] =	dma.local @!p0 [hbm:s6], $0xF7A  }
0x23: {  	s9 =	sor.u32 $0xD0000000, s2;
	s6 =	simm.s32 $0x108;
	_ =	swait.ge @!p0 [sflag:s8], $0x0  }
0x24: {  	s3 =	sadd.s32 $0x88, s3;
	s6 =	simm.s32 @!p1 $0x1082;
	[sflag:s4] =	ssyncset.s32 $0xFFFFF086  }
0x25: {  	[simem:s6], [sflag:s4] =	dma.local [hbm:s3], $0xF7A  }
0x26: {  	[smem:$0x3F95] =	sst s1;
	(tag) =	ssettag s2;
	_ =	strace s9  }
0x27: {  	s1 =	sld [smem:$0x3FA5]  }
0x28: {  	s2 =	sld [smem:$0x3FA6]  }
0x29: {  	s4 =	sld [smem:$0x3FA8]  }
0x2a: {  	p0 =	seq.s32 s5, $0x0;
	s5 =	sld [smem:$0x3FA9]  }
0x2b: {  	s6 =	sld [smem:$0x3FAA]  }
0x2c: {  	s7 =	sld [smem:$0x3FAB]  }
0x2d: {  	s3 =	simm.s32 $0x108;
	s8 =	sld [smem:$0x3FAC]  }
0x2e: {  	s3 =	simm.s32 @!p0 $0x1082;
	s9 =	sld [smem:$0x3FAD]  }
0x2f: {  	lr =	sadd.s32 s0, s3;
	s0 =	sld [smem:$0x3FA4]  }
0x30: {  	s3 =	sld [smem:$0x3FA7]  }
0x31: {  	[smem:$0x3FB0] =	sst s10  }
0x32: {  	s10 =	sld [smem:$0x3FAE];
	_ =	sdelay $0x3  }
0x33: {  	p0 =	seq.s32 s10, $0x1;
	s10 =	sld [smem:$0x3FB0];
	_ =	sdelay $0x3  }
0x34: {  	[smem:$0x3FB0] =	sst s10  }
0x35: {  	s10 =	sld [smem:$0x3FAF];
	_ =	sdelay $0x3  }
0x36: {  	p1 =	seq.s32 s10, $0x1;
	s10 =	sld [smem:$0x3FB0];
	_ =	sdelay $0x3  }
0x37: {  	[smem:$0x3FB0] =	sst s10  }
0x38: {  	s10 =	sld [smem:$0x3FB1]  }
0x39: {  	_ = 	snop;
	(pc) =	sbr.ind lr, $3  }
0x3a: {  	_ = 	snop  }
0x3b: {  	_ = 	snop  }
0x3c: {  	p2 =	seq.s32 s10, $0x1;
	s10 =	sld [smem:$0x3FB0]  }
0x3d: {  	_ =	shalt  }
0x3e: {  	_ =	shalt  }
0x3f: {  	_ =	shalt  }
0x40: {  	_ =	shalt  }
0x41: {  	_ =	shalt  }
0x42: {  	_ =	shalt  }
0x43: {  	_ =	shalt  }
0x44: {  	_ =	shalt  }
0x45: {  	_ =	shalt  }
0x46: {  	_ =	shalt  }
0x47: {  	_ =	shalt  }
0x48: {  	_ =	shalt  }
0x49: {  	_ =	shalt  }
0x4a: {  	_ =	shalt  }
0x4b: {  	_ =	shalt  }
0x4c: {  	_ =	shalt  }
0x4d: {  	_ =	shalt  }
0x4e: {  	_ =	shalt  }
0x4f: {  	_ =	shalt  }
0x50: {  	_ =	shalt  }
0x51: {  	_ =	shalt  }
0x52: {  	_ =	shalt  }
0x53: {  	_ =	shalt  }
0x54: {  	_ =	shalt  }
0x55: {  	_ =	shalt  }
0x56: {  	_ =	shalt  }
0x57: {  	_ =	shalt  }
0x58: {  	_ =	shalt  }
0x59: {  	_ =	shalt  }
0x5a: {  	_ =	shalt  }
0x5b: {  	_ =	shalt  }
0x5c: {  	_ =	shalt  }
0x5d: {  	_ =	shalt  }
0x5e: {  	_ =	shalt  }
0x5f: {  	_ =	shalt  }
0x60: {  	_ =	shalt  }
0x61: {  	_ =	shalt  }
0x62: {  	_ =	shalt  }
0x63: {  	_ =	shalt  }
0x64: {  	_ =	shalt  }
0x65: {  	_ =	shalt  }
0x66: {  	_ =	shalt  }
0x67: {  	_ =	shalt  }
0x68: {  	_ =	shalt  }
0x69: {  	_ =	shalt  }
0x6a: {  	_ =	shalt  }
0x6b: {  	_ =	shalt  }
0x6c: {  	_ =	shalt  }
0x6d: {  	_ =	shalt  }
0x6e: {  	_ =	shalt  }
0x6f: {  	_ =	shalt  }
0x70: {  	_ =	shalt  }
0x71: {  	_ =	shalt  }
0x72: {  	_ =	shalt  }
0x73: {  	_ =	shalt  }
0x74: {  	_ =	shalt  }
0x75: {  	_ =	shalt  }
0x76: {  	_ =	shalt  }
0x77: {  	_ =	shalt  }
0x78: {  	_ =	shalt  }
0x79: {  	_ =	shalt  }
0x7a: {  	_ =	shalt  }
0x7b: {  	_ =	shalt  }
0x7c: {  	_ =	shalt  }
0x7d: {  	_ =	shalt  }
0x7e: {  	_ =	shalt  }
0x7f: {  	_ =	shalt  }
0x80: {  	_ =	shalt  }
0x81: {  	_ =	shalt  }
0x82: {  	_ =	shalt  }
0x83: {  	_ =	shalt  }
0x84: {  	_ =	shalt  }
0x85: {  	_ =	shalt  }
0x86: {  	_ =	shalt  }
0x87: {  	_ =	shalt  }
.Lfunc_end0:
.L_simem_size_0:
called_computation.1_lowered:
.L_overlay_start_0:
0x88: {  	s2 =	sld [smem:$0x3FD9]  }
0x89: {  	s3 =	sld [smem:$0x3FFE];
	_ =	sdelay $0x1  }
0x8a: {  	s1 =	srdreg.scid  }
0x8b: {  	s0 =	sand.u32 $0x1, s1  }
0x8c: {  	s17 =	sshll.u32 s0, $0xA;
	s2 =	sadd.s32 s3, s2  }
0x8d: {  	s2 =	sadd.s32 s2, s17  }
0x8e: {  	[smem:$0x3FBC] =	sst s2  }
0x8f: {  	_ = 	snop  }
0x90: {  	s2 =	sld [smem:$0x3FC8];
	(tm) =	ssettm $0x1  }
0x91: {  	s18 =	sld [smem:$0x3FFB];
	_ =	sdelay $0x3  }
0x92: {  	_ =	strace s18  }
0x93: {  	s3 =	sld [smem:$0x3FFC];
	_ =	sdelay $0x3  }
0x94: {  	_ =	strace s3  }
0x95: {  	s3 =	sld [smem:$0x3FFD];
	_ =	sdelay $0x3  }
0x96: {  	_ =	strace s3  }
0x97: {  	_ =	strace $0x8FFFFFFF  }
0x98: {  	s19 =	sld [smem:$0x3FDB];
	_ =	sdelay $0x1  }
0x99: {  	s4 =	simm.s32 $_scs_section_size  }
0x9a: {  	s5 =	simm.s32 $_size__tile_overlayer_lowered;
	s6 =	simm.s32 $_tile_overlayer_lowered  }
0x9b: {  	s22 =	simm.s32 $0x1BFF;
	s21 =	sshll.u32 s6, $0x1;
	s3 =	sadd.s32 s4, s19  }
0x9c: {  	s7 =	simm.s32 $0x0;
	s20 =	sshll.u32 s5, $0x1;
	s5 =	sadd.s32 s21, s3  }
0x9d: {  	[timem:s7], [sflag:s22] =	dma.local [hbm:s5], s20  }
0x9e: {  	_ =	swait.ge [sflag:s22], s20  }
0x9f: {  	s4 =	ssub.s32 $0x0, s20;
	[sflag:s22] =	ssyncset.done $0x0  }
0xa0: {  	[sflag:s22] =	ssyncadd.s32 s4;
	_ =	sdelay $0x1  }
0xa1: {  	s23 =	simm.s32 $0x1B8B  }
0xa2: {  	_ =	swait.ge [sflag:s23], $0x1  }
0xa3: {  	[sflag:s23] =	ssyncset.done $0x0  }
0xa4: {  	s25 =	simm.s32 $0x1B8E;
	s24 =	sld [smem:$0x3FFE];
	[sflag:s23] =	ssyncadd.s32 $0xFFFFFFFF  }
0xa5: {  	s26 =	simm.s32 $execute0_lowered;
	[smem:$0x3FD2] =	sst s25  }
0xa6: {  	s5 =	sshll.u32 s26, $0x1;
	_ =	strace $0x80000049;
	[dreg:$0x1] =	wrdreg $0xFFFFFFFF  }
0xa7: {  	s28 =	simm.s32 $_size_execute0_lowered;
	s3 =	sadd.s32 s3, s5;
	[dreg:$0x0] =	wrdreg $0x0  }
0xa8: {  	s5 =	sshll.u32 s28, $0x1;
	[dreg:$0x2] =	wrdreg s3  }
0xa9: {  	[dreg:$0x3] =	wrdreg s5  }
0xaa: {  	[dreg:$0x4] =	wrdreg $0xC0  }
0xab: {  	_ =	task [dreg:s7], $0x5FFFF  }
0xac: {  	[dreg:$0x1] =	wrdreg $0xFFFFFFFF  }
0xad: {  	[dreg:$0x0] =	wrdreg $0x60  }
0xae: {  	[dreg:$0x2] =	wrdreg s24  }
0xaf: {  	[dreg:$0x3] =	wrdreg s2  }
0xb0: {  	[dreg:$0x4] =	wrdreg $0xA2000  }
0xb1: {  	[dreg:$0x5] =	wrdreg $0x9  }
0xb2: {  	_ =	task.clear_ibuf [dreg:s7], $0x6FFFF;
	_ =	strace $0x90000049  }
0xb3: {  	s29 =	simm.s32 $0x9;
	_ =	strace $0x8000004B  }
0xb4: {  	_ =	swait.ge [sflag:s29], $0x1  }
0xb5: {  	[sflag:s29] =	ssyncadd.s32 $0xFFFFFFFF  }
0xb6: {  	_ =	strace $0x9000004B  }
0xb7: {  	_ =	sfence  }
0xb8: {  	s30 =	sld [smem:$0x0];
	_ =	sdelay $0x2  }
0xb9: {  	s31 =	sshll.u32 s1, $0xD;
	s1 =	sshrl.u32 s1, $0x2  }
0xba: {  	s3 =	sand.u32 $0x4000, s31;
	s1 =	sadd.s32 s1, s30  }
0xbb: {  	s0 =	sor.u32 s3, s0;
	s1 =	sshll.u32 s1, $0x11  }
0xbc: {  	s0 =	sor.u32 s1, s0  }
0xbd: {  	s0 =	sadd.s32 $0x8F2B, s0  }
0xbe: {  	[sflag:s0] =	ssyncadd.remote.s32 $0x1  }
0xbf: {  	_ =	sfence.sel $0xFFFF  }
0xc0: {  	[dreg:$0x0] =	wrdreg $0xFFFFFFFF;
	(pc) =	sbr.abs _section_cstart, $3  }
0xc1: {  	[dreg:$0x1] =	wrdreg $0xFFFFFFFF  }
0xc2: {  	_ =	task.clear_ibuf [dreg:s7], $0x2FFFF;
	_ =	strace $0x9FFFFFFF  }
0xc3: {  	(tm) =	ssettm $0x7FFFFFFF  }
tec
execute0_lowered:
.L_overlay_start_1:
0x0: {  	(tag) =	ssettag $0x1  }
0x1: {  	s0 =	rddreg [dreg:$0x0]  }
0x2: {  	s2 =	rddreg [dreg:$0x1]  }
0x3: {  	s3 =	rddreg [dreg:$0x2]  }
0x4: {  	s12 =	stileid.u32;
	s1 =	srdreg.scid  }
0x5: {  	s4 =	simm.s32 $0x0;
	s28 =	simm.s32 $0x2;
	s29 =	simm.s32 $0x6  }
0x6: {  	s30 =	simm.s32 $0x180;
	s31 =	simm.s32 $0x7A00;
	s16 =	simm.s32 $0x0  }
0x7: {  	s6 =	smul.u32 $0x2780, s12;
	s1 =	sand.u32 $0x1, s1;
	[smem:$0x7FF] =	sst s4  }
0x8: {  	s5 =	sadd.s32 $0x9EE000, s0;
	s10 =	sshll.u32 s12, $0x1;
	s11 =	smul.u32 $0x4F000, s12  }
0x9: {  	s19 =	sshll.u32 s12, $0x6;
	s7 =	smul.u32 $0x27800, s1;
	_ =	strace $0x8000004A  }
0xa: {  	s17 =	ssub.s32 $0x2, s1;
	s1 =	sor.u32 s1, s10;
	s12 =	sor.u32 $0x1C0D, s19  }
0xb: {  	s19 =	simm.s32 $0x200;
	s10 =	simm.s32 $0x8;
	s8 =	sadd.s32 s6, s0  }
0xc: {  	s9 =	sshrl.u32 s17, $0x1;
	s18 =	sshrl.u32 s11, $0x2;
	[dreg:$0x5] =	wrdreg s12  }
0xd: {  	s6 =	sadd.s32 s6, s7;
	s7 =	ssub.s32 s17, s9;
	s9 =	sadd.s32 s18, s3  }
0xe: {  	s8 =	sadd.s32 $0x2E00, s8;
	s0 =	sadd.s32 s6, s0;
	s6 =	smul.u32 $0x2710, s1  }
0xf: {  	s18 =	simm.s32 $0xD;
	[dreg:$0x4] =	wrdreg s8;
	s1 =	smul.u32 $0x27100, s1  }
0x10: {  	s26 =	smax.u32 s7, $0x1;
	s15 =	sshrl.u32 s9, $0x3;
	s7 =	simm.s32 $0x9  }
0x11: {  	s9 =	simm.s32 $0x4;
	s0 =	sadd.s32 $0x2A600, s0;
	[dreg:$0xb] =	wrdreg s26  }
0x12: {  	s26 =	simm.s32 $0x50;
	[dreg:$0xc] =	wrdreg s15;
	s20 =	sshrl.u32 s6, $0x3  }
0x13: {  	s21 =	sadd.s32 $0x50, s6;
	s1 =	sadd.s32 s5, s1;
	s13 =	sadd.s32 $0x140, s6  }
0x14: {  	s14 =	sadd.s32 $0x190, s6;
	[dreg:$0xa] =	wrdreg s0;
	s0 =	simm.s32 $0x3  }
0x15: {  	s22 =	sadd.s32 s2, s20;
	s23 =	sshrl.u32 s21, $0x3;
	s11 =	sshll.u32 s21, $0x4  }
.Ltmp0:
0x16: {  	[dreg:$0x7] =	wrdreg s1;
	s20 =	simm.s32 $0x80;
	(pc) =	sbr.rel .LBB2_1-.Ltmp0, $4  }
0x17: {  	s21 =	simm.s32 $0x2A00;
	s1 =	simm.s32 $0x7;
	[dreg:$0x6] =	wrdreg s22  }
0x18: {  	s24 =	sadd.s32 s2, s23;
	s25 =	sadd.s32 s5, s11;
	s22 =	simm.s32 $0x1  }
0x19: {  	s23 =	simm.s32 $0x5;
	s11 =	simm.s32 $0xA;
	[dreg:$0x8] =	wrdreg s24  }
0x1a: {  	[dreg:$0x9] =	wrdreg s25;
	s24 =	simm.s32 $0x100;
	s25 =	simm.s32 $0x5200  }
.LBB2_4:
0x1b: {  	[spmem:s3] =	stream.indirect.scatter.add.f32 [tilespmem:s31], [sflag:$0xC], $0x80, s30, s26, $0xb8;
	[tilespmem:$0x1DE00] =	vst v63  }
0x1c: {  	_ =	swait.ge [sflag:s22], $0x50  }
0x1d: {  	[sflag:s22] =	ssyncset.done $0x0  }
0x1e: {  	[sflag:s22] =	ssyncadd.s32 $0xFFFFFFB0  }
0x1f: {  	_ =	swait.ge [sflag:s23], $0x2800  }
0x20: {  	[sflag:s23] =	ssyncset.done $0x0  }
0x21: {  	s8 =	simm.s32 $0xB;
	[sflag:s23] =	ssyncadd.s32 $0xFFFFD800  }
0x22: {  	_ =	swait.ge [sflag:s8], $0x2800  }
0x23: {  	[sflag:s8] =	ssyncset.done $0x0  }
0x24: {  	s15 =	simm.s32 $0xC;
	[sflag:s8] =	ssyncadd.s32 $0xFFFFD800  }
0x25: {  	[spmem:s3] =	stream.indirect.scatter.add.f32 [tilespmem:s19], [sflag:$0x9], $0x80, s4, s26, $0xb8;
	[tilespmem:$0x1DE00] =	vst v63  }
0x26: {  	_ =	swait.ge [sflag:s15], $0x2800  }
0x27: {  	[sflag:s15] =	ssyncset.done $0x0  }
0x28: {  	[sflag:s15] =	ssyncadd.s32 $0xFFFFD800  }
0x29: {  	_ =	swait.ge [sflag:s7], $0x2800  }
0x2a: {  	[sflag:s7] =	ssyncset.done $0x0  }
0x2b: {  	[sflag:s7] =	ssyncadd.s32 $0xFFFFD800  }
0x2c: {  	[bflag:$0x0] =	sbarrier.arrive $0xFFFF  }
0x2d: {  	s12 =	rddreg [dreg:$0x5]  }
0x2e: {  	s17 =	rddreg [dreg:$0xa]  }
0x2f: {  	s15 =	rddreg [dreg:$0xc]  }
0x30: {  	[hbm:s17], [sflag:s12] =	dma.local [spmem:s15], $0x2780  }
0x31: {  	_ =	swait.ge [sflag:s18], $0x2780  }
0x32: {  	s16 =	sadd.s32 $0x1, s16;
	s17 =	rddreg [dreg:$0xb]  }
0x33: {  	p0 =	sne.s32 s16, s17  }
.Ltmp1:
0x34: {  	_ = 	snop;
	(pc) =	sbr.rel @!p0 .LBB2_5-.Ltmp1, $3  }
0x35: {  	_ =	sdelay $0x1  }
0x36: {  	[sflag:s18] =	ssyncset.done $0x0  }
0x37: {  	[sflag:s18] =	ssyncadd.s32 $0xFFFFD880  }
.LBB2_1:
0x38: {  	s8 =	rddreg [dreg:$0x4]  }
0x39: {  	[spmem:s15], [sflag:s12] =	dma.local [hbm:s8], $0x2780  }
0x3a: {  	_ =	swait.ge [sflag:s18], $0x2780  }
0x3b: {  	[sflag:s18] =	ssyncset.done $0x0  }
0x3c: {  	[sflag:s18] =	ssyncadd.s32 $0xFFFFD880  }
0x3d: {  	[bflag:$0x0] =	sbarrier.arrive $0xFFFF  }
0x3e: {  	s17 =	rddreg [dreg:$0x6]  }
0x3f: {  	[tilespmem:s4], [sflag:$0x1] =	stream.linear.gather [hbm4b:s17+s4], $0x50, $0x38;
	[tilespmem:$0x1DE00] =	vst v63  }
0x40: {  	s12 =	rddreg [dreg:$0x7]  }
0x41: {  	[tilespmem:s19], [sflag:$0x5] =	stream.linear.gather [hbm4b:s12+s4], $0x2800, $0x38;
	[tilespmem:$0x1DE00] =	vst v63  }
0x42: {  	s15 =	rddreg [dreg:$0x8]  }
0x43: {  	[tilespmem:s20], [sflag:$0x2] =	stream.linear.gather [hbm4b:s15+s4], $0x50, $0x38;
	[tilespmem:$0x1DE00] =	vst v63  }
0x44: {  	s17 =	rddreg [dreg:$0x9];
	s15 =	simm.s32 $0x0  }
0x45: {  	[tilespmem:s21], [sflag:$0x6] =	stream.linear.gather [hbm4b:s17+s4], $0x2800, $0x38;
	[tilespmem:$0x1DE00] =	vst v63  }
.LBB2_2:
0x46: {  	_ =	swait.ge [sflag:s22], $0x50  }
0x47: {  	[sflag:s22] =	ssyncset.done $0x0  }
0x48: {  	[sflag:s22] =	ssyncadd.s32 $0xFFFFFFB0  }
0x49: {  	p0 =	seq.s32 s15, $0x0;
	_ =	swait.ge [sflag:s23], $0x2800  }
0x4a: {  	s12 =	sadd.s32 @!p0 $0xA0, s15;
	[sflag:s23] =	ssyncset.done $0x0  }
0x4b: {  	s8 =	simm.s32 @!p0 $0xB;
	s12 =	simm.s32 @p0 $0xA0;
	[sflag:s23] =	ssyncadd.s32 $0xFFFFD800  }
0x4c: {  	s12 =	sadd.s32 s6, s12;
	_ =	swait.ge @!p0 [sflag:s8], $0x2800  }
0x4d: {  	s17 =	sshrl.u32 s12, $0x3;
	[sflag:s8] =	ssyncset.done @!p0 $0x0  }
0x4e: {  	s12 =	sshll.u32 s12, $0x4;
	s17 =	sadd.s32 s2, s17;
	[sflag:s8] =	ssyncadd.s32 @!p0 $0xFFFFD800  }
0x4f: {  	[tilespmem:s24], [sflag:$0x3] =	stream.linear.gather [hbm4b:s17+s4], $0x50, $0x38;
	[tilespmem:$0x1DE00] =	vst v63  }
0x50: {  	s8 =	sadd.s32 s5, s12  }
0x51: {  	[tilespmem:s25], [sflag:$0x7] =	stream.linear.gather [hbm4b:s8+s4], $0x2800, $0x38;
	[tilespmem:$0x1DE00] =	vst v63  }
0x52: {  	_ = 	snop  }
0x53: {  	[spmem:s3] =	stream.indirect.scatter.add.f32 [tilespmem:s19], [sflag:$0x9], $0x80, s4, s26, $0xb8;
	[tilespmem:$0x1DE00] =	vst v63  }
0x54: {  	_ =	swait.ge [sflag:s28], $0x50  }
0x55: {  	[sflag:s28] =	ssyncset.done $0x0  }
0x56: {  	[sflag:s28] =	ssyncadd.s32 $0xFFFFFFB0  }
0x57: {  	_ =	swait.ge [sflag:s29], $0x2800  }
0x58: {  	s8 =	sadd.s32 @!p0 $0xF0, s15;
	[sflag:s29] =	ssyncset.done $0x0  }
0x59: {  	s12 =	simm.s32 @!p0 $0xC;
	s8 =	simm.s32 @p0 $0xF0;
	[sflag:s29] =	ssyncadd.s32 $0xFFFFD800  }
0x5a: {  	s8 =	sadd.s32 s6, s8;
	_ =	swait.ge @!p0 [sflag:s12], $0x2800  }
0x5b: {  	s17 =	sshrl.u32 s8, $0x3;
	[sflag:s12] =	ssyncset.done @!p0 $0x0  }
0x5c: {  	s8 =	sshll.u32 s8, $0x4;
	s17 =	sadd.s32 s2, s17;
	[sflag:s12] =	ssyncadd.s32 @!p0 $0xFFFFD800  }
0x5d: {  	[tilespmem:s30], [sflag:$0x4] =	stream.linear.gather [hbm4b:s17+s4], $0x50, $0x38;
	[tilespmem:$0x1DE00] =	vst v63  }
0x5e: {  	s8 =	sadd.s32 s5, s8  }
0x5f: {  	[tilespmem:s31], [sflag:$0x8] =	stream.linear.gather [hbm4b:s8+s4], $0x2800, $0x38;
	[tilespmem:$0x1DE00] =	vst v63  }
0x60: {  	_ = 	snop  }
0x61: {  	[spmem:s3] =	stream.indirect.scatter.add.f32 [tilespmem:s21], [sflag:$0xA], $0x80, s20, s26, $0xb8;
	[tilespmem:$0x1DE00] =	vst v63  }
0x62: {  	_ =	swait.ge [sflag:s0], $0x50  }
0x63: {  	[sflag:s0] =	ssyncset.done $0x0  }
0x64: {  	[sflag:s0] =	ssyncadd.s32 $0xFFFFFFB0  }
0x65: {  	_ =	swait.ge [sflag:s1], $0x2800  }
0x66: {  	s12 =	smov.u32 s15;
	[sflag:s1] =	ssyncset.done $0x0  }
0x67: {  	s12 =	simm.s32 @p0 $0x0;
	[sflag:s1] =	ssyncadd.s32 $0xFFFFD800  }
0x68: {  	s8 =	sadd.s32 s12, s13;
	_ =	swait.ge [sflag:s7], $0x2800  }
0x69: {  	s17 =	sshrl.u32 s8, $0x3;
	[sflag:s7] =	ssyncset.done $0x0  }
0x6a: {  	s8 =	sshll.u32 s8, $0x4;
	s17 =	sadd.s32 s2, s17;
	[sflag:s7] =	ssyncadd.s32 $0xFFFFD800  }
0x6b: {  	[tilespmem:s4], [sflag:$0x1] =	stream.linear.gather [hbm4b:s17+s4], $0x50, $0x38;
	[tilespmem:$0x1DE00] =	vst v63  }
0x6c: {  	s8 =	sadd.s32 s5, s8  }
0x6d: {  	[tilespmem:s19], [sflag:$0x5] =	stream.linear.gather [hbm4b:s8+s4], $0x2800, $0x38;
	[tilespmem:$0x1DE00] =	vst v63  }
0x6e: {  	_ = 	snop  }
0x6f: {  	[spmem:s3] =	stream.indirect.scatter.add.f32 [tilespmem:s25], [sflag:$0xB], $0x80, s24, s26, $0xb8;
	[tilespmem:$0x1DE00] =	vst v63  }
0x70: {  	_ =	swait.ge [sflag:s9], $0x50  }
0x71: {  	[sflag:s9] =	ssyncset.done $0x0  }
0x72: {  	[sflag:s9] =	ssyncadd.s32 $0xFFFFFFB0  }
0x73: {  	p0 =	seq.s32 s15, $0x2580;
	_ =	swait.ge [sflag:s10], $0x2800  }
.Ltmp2:
0x74: {  	[sflag:s10] =	ssyncset.done $0x0;
	(pc) =	sbr.rel @p0 .LBB2_4-.Ltmp2, $4  }
0x75: {  	[sflag:s10] =	ssyncadd.s32 $0xFFFFD800  }
0x76: {  	_ =	swait.ge [sflag:s11], $0x2800  }
0x77: {  	[sflag:s11] =	ssyncset.done $0x0  }
0x78: {  	[sflag:s11] =	ssyncadd.s32 $0xFFFFD800  }
0x79: {  	s8 =	sadd.s32 s12, s14  }
0x7a: {  	s12 =	sshrl.u32 s8, $0x3  }
0x7b: {  	s12 =	sadd.s32 s2, s12  }
0x7c: {  	[tilespmem:s20], [sflag:$0x2] =	stream.linear.gather [hbm4b:s12+s4], $0x50, $0x38;
	[tilespmem:$0x1DE00] =	vst v63  }
.Ltmp3:
0x7d: {  	s8 =	sshll.u32 s8, $0x4;
	(pc) =	sbr.rel .LBB2_2-.Ltmp3, $4  }
0x7e: {  	s8 =	sadd.s32 s5, s8  }
0x7f: {  	[tilespmem:s21], [sflag:$0x6] =	stream.linear.gather [hbm4b:s8+s4], $0x2800, $0x38;
	[tilespmem:$0x1DE00] =	vst v63  }
0x80: {  	s15 =	sadd.s32 $0x140, s15  }
0x81: {  	[spmem:s3] =	stream.indirect.scatter.add.f32 [tilespmem:s31], [sflag:$0xC], $0x80, s30, s26, $0xb8;
	[tilespmem:$0x1DE00] =	vst v63  }
.LBB2_5:
0x82: {  	_ =	sfence.sel $0x180000  }
0x83: {  	[bflag:$0x0] =	sbarrier.arrive $0xFFFF  }
0x84: {  	_ =	strace $0x9000004A  }
0x85: {  	s0 =	stileid.u32;
	[bflag:$0x2] =	sbarrier.arrive $0xFFFF  }
0x86: {  	p0 =	sne.s32 s0, $0x0;
	s0 =	rddreg [dreg:$0x3]  }
0x87: {  	s0 =	sadd.s32 @!p0 $0x100000, s0  }
0x88: {  	[sflag:s0] =	ssyncadd.tile.s32 @!p0 $0x1;
	_ =	shalt  }
.Lfunc_end2:
_tile_overlayer_lowered:
.L_overlay_start_2:
0x89: {  	(tag) =	ssettag $0x2  }
0x8a: {  	s0 =	rddreg [dreg:$0x0];
	s2 =	stileid.u32  }
0x8b: {  	s1 =	rddreg [dreg:$0x1];
	p0 =	sne.s32 s2, $0x0  }
0x8c: {  	s3 =	rddreg [dreg:$0x2];
	[bflag:$0x3] =	sbarrier.arrive $0xFFFF;
	s2 =	simm.s32 @!p0 $0x1C0D  }
0x8d: {  	[timem:s3], [sflag:s2] =	dma.local @!p0 [hbm:s0], s1  }
0x8e: {  	s0 =	simm.s32 @!p0 $0xD  }
0x8f: {  	_ =	swait.ge @!p0 [sflag:s0], s1  }
0x90: {  	s1 =	ssub.s32 @!p0 $0x0, s1;
	[sflag:s0] =	ssyncset.done @!p0 $0x0  }
0x91: {  	[sflag:s0] =	ssyncadd.s32 @!p0 s1  }
0x92: {  	[bflag:$0x3] =	sbarrier.arrive $0xFFFF  }
0x93: {  	_ =	shalt  }

// kernel: kernel.7.cloned.1.call-start
scs
__scs_entry_jumppad:
0x0: {  	(pc) =	sbr.rel $0x88, $3  }
0x1: {  	(tag) =	ssettag $0x0;
	lr =	simm.s32 $0x1  }
0x2: {  	[smem:$0x3F95] =	sst lr;
	_ =	strace $0xD0000000  }
0x3: {  	_ = 	snop  }
0x4: {  	_ = 	snop  }
0x5: {  	_ = 	snop  }
0x6: {  	_ = 	snop  }
0x7: {  	_ = 	snop  }
__scs_overlays_trampoline_lowered:
0x8: {  	[smem:$0x3FA4] =	sst s0  }
0x9: {  	[smem:$0x3FA5] =	sst s1  }
0xa: {  	[smem:$0x3FA6] =	sst s2  }
0xb: {  	[smem:$0x3FA7] =	sst s3  }
0xc: {  	[smem:$0x3FA8] =	sst s4  }
0xd: {  	[smem:$0x3FA9] =	sst s5  }
0xe: {  	[smem:$0x3FAA] =	sst s6  }
0xf: {  	[smem:$0x3FAB] =	sst s7  }
0x10: {  	[smem:$0x3FAC] =	sst s8  }
0x11: {  	[smem:$0x3FAD] =	sst s9;
	s0 =	simm.s32 @!p0 $0x0  }
0x12: {  	s1 =	sld [smem:$0x3F93];
	s0 =	simm.s32 @p0 $0x1  }
0x13: {  	[smem:$0x3FAE] =	sst s0;
	s0 =	simm.s32 @!p1 $0x0  }
0x14: {  	s2 =	sld [smem:$0x3F92];
	s0 =	simm.s32 @p1 $0x1  }
0x15: {  	[smem:$0x3FAF] =	sst s0;
	s0 =	simm.s32 @!p2 $0x0  }
0x16: {  	s3 =	sld [smem:$0x3FDB];
	s0 =	simm.s32 @p2 $0x1  }
0x17: {  	s4 =	simm.s32 $0x1BF5;
	[smem:$0x3FB1] =	sst s0  }
0x18: {  	s0 =	sld [smem:$0x3F94];
	_ =	swait.ge [sflag:s4], $0x0  }
0x19: {  	s7 =	sld [smem:$0x3F95]  }
0x1a: {  	s8 =	sadd.s32 $0xFFFFE003, lr  }
0x1b: {  	s9 =	sadd.s32 $0xFFFFFEF7, lr;
	s5 =	simm.s32 $0xFFFFFFFF;
	p2 =	slt.u32 s8, $0xFFFFF086  }
0x1c: {  	p1 =	slt.u32 s9, $0xF7A;
	s5 =	simm.s32 @!p2 $0x0  }
0x1d: {  	s5 =	simm.s32 @p1 $0x1;
	p0 =	seq.s32 s7, s2  }
0x1e: {  	s7 =	smul.u32 @!p0 $0xF7A, s2;
	p2 =	seq.s32 @!p0 s5, $0x0  }
0x1f: {  	s9 =	smul.u32 $0xF7A, s1;
	s8 =	simm.s32 @!p0 $0x1BF5;
	p2 =	por !p2, p0  }
0x20: {  	[sflag:s8] =	ssyncset.s32 @!p0 $0xFFFFF086;
	s6 =	sadd.s32 @!p0 s3, s7;
	s7 =	simm.s32 @!p0 $0x108  }
0x21: {  	s3 =	sadd.s32 s3, s9;
	s6 =	sadd.s32 @!p0 $0x88, s6;
	s7 =	simm.s32 @p2 $0x1082  }
0x22: {  	[simem:s7], [sflag:s8] =	dma.local @!p0 [hbm:s6], $0xF7A  }
0x23: {  	s9 =	sor.u32 $0xD0000000, s2;
	s6 =	simm.s32 $0x108;
	_ =	swait.ge @!p0 [sflag:s8], $0x0  }
0x24: {  	s3 =	sadd.s32 $0x88, s3;
	s6 =	simm.s32 @!p1 $0x1082;
	[sflag:s4] =	ssyncset.s32 $0xFFFFF086  }
0x25: {  	[simem:s6], [sflag:s4] =	dma.local [hbm:s3], $0xF7A  }
0x26: {  	[smem:$0x3F95] =	sst s1;
	(tag) =	ssettag s2;
	_ =	strace s9  }
0x27: {  	s1 =	sld [smem:$0x3FA5]  }
0x28: {  	s2 =	sld [smem:$0x3FA6]  }
0x29: {  	s4 =	sld [smem:$0x3FA8]  }
0x2a: {  	p0 =	seq.s32 s5, $0x0;
	s5 =	sld [smem:$0x3FA9]  }
0x2b: {  	s6 =	sld [smem:$0x3FAA]  }
0x2c: {  	s7 =	sld [smem:$0x3FAB]  }
0x2d: {  	s3 =	simm.s32 $0x108;
	s8 =	sld [smem:$0x3FAC]  }
0x2e: {  	s3 =	simm.s32 @!p0 $0x1082;
	s9 =	sld [smem:$0x3FAD]  }
0x2f: {  	lr =	sadd.s32 s0, s3;
	s0 =	sld [smem:$0x3FA4]  }
0x30: {  	s3 =	sld [smem:$0x3FA7]  }
0x31: {  	[smem:$0x3FB0] =	sst s10  }
0x32: {  	s10 =	sld [smem:$0x3FAE];
	_ =	sdelay $0x3  }
0x33: {  	p0 =	seq.s32 s10, $0x1;
	s10 =	sld [smem:$0x3FB0];
	_ =	sdelay $0x3  }
0x34: {  	[smem:$0x3FB0] =	sst s10  }
0x35: {  	s10 =	sld [smem:$0x3FAF];
	_ =	sdelay $0x3  }
0x36: {  	p1 =	seq.s32 s10, $0x1;
	s10 =	sld [smem:$0x3FB0];
	_ =	sdelay $0x3  }
0x37: {  	[smem:$0x3FB0] =	sst s10  }
0x38: {  	s10 =	sld [smem:$0x3FB1]  }
0x39: {  	_ = 	snop;
	(pc) =	sbr.ind lr, $3  }
0x3a: {  	_ = 	snop  }
0x3b: {  	_ = 	snop  }
0x3c: {  	p2 =	seq.s32 s10, $0x1;
	s10 =	sld [smem:$0x3FB0]  }
0x3d: {  	_ =	shalt  }
0x3e: {  	_ =	shalt  }
0x3f: {  	_ =	shalt  }
0x40: {  	_ =	shalt  }
0x41: {  	_ =	shalt  }
0x42: {  	_ =	shalt  }
0x43: {  	_ =	shalt  }
0x44: {  	_ =	shalt  }
0x45: {  	_ =	shalt  }
0x46: {  	_ =	shalt  }
0x47: {  	_ =	shalt  }
0x48: {  	_ =	shalt  }
0x49: {  	_ =	shalt  }
0x4a: {  	_ =	shalt  }
0x4b: {  	_ =	shalt  }
0x4c: {  	_ =	shalt  }
0x4d: {  	_ =	shalt  }
0x4e: {  	_ =	shalt  }
0x4f: {  	_ =	shalt  }
0x50: {  	_ =	shalt  }
0x51: {  	_ =	shalt  }
0x52: {  	_ =	shalt  }
0x53: {  	_ =	shalt  }
0x54: {  	_ =	shalt  }
0x55: {  	_ =	shalt  }
0x56: {  	_ =	shalt  }
0x57: {  	_ =	shalt  }
0x58: {  	_ =	shalt  }
0x59: {  	_ =	shalt  }
0x5a: {  	_ =	shalt  }
0x5b: {  	_ =	shalt  }
0x5c: {  	_ =	shalt  }
0x5d: {  	_ =	shalt  }
0x5e: {  	_ =	shalt  }
0x5f: {  	_ =	shalt  }
0x60: {  	_ =	shalt  }
0x61: {  	_ =	shalt  }
0x62: {  	_ =	shalt  }
0x63: {  	_ =	shalt  }
0x64: {  	_ =	shalt  }
0x65: {  	_ =	shalt  }
0x66: {  	_ =	shalt  }
0x67: {  	_ =	shalt  }
0x68: {  	_ =	shalt  }
0x69: {  	_ =	shalt  }
0x6a: {  	_ =	shalt  }
0x6b: {  	_ =	shalt  }
0x6c: {  	_ =	shalt  }
0x6d: {  	_ =	shalt  }
0x6e: {  	_ =	shalt  }
0x6f: {  	_ =	shalt  }
0x70: {  	_ =	shalt  }
0x71: {  	_ =	shalt  }
0x72: {  	_ =	shalt  }
0x73: {  	_ =	shalt  }
0x74: {  	_ =	shalt  }
0x75: {  	_ =	shalt  }
0x76: {  	_ =	shalt  }
0x77: {  	_ =	shalt  }
0x78: {  	_ =	shalt  }
0x79: {  	_ =	shalt  }
0x7a: {  	_ =	shalt  }
0x7b: {  	_ =	shalt  }
0x7c: {  	_ =	shalt  }
0x7d: {  	_ =	shalt  }
0x7e: {  	_ =	shalt  }
0x7f: {  	_ =	shalt  }
0x80: {  	_ =	shalt  }
0x81: {  	_ =	shalt  }
0x82: {  	_ =	shalt  }
0x83: {  	_ =	shalt  }
0x84: {  	_ =	shalt  }
0x85: {  	_ =	shalt  }
0x86: {  	_ =	shalt  }
0x87: {  	_ =	shalt  }
.Lfunc_end0:
.L_simem_size_0:
called_computation_lowered:
.L_overlay_start_0:
0x88: {  	s2 =	sld [smem:$0x3FD9]  }
0x89: {  	s3 =	sld [smem:$0x3FFE];
	_ =	sdelay $0x1  }
0x8a: {  	s1 =	srdreg.scid  }
0x8b: {  	s0 =	sand.u32 $0x1, s1  }
0x8c: {  	s17 =	sshll.u32 s0, $0xA;
	s2 =	sadd.s32 s3, s2  }
0x8d: {  	s2 =	sadd.s32 s2, s17  }
0x8e: {  	[smem:$0x3FBC] =	sst s2  }
0x8f: {  	_ = 	snop  }
0x90: {  	s2 =	sld [smem:$0x3FC8]  }
0x91: {  	s18 =	sld [smem:$0x3FC7]  }
0x92: {  	s4 =	sld [smem:$0x3FD0];
	(tm) =	ssettm $0x1  }
0x93: {  	s5 =	sld [smem:$0x3FFB];
	_ =	sdelay $0x3  }
0x94: {  	_ =	strace s5  }
0x95: {  	s5 =	sld [smem:$0x3FFC];
	_ =	sdelay $0x3  }
0x96: {  	_ =	strace s5  }
0x97: {  	s5 =	sld [smem:$0x3FFD];
	_ =	sdelay $0x3  }
0x98: {  	_ =	strace s5  }
0x99: {  	_ =	strace $0x8FFFFFFF  }
0x9a: {  	s19 =	sld [smem:$0x3FDB];
	_ =	sdelay $0x1  }
0x9b: {  	s6 =	simm.s32 $_scs_section_size  }
0x9c: {  	s7 =	simm.s32 $_size__tile_overlayer_lowered;
	s8 =	simm.s32 $_tile_overlayer_lowered  }
0x9d: {  	s22 =	simm.s32 $0x1BFF;
	s21 =	sshll.u32 s8, $0x1;
	s5 =	sadd.s32 s6, s19  }
0x9e: {  	s9 =	simm.s32 $0x0;
	s20 =	sshll.u32 s7, $0x1;
	s7 =	sadd.s32 s21, s5  }
0x9f: {  	[timem:s9], [sflag:s22] =	dma.local [hbm:s7], s20  }
0xa0: {  	_ =	swait.ge [sflag:s22], s20  }
0xa1: {  	s6 =	ssub.s32 $0x0, s20;
	[sflag:s22] =	ssyncset.done $0x0  }
0xa2: {  	[sflag:s22] =	ssyncadd.s32 s6;
	_ =	sdelay $0x1  }
0xa3: {  	s23 =	simm.s32 $0x1B8B  }
0xa4: {  	_ =	swait.ge [sflag:s23], $0x1  }
0xa5: {  	[sflag:s23] =	ssyncset.done $0x0  }
0xa6: {  	s25 =	simm.s32 $0x1B8E;
	s24 =	sld [smem:$0x3FFE];
	[sflag:s23] =	ssyncadd.s32 $0xFFFFFFFF  }
0xa7: {  	s26 =	simm.s32 $execute0_lowered;
	[smem:$0x3FD2] =	sst s25  }
0xa8: {  	s7 =	sshll.u32 s26, $0x1;
	_ =	strace $0x80000046;
	[dreg:$0x1] =	wrdreg $0xFFFFFFFF  }
0xa9: {  	s28 =	simm.s32 $_size_execute0_lowered;
	s5 =	sadd.s32 s5, s7;
	[dreg:$0x0] =	wrdreg $0x0  }
0xaa: {  	s7 =	sshll.u32 s28, $0x1;
	[dreg:$0x2] =	wrdreg s5  }
0xab: {  	[dreg:$0x3] =	wrdreg s7  }
0xac: {  	[dreg:$0x4] =	wrdreg $0xC0  }
0xad: {  	_ =	task [dreg:s9], $0x5FFFF  }
0xae: {  	[dreg:$0x1] =	wrdreg $0xFFFFFFFF  }
0xaf: {  	[dreg:$0x0] =	wrdreg $0x60  }
0xb0: {  	[dreg:$0x2] =	wrdreg s2  }
0xb1: {  	[dreg:$0x3] =	wrdreg s18  }
0xb2: {  	[dreg:$0x4] =	wrdreg s4  }
0xb3: {  	[dreg:$0x5] =	wrdreg s24  }
0xb4: {  	[dreg:$0x6] =	wrdreg $0x9  }
0xb5: {  	_ =	task.clear_ibuf [dreg:s9], $0x7FFFF;
	_ =	strace $0x90000046  }
0xb6: {  	s29 =	simm.s32 $0x9;
	_ =	strace $0x80000048  }
0xb7: {  	_ =	swait.ge [sflag:s29], $0x1  }
0xb8: {  	[sflag:s29] =	ssyncadd.s32 $0xFFFFFFFF  }
0xb9: {  	_ =	strace $0x90000048  }
0xba: {  	_ =	sfence  }
0xbb: {  	s30 =	sld [smem:$0x0];
	_ =	sdelay $0x2  }
0xbc: {  	s31 =	sshll.u32 s1, $0xD;
	s1 =	sshrl.u32 s1, $0x2  }
0xbd: {  	s3 =	sand.u32 $0x4000, s31;
	s1 =	sadd.s32 s1, s30  }
0xbe: {  	s0 =	sor.u32 s3, s0;
	s1 =	sshll.u32 s1, $0x11  }
0xbf: {  	s0 =	sor.u32 s1, s0  }
0xc0: {  	s0 =	sadd.s32 $0x8F2B, s0  }
0xc1: {  	[sflag:s0] =	ssyncadd.remote.s32 $0x1  }
0xc2: {  	_ =	sfence.sel $0xFFFF  }
0xc3: {  	[dreg:$0x0] =	wrdreg $0xFFFFFFFF;
	(pc) =	sbr.abs _section_cstart, $3  }
0xc4: {  	[dreg:$0x1] =	wrdreg $0xFFFFFFFF  }
0xc5: {  	_ =	task.clear_ibuf [dreg:s9], $0x2FFFF;
	_ =	strace $0x9FFFFFFF  }
0xc6: {  	(tm) =	ssettm $0x7FFFFFFF  }
0xc7: {  	_ =	shalt  }
tec
execute0_lowered:
.L_overlay_start_1:
0x0: {  	(tag) =	ssettag $0x1  }
0x1: {  	s1 =	rddreg [dreg:$0x0]  }
0x2: {  	s2 =	rddreg [dreg:$0x1]  }
0x3: {  	s4 =	rddreg [dreg:$0x2]  }
0x4: {  	s0 =	rddreg [dreg:$0x3];
	s3 =	srdreg.scid  }
0x5: {  	s6 =	stileid.u32;
	s5 =	simm.s32 $0x0;
	s18 =	simm.s32 $0xD  }
0x6: {  	s19 =	simm.s32 $0x200;
	s20 =	simm.s32 $0x50;
	s21 =	simm.s32 $0x400  }
0x7: {  	s28 =	simm.s32 $0x1;
	s29 =	simm.s32 $0x5;
	s12 =	simm.s32 $0x180  }
0x8: {  	s13 =	simm.s32 $0x380;
	s16 =	simm.s32 $0x7C00;
	s17 =	simm.s32 $0x9  }
0x9: {  	s15 =	simm.s32 $0x8;
	s3 =	sand.u32 $0x1, s3;
	s6 =	sshll.u32 s6, $0x1  }
0xa: {  	s14 =	simm.s32 $0x0;
	[smem:$0x7FF] =	sst s5;
	s9 =	sor.u32 s3, s6  }
0xb: {  	s7 =	sadd.s32 $0x2E00, s0;
	s3 =	ssub.s32 $0x2, s3;
	s6 =	smul.u32 $0x2710, s9  }
0xc: {  	s8 =	sadd.s32 $0x2A000, s0;
	_ =	strace $0x80000047;
	s22 =	sshrl.u32 s3, $0x1  }
0xd: {  	s9 =	smul.u32 $0x138800, s9;
	s0 =	ssub.s32 s3, s22;
	s11 =	sadd.s32 $0x50, s6  }
0xe: {  	s22 =	simm.s32 $0x4;
	s26 =	sadd.s32 $0x140, s6;
	[dreg:$0x5] =	wrdreg s11  }
0xf: {  	s10 =	sshrl.u32 s6, $0x3;
	s31 =	sadd.s32 $0x190, s6;
	[dreg:$0xa] =	wrdreg s26  }
0x10: {  	s9 =	sshrl.u32 s9, $0x3;
	s0 =	smax.u32 s0, $0x1;
	[dreg:$0xb] =	wrdreg s31  }
0x11: {  	s23 =	sadd.s32 s1, s10;
	s24 =	sshrl.u32 s11, $0x3;
	[dreg:$0xd] =	wrdreg s0  }
0x12: {  	s10 =	sadd.s32 s2, s10;
	s30 =	sadd.s32 s8, s9;
	[dreg:$0x6] =	wrdreg s23  }
0x13: {  	s11 =	simm.s32 $0x6;
	[dreg:$0x7] =	wrdreg s10;
	s25 =	sadd.s32 s1, s24  }
0x14: {  	s26 =	simm.s32 $0x3;
	s3 =	sadd.s32 s2, s24;
	[dreg:$0x8] =	wrdreg s25  }
0x15: {  	s9 =	simm.s32 $0xA;
	[dreg:$0x9] =	wrdreg s3;
	s3 =	sadd.s32 $0x26C00, s30  }
0x16: {  	s10 =	simm.s32 $0x2;
	[dreg:$0xc] =	wrdreg s3;
	s3 =	simm.s32 $0x7  }
.LBB2_1:
0x17: {  	[dreg:$0xe] =	wrdreg s14  }
0x18: {  	s0 =	rddreg [dreg:$0x6]  }
0x19: {  	[tilespmem:s5], [sflag:$0xD] =	stream.linear.gather [hbm4b:s0+s5], $0x50, $0x38;
	[tilespmem:$0x14400] =	vst v63  }
0x1a: {  	_ =	swait.ge [sflag:s18], $0x50  }
0x1b: {  	[sflag:s18] =	ssyncset.done $0x0  }
0x1c: {  	s31 =	rddreg [dreg:$0x7];
	[sflag:s18] =	ssyncadd.s32 $0xFFFFFFB0  }
0x1d: {  	[tilespmem:s19], [sflag:$0xD] =	stream.linear.gather [hbm4b:s31+s5], $0x50, $0x38;
	[tilespmem:$0x14400] =	vst v63  }
0x1e: {  	_ =	swait.ge [sflag:s18], $0x50  }
0x1f: {  	[sflag:s18] =	ssyncset.done $0x0  }
0x20: {  	[sflag:s18] =	ssyncadd.s32 $0xFFFFFFB0  }
0x21: {  	[tilespmem:s21], [sflag:$0x1] =	stream.indirect.gather [hbm4b:s4+s20], $0x80, s5, s20, $0xb8;
	[tilespmem:$0x14400] =	vst v63  }
0x22: {  	s14 =	simm.s32 $0xA400  }
0x23: {  	[tilespmem:s14], [sflag:$0x5] =	stream.indirect.gather [hbm4b:s7+s20], $0x80, s19, s20, $0xb8;
	[tilespmem:$0x14400] =	vst v63  }
0x24: {  	s24 =	simm.s32 $0x80;
	s23 =	rddreg [dreg:$0x8]  }
0x25: {  	[tilespmem:s24], [sflag:$0xD] =	stream.linear.gather [hbm4b:s23+s5], $0x50, $0x38;
	[tilespmem:$0x14400] =	vst v63  }
0x26: {  	_ =	swait.ge [sflag:s18], $0x50  }
0x27: {  	[sflag:s18] =	ssyncset.done $0x0  }
0x28: {  	s23 =	simm.s32 $0x280;
	s25 =	rddreg [dreg:$0x9];
	[sflag:s18] =	ssyncadd.s32 $0xFFFFFFB0  }
0x29: {  	[tilespmem:s23], [sflag:$0xD] =	stream.linear.gather [hbm4b:s25+s5], $0x50, $0x38;
	[tilespmem:$0x14400] =	vst v63  }
0x2a: {  	_ =	swait.ge [sflag:s18], $0x50  }
0x2b: {  	[sflag:s18] =	ssyncset.done $0x0  }
0x2c: {  	s30 =	simm.s32 $0x2C00;
	[sflag:s18] =	ssyncadd.s32 $0xFFFFFFB0  }
0x2d: {  	[tilespmem:s30], [sflag:$0x2] =	stream.indirect.gather [hbm4b:s4+s20], $0x80, s24, s20, $0xb8;
	[tilespmem:$0x14400] =	vst v63  }
0x2e: {  	s31 =	simm.s32 $0xCC00;
	s14 =	simm.s32 $0x0  }
0x2f: {  	[tilespmem:s31], [sflag:$0x6] =	stream.indirect.gather [hbm4b:s7+s20], $0x80, s23, s20, $0xb8;
	[tilespmem:$0x14400] =	vst v63  }
.LBB2_2:
0x30: {  	_ =	swait.ge [sflag:s28], $0x2800  }
0x31: {  	[sflag:s28] =	ssyncset.done $0x0  }
0x32: {  	[sflag:s28] =	ssyncadd.s32 $0xFFFFD800  }
0x33: {  	_ =	swait.ge [sflag:s29], $0x2800  }
0x34: {  	[sflag:s29] =	ssyncset.done $0x0  }
0x35: {  	s24 =	simm.s32 $0x0;
	[sflag:s29] =	ssyncadd.s32 $0xFFFFD800  }
0x36: {  	v6 =	vld [tilespmem:s24+$0xA400]  }
0x37: {  	v11 =	vld [tilespmem:s24+$0xA410]  }
0x38: {  	v5 =	vld [tilespmem:s24+$0xA420]  }
0x39: {  	v4 =	vld [tilespmem:s24+$0xA430]  }
0x3a: {  	v3 =	vld [tilespmem:s24+$0xA440]  }
0x3b: {  	v2 =	vld [tilespmem:s24+$0xA450]  }
0x3c: {  	v1 =	vld [tilespmem:s24+$0xA460]  }
0x3d: {  	v0 =	vld [tilespmem:s24+$0xA470]  }
0x3e: {  	v12 =	vld [tilespmem:s24+$0x400]  }
0x3f: {  	v13 =	vld [tilespmem:s24+$0x410]  }
0x40: {  	v10 =	vld [tilespmem:s24+$0x420]  }
0x41: {  	v9 =	vld [tilespmem:s24+$0x430]  }
0x42: {  	v8 =	vld [tilespmem:s24+$0x440]  }
0x43: {  	v7 =	vld [tilespmem:s24+$0x450];
	v12 =	vadd.f32 v6, v12  }
0x44: {  	s23 =	simm.s32 $0x200;
	v11 =	vadd.f32 v11, v13;
	v6 =	vld [tilespmem:s24+$0x460]  }
.LBB2_3:
0x45: {  	s25 =	sshra.s32 s23, $0x2;
	p0 =	sne.s32 s23, $0x9E00;
	[tilespmem:s24+$0x400] =	vst v12;
	v5 =	vadd.f32 v5, v10;
	v10 =	vld [tilespmem:s24+$0x470]  }
0x46: {  	v12 =	vld [tilespmem:s25+$0xA400];
	[tilespmem:s24+$0x410] =	vst v11;
	v4 =	vadd.f32 v4, v9  }
0x47: {  	v11 =	vld [tilespmem:s25+$0xA410];
	[tilespmem:s24+$0x420] =	vst v5;
	v3 =	vadd.f32 v3, v8  }
0x48: {  	v5 =	vld [tilespmem:s25+$0xA420];
	[tilespmem:s24+$0x430] =	vst v4;
	v2 =	vadd.f32 v2, v7  }
0x49: {  	v4 =	vld [tilespmem:s25+$0xA430];
	[tilespmem:s24+$0x440] =	vst v3;
	v1 =	vadd.f32 v1, v6  }
0x4a: {  	v3 =	vld [tilespmem:s25+$0xA440];
	[tilespmem:s24+$0x450] =	vst v2;
	v0 =	vadd.f32 v0, v10  }
0x4b: {  	v2 =	vld [tilespmem:s25+$0xA450];
	[tilespmem:s24+$0x460] =	vst v1  }
0x4c: {  	v1 =	vld [tilespmem:s25+$0xA460];
	[tilespmem:s24+$0x470] =	vst v0;
	s24 =	smov.u32 s25  }
0x4d: {  	v0 =	vld [tilespmem:s24+$0xA470]  }
0x4e: {  	v6 =	vld [tilespmem:s24+$0x400]  }
0x4f: {  	v13 =	vld [tilespmem:s24+$0x410]  }
.Ltmp0:
0x50: {  	v10 =	vld [tilespmem:s24+$0x420];
	(pc) =	sbr.rel @p0 .LBB2_3-.Ltmp0, $4  }
0x51: {  	v9 =	vld [tilespmem:s24+$0x430]  }
0x52: {  	v8 =	vld [tilespmem:s24+$0x440]  }
0x53: {  	v12 =	vadd.f32 v12, v6;
	v7 =	vld [tilespmem:s24+$0x450]  }
0x54: {  	s23 =	sadd.s32 $0x200, s23;
	v11 =	vadd.f32 v11, v13;
	v6 =	vld [tilespmem:s24+$0x460]  }
0x55: {  	[tilespmem:s24+$0x400] =	vst v12;
	v5 =	vadd.f32 v5, v10;
	v10 =	vld [tilespmem:s24+$0x470]  }
0x56: {  	[tilespmem:s24+$0x410] =	vst v11;
	v4 =	vadd.f32 v4, v9  }
0x57: {  	[tilespmem:s24+$0x420] =	vst v5;
	v3 =	vadd.f32 v3, v8  }
0x58: {  	s23 =	smul.u32 $0x140, s14;
	[tilespmem:s24+$0x430] =	vst v4;
	v2 =	vadd.f32 v2, v7  }
0x59: {  	[tilespmem:s24+$0x440] =	vst v3;
	v1 =	vadd.f32 v1, v6  }
0x5a: {  	s25 =	sadd.s32 s6, s23;
	[tilespmem:s24+$0x450] =	vst v2;
	v0 =	vadd.f32 v0, v10  }
0x5b: {  	p0 =	seq.s32 s14, $0x0;
	s25 =	sshll.u32 s25, $0x4;
	[tilespmem:s24+$0x460] =	vst v1  }
0x5c: {  	s25 =	sadd.s32 s8, s25;
	[tilespmem:s24+$0x470] =	vst v0;
	s24 =	sadd.s32 @!p0 $0xA0, s23  }
0x5d: {  	[hbm4b:s25+s5] =	stream.linear.scatter [tilespmem:s21], [sflag:$0x9], $0x2800, $0x38;
	[tilespmem:$0x14400] =	vst v63  }
0x5e: {  	s25 =	simm.s32 @!p0 $0xB;
	s24 =	simm.s32 @p0 $0xA0  }
0x5f: {  	_ =	swait.ge @!p0 [sflag:s25], $0x2800;
	s24 =	sadd.s32 s6, s24  }
0x60: {  	s31 =	simm.s32 $0x0;
	[sflag:s25] =	ssyncset.done @!p0 $0x0;
	s30 =	sshrl.u32 s24, $0x3  }
0x61: {  	s0 =	simm.s32 $0x100;
	[sflag:s25] =	ssyncadd.s32 @!p0 $0xFFFFD800;
	s25 =	sadd.s32 s1, s30  }
0x62: {  	[tilespmem:s0], [sflag:$0xD] =	stream.linear.gather [hbm4b:s25+s31], $0x50, $0x38;
	[tilespmem:$0x14400] =	vst v63  }
0x63: {  	_ =	swait.ge [sflag:s18], $0x50  }
0x64: {  	[sflag:s18] =	ssyncset.done $0x0  }
0x65: {  	s25 =	sadd.s32 s2, s30;
	s30 =	simm.s32 $0x300;
	[sflag:s18] =	ssyncadd.s32 $0xFFFFFFB0  }
0x66: {  	[tilespmem:s30], [sflag:$0xD] =	stream.linear.gather [hbm4b:s25+s31], $0x50, $0x38;
	[tilespmem:$0x14400] =	vst v63  }
0x67: {  	_ =	swait.ge [sflag:s18], $0x50  }
0x68: {  	[sflag:s18] =	ssyncset.done $0x0  }
0x69: {  	s31 =	simm.s32 $0x5400;
	[sflag:s18] =	ssyncadd.s32 $0xFFFFFFB0  }
0x6a: {  	[tilespmem:s31], [sflag:$0x3] =	stream.indirect.gather [hbm4b:s4+s20], $0x80, s0, s20, $0xb8;
	[tilespmem:$0x14400] =	vst v63  }
0x6b: {  	s31 =	simm.s32 $0xF400  }
0x6c: {  	[tilespmem:s31], [sflag:$0x7] =	stream.indirect.gather [hbm4b:s7+s20], $0x80, s30, s20, $0xb8;
	[tilespmem:$0x14400] =	vst v63  }
0x6d: {  	_ =	swait.ge [sflag:s10], $0x2800  }
0x6e: {  	[sflag:s10] =	ssyncset.done $0x0  }
0x6f: {  	[sflag:s10] =	ssyncadd.s32 $0xFFFFD800  }
0x70: {  	_ =	swait.ge [sflag:s11], $0x2800  }
0x71: {  	[sflag:s11] =	ssyncset.done $0x0  }
0x72: {  	s25 =	simm.s32 $0x0;
	[sflag:s11] =	ssyncadd.s32 $0xFFFFD800  }
0x73: {  	v7 =	vld [tilespmem:s25+$0xCC00]  }
0x74: {  	v11 =	vld [tilespmem:s25+$0xCC10]  }
0x75: {  	v5 =	vld [tilespmem:s25+$0xCC20]  }
0x76: {  	v4 =	vld [tilespmem:s25+$0xCC30]  }
0x77: {  	v3 =	vld [tilespmem:s25+$0xCC40]  }
0x78: {  	v2 =	vld [tilespmem:s25+$0xCC50]  }
0x79: {  	v1 =	vld [tilespmem:s25+$0xCC60]  }
0x7a: {  	v0 =	vld [tilespmem:s25+$0xCC70]  }
0x7b: {  	v12 =	vld [tilespmem:s25+$0x2C00]  }
0x7c: {  	v13 =	vld [tilespmem:s25+$0x2C10]  }
0x7d: {  	v10 =	vld [tilespmem:s25+$0x2C20]  }
0x7e: {  	v9 =	vld [tilespmem:s25+$0x2C30]  }
0x7f: {  	v8 =	vld [tilespmem:s25+$0x2C40]  }
0x80: {  	v6 =	vld [tilespmem:s25+$0x2C50];
	v12 =	vadd.f32 v7, v12  }
0x81: {  	s30 =	simm.s32 $0x200;
	v11 =	vadd.f32 v11, v13;
	v7 =	vld [tilespmem:s25+$0x2C60]  }
.LBB2_5:
0x82: {  	s31 =	sshra.s32 s30, $0x2;
	p1 =	sne.s32 s30, $0x9E00;
	[tilespmem:s25+$0x2C00] =	vst v12;
	v5 =	vadd.f32 v5, v10;
	v10 =	vld [tilespmem:s25+$0x2C70]  }
0x83: {  	v12 =	vld [tilespmem:s31+$0xCC00];
	[tilespmem:s25+$0x2C10] =	vst v11;
	v4 =	vadd.f32 v4, v9  }
0x84: {  	v11 =	vld [tilespmem:s31+$0xCC10];
	[tilespmem:s25+$0x2C20] =	vst v5;
	v3 =	vadd.f32 v3, v8  }
0x85: {  	v5 =	vld [tilespmem:s31+$0xCC20];
	[tilespmem:s25+$0x2C30] =	vst v4;
	v2 =	vadd.f32 v2, v6  }
0x86: {  	v4 =	vld [tilespmem:s31+$0xCC30];
	[tilespmem:s25+$0x2C40] =	vst v3;
	v1 =	vadd.f32 v1, v7  }
0x87: {  	v3 =	vld [tilespmem:s31+$0xCC40];
	[tilespmem:s25+$0x2C50] =	vst v2;
	v0 =	vadd.f32 v0, v10  }
0x88: {  	v2 =	vld [tilespmem:s31+$0xCC50];
	[tilespmem:s25+$0x2C60] =	vst v1  }
0x89: {  	v1 =	vld [tilespmem:s31+$0xCC60];
	[tilespmem:s25+$0x2C70] =	vst v0;
	s25 =	smov.u32 s31  }
0x8a: {  	v0 =	vld [tilespmem:s25+$0xCC70]  }
0x8b: {  	v6 =	vld [tilespmem:s25+$0x2C00]  }
0x8c: {  	v7 =	vld [tilespmem:s25+$0x2C10]  }
.Ltmp1:
0x8d: {  	v10 =	vld [tilespmem:s25+$0x2C20];
	(pc) =	sbr.rel @p1 .LBB2_5-.Ltmp1, $4  }
0x8e: {  	v9 =	vld [tilespmem:s25+$0x2C30]  }
0x8f: {  	v8 =	vld [tilespmem:s25+$0x2C40]  }
0x90: {  	v12 =	vadd.f32 v12, v6;
	v6 =	vld [tilespmem:s25+$0x2C50]  }
0x91: {  	s30 =	sadd.s32 $0x200, s30;
	v11 =	vadd.f32 v11, v7;
	v7 =	vld [tilespmem:s25+$0x2C60]  }
0x92: {  	[tilespmem:s25+$0x2C00] =	vst v12;
	v5 =	vadd.f32 v5, v10;
	v10 =	vld [tilespmem:s25+$0x2C70]  }
0x93: {  	[tilespmem:s25+$0x2C10] =	vst v11;
	v4 =	vadd.f32 v4, v9  }
0x94: {  	[tilespmem:s25+$0x2C20] =	vst v5;
	v3 =	vadd.f32 v3, v8  }
0x95: {  	[tilespmem:s25+$0x2C30] =	vst v4;
	v2 =	vadd.f32 v2, v6  }
0x96: {  	s0 =	rddreg [dreg:$0x5];
	[tilespmem:s25+$0x2C40] =	vst v3;
	v1 =	vadd.f32 v1, v7  }
0x97: {  	s30 =	sadd.s32 s23, s0;
	[tilespmem:s25+$0x2C50] =	vst v2;
	v0 =	vadd.f32 v0, v10  }
0x98: {  	s30 =	sshll.u32 s30, $0x4;
	[tilespmem:s25+$0x2C60] =	vst v1  }
0x99: {  	s0 =	simm.s32 $0x2C00;
	[tilespmem:s25+$0x2C70] =	vst v0;
	s25 =	sadd.s32 s8, s30  }
0x9a: {  	[hbm4b:s25+s5] =	stream.linear.scatter [tilespmem:s0], [sflag:$0xA], $0x2800, $0x38;
	[tilespmem:$0x14400] =	vst v63  }
0x9b: {  	s25 =	sadd.s32 @!p0 $0xF0, s23  }
0x9c: {  	s30 =	simm.s32 @!p0 $0xC;
	s25 =	simm.s32 @p0 $0xF0  }
0x9d: {  	_ =	swait.ge @!p0 [sflag:s30], $0x2800;
	s25 =	sadd.s32 s6, s25  }
0x9e: {  	[sflag:s30] =	ssyncset.done @!p0 $0x0;
	s31 =	sshrl.u32 s25, $0x3  }
0x9f: {  	s0 =	simm.s32 $0x0;
	[sflag:s30] =	ssyncadd.s32 @!p0 $0xFFFFD800;
	s30 =	sadd.s32 s1, s31  }
0xa0: {  	[tilespmem:s12], [sflag:$0xD] =	stream.linear.gather [hbm4b:s30+s0], $0x50, $0x38;
	[tilespmem:$0x14400] =	vst v63  }
0xa1: {  	_ =	swait.ge [sflag:s18], $0x50  }
0xa2: {  	[sflag:s18] =	ssyncset.done $0x0  }
0xa3: {  	s30 =	sadd.s32 s2, s31;
	[sflag:s18] =	ssyncadd.s32 $0xFFFFFFB0  }
0xa4: {  	[tilespmem:s13], [sflag:$0xD] =	stream.linear.gather [hbm4b:s30+s0], $0x50, $0x38;
	[tilespmem:$0x14400] =	vst v63  }
0xa5: {  	_ =	swait.ge [sflag:s18], $0x50  }
0xa6: {  	[sflag:s18] =	ssyncset.done $0x0  }
0xa7: {  	[sflag:s18] =	ssyncadd.s32 $0xFFFFFFB0  }
0xa8: {  	[tilespmem:s16], [sflag:$0x4] =	stream.indirect.gather [hbm4b:s4+s20], $0x80, s12, s20, $0xb8;
	[tilespmem:$0x14400] =	vst v63  }
0xa9: {  	s0 =	simm.s32 $0x11C00  }
0xaa: {  	[tilespmem:s0], [sflag:$0x8] =	stream.indirect.gather [hbm4b:s7+s20], $0x80, s13, s20, $0xb8;
	[tilespmem:$0x14400] =	vst v63  }
0xab: {  	_ =	swait.ge [sflag:s26], $0x2800  }
0xac: {  	[sflag:s26] =	ssyncset.done $0x0  }
0xad: {  	[sflag:s26] =	ssyncadd.s32 $0xFFFFD800  }
0xae: {  	_ =	swait.ge [sflag:s3], $0x2800  }
0xaf: {  	[sflag:s3] =	ssyncset.done $0x0  }
0xb0: {  	s30 =	simm.s32 $0x0;
	[sflag:s3] =	ssyncadd.s32 $0xFFFFD800  }
0xb1: {  	v7 =	vld [tilespmem:s30+$0xF400]  }
0xb2: {  	v11 =	vld [tilespmem:s30+$0xF410]  }
0xb3: {  	v5 =	vld [tilespmem:s30+$0xF420]  }
0xb4: {  	v4 =	vld [tilespmem:s30+$0xF430]  }
0xb5: {  	v3 =	vld [tilespmem:s30+$0xF440]  }
0xb6: {  	v2 =	vld [tilespmem:s30+$0xF450]  }
0xb7: {  	v1 =	vld [tilespmem:s30+$0xF460]  }
0xb8: {  	v0 =	vld [tilespmem:s30+$0xF470]  }
0xb9: {  	v12 =	vld [tilespmem:s30+$0x5400]  }
0xba: {  	v13 =	vld [tilespmem:s30+$0x5410]  }
0xbb: {  	v10 =	vld [tilespmem:s30+$0x5420]  }
0xbc: {  	v9 =	vld [tilespmem:s30+$0x5430]  }
0xbd: {  	v8 =	vld [tilespmem:s30+$0x5440]  }
0xbe: {  	v6 =	vld [tilespmem:s30+$0x5450];
	v12 =	vadd.f32 v7, v12  }
0xbf: {  	s31 =	simm.s32 $0x200;
	v11 =	vadd.f32 v11, v13;
	v7 =	vld [tilespmem:s30+$0x5460]  }
.LBB2_7:
0xc0: {  	s0 =	sshra.s32 s31, $0x2;
	p0 =	sne.s32 s31, $0x9E00;
	[tilespmem:s30+$0x5400] =	vst v12;
	v5 =	vadd.f32 v5, v10;
	v10 =	vld [tilespmem:s30+$0x5470]  }
0xc1: {  	v12 =	vld [tilespmem:s0+$0xF400];
	[tilespmem:s30+$0x5410] =	vst v11;
	v4 =	vadd.f32 v4, v9  }
0xc2: {  	v11 =	vld [tilespmem:s0+$0xF410];
	[tilespmem:s30+$0x5420] =	vst v5;
	v3 =	vadd.f32 v3, v8  }
0xc3: {  	v5 =	vld [tilespmem:s0+$0xF420];
	[tilespmem:s30+$0x5430] =	vst v4;
	v2 =	vadd.f32 v2, v6  }
0xc4: {  	v4 =	vld [tilespmem:s0+$0xF430];
	[tilespmem:s30+$0x5440] =	vst v3;
	v1 =	vadd.f32 v1, v7  }
0xc5: {  	v3 =	vld [tilespmem:s0+$0xF440];
	[tilespmem:s30+$0x5450] =	vst v2;
	v0 =	vadd.f32 v0, v10  }
0xc6: {  	v2 =	vld [tilespmem:s0+$0xF450];
	[tilespmem:s30+$0x5460] =	vst v1  }
0xc7: {  	v1 =	vld [tilespmem:s0+$0xF460];
	[tilespmem:s30+$0x5470] =	vst v0;
	s30 =	smov.u32 s0  }
0xc8: {  	v0 =	vld [tilespmem:s30+$0xF470]  }
0xc9: {  	v6 =	vld [tilespmem:s30+$0x5400]  }
0xca: {  	v7 =	vld [tilespmem:s30+$0x5410]  }
.Ltmp2:
0xcb: {  	v10 =	vld [tilespmem:s30+$0x5420];
	(pc) =	sbr.rel @p0 .LBB2_7-.Ltmp2, $4  }
0xcc: {  	v9 =	vld [tilespmem:s30+$0x5430]  }
0xcd: {  	v8 =	vld [tilespmem:s30+$0x5440]  }
0xce: {  	v12 =	vadd.f32 v12, v6;
	v6 =	vld [tilespmem:s30+$0x5450]  }
0xcf: {  	s31 =	sadd.s32 $0x200, s31;
	v11 =	vadd.f32 v11, v7;
	v7 =	vld [tilespmem:s30+$0x5460]  }
0xd0: {  	[tilespmem:s30+$0x5400] =	vst v12;
	v5 =	vadd.f32 v5, v10;
	v10 =	vld [tilespmem:s30+$0x5470]  }
0xd1: {  	[tilespmem:s30+$0x5410] =	vst v11;
	v4 =	vadd.f32 v4, v9  }
0xd2: {  	[tilespmem:s30+$0x5420] =	vst v5;
	v3 =	vadd.f32 v3, v8  }
0xd3: {  	[tilespmem:s30+$0x5430] =	vst v4;
	v2 =	vadd.f32 v2, v6  }
0xd4: {  	[tilespmem:s30+$0x5440] =	vst v3;
	v1 =	vadd.f32 v1, v7  }
0xd5: {  	[tilespmem:s30+$0x5450] =	vst v2;
	v0 =	vadd.f32 v0, v10  }
0xd6: {  	s0 =	sshll.u32 s24, $0x4;
	[tilespmem:s30+$0x5460] =	vst v1  }
0xd7: {  	s24 =	simm.s32 $0x0;
	s0 =	sadd.s32 s8, s0;
	[tilespmem:s30+$0x5470] =	vst v0;
	s30 =	simm.s32 $0x5400  }
0xd8: {  	[hbm4b:s0+s24] =	stream.linear.scatter [tilespmem:s30], [sflag:$0xB], $0x2800, $0x38;
	[tilespmem:$0x14400] =	vst v63  }
0xd9: {  	_ =	swait.ge [sflag:s17], $0x2800  }
0xda: {  	s31 =	rddreg [dreg:$0xa]  }
0xdb: {  	s0 =	sadd.s32 s23, s31  }
0xdc: {  	[sflag:s17] =	ssyncset.done $0x0;
	s0 =	sshrl.u32 s0, $0x3  }
0xdd: {  	[sflag:s17] =	ssyncadd.s32 $0xFFFFD800;
	s30 =	sadd.s32 s1, s0  }
0xde: {  	[tilespmem:s24], [sflag:$0xD] =	stream.linear.gather [hbm4b:s30+s24], $0x50, $0x38;
	[tilespmem:$0x14400] =	vst v63  }
0xdf: {  	_ =	swait.ge [sflag:s18], $0x50  }
0xe0: {  	[sflag:s18] =	ssyncset.done $0x0  }
0xe1: {  	s0 =	sadd.s32 s2, s0;
	[sflag:s18] =	ssyncadd.s32 $0xFFFFFFB0  }
0xe2: {  	[tilespmem:s19], [sflag:$0xD] =	stream.linear.gather [hbm4b:s0+s24], $0x50, $0x38;
	[tilespmem:$0x14400] =	vst v63  }
0xe3: {  	_ =	swait.ge [sflag:s18], $0x50  }
0xe4: {  	[sflag:s18] =	ssyncset.done $0x0  }
0xe5: {  	[sflag:s18] =	ssyncadd.s32 $0xFFFFFFB0  }
0xe6: {  	[tilespmem:s21], [sflag:$0x1] =	stream.indirect.gather [hbm4b:s4+s20], $0x80, s24, s20, $0xb8;
	[tilespmem:$0x14400] =	vst v63  }
0xe7: {  	s31 =	simm.s32 $0xA400  }
0xe8: {  	[tilespmem:s31], [sflag:$0x5] =	stream.indirect.gather [hbm4b:s7+s20], $0x80, s19, s20, $0xb8;
	[tilespmem:$0x14400] =	vst v63  }
0xe9: {  	_ =	swait.ge [sflag:s22], $0x2800  }
0xea: {  	[sflag:s22] =	ssyncset.done $0x0  }
0xeb: {  	[sflag:s22] =	ssyncadd.s32 $0xFFFFD800  }
0xec: {  	_ =	swait.ge [sflag:s15], $0x2800  }
0xed: {  	[sflag:s15] =	ssyncset.done $0x0  }
0xee: {  	s24 =	simm.s32 $0x0;
	[sflag:s15] =	ssyncadd.s32 $0xFFFFD800  }
0xef: {  	v7 =	vld [tilespmem:s24+$0x11C00]  }
0xf0: {  	v11 =	vld [tilespmem:s24+$0x11C10]  }
0xf1: {  	v5 =	vld [tilespmem:s24+$0x11C20]  }
0xf2: {  	v4 =	vld [tilespmem:s24+$0x11C30]  }
0xf3: {  	v3 =	vld [tilespmem:s24+$0x11C40]  }
0xf4: {  	v2 =	vld [tilespmem:s24+$0x11C50]  }
0xf5: {  	v1 =	vld [tilespmem:s24+$0x11C60]  }
0xf6: {  	v0 =	vld [tilespmem:s24+$0x11C70]  }
0xf7: {  	v12 =	vld [tilespmem:s24+$0x7C00]  }
0xf8: {  	v13 =	vld [tilespmem:s24+$0x7C10]  }
0xf9: {  	v10 =	vld [tilespmem:s24+$0x7C20]  }
0xfa: {  	v9 =	vld [tilespmem:s24+$0x7C30]  }
0xfb: {  	v8 =	vld [tilespmem:s24+$0x7C40]  }
0xfc: {  	v6 =	vld [tilespmem:s24+$0x7C50];
	v12 =	vadd.f32 v7, v12  }
0xfd: {  	s30 =	simm.s32 $0x200;
	v11 =	vadd.f32 v11, v13;
	v7 =	vld [tilespmem:s24+$0x7C60]  }
.LBB2_9:
0xfe: {  	s0 =	sshra.s32 s30, $0x2;
	p0 =	sne.s32 s30, $0x9E00;
	[tilespmem:s24+$0x7C00] =	vst v12;
	v5 =	vadd.f32 v5, v10;
	v10 =	vld [tilespmem:s24+$0x7C70]  }
0xff: {  	v12 =	vld [tilespmem:s0+$0x11C00];
	[tilespmem:s24+$0x7C10] =	vst v11;
	v4 =	vadd.f32 v4, v9  }
0x100: {  	v11 =	vld [tilespmem:s0+$0x11C10];
	[tilespmem:s24+$0x7C20] =	vst v5;
	v3 =	vadd.f32 v3, v8  }
0x101: {  	v5 =	vld [tilespmem:s0+$0x11C20];
	[tilespmem:s24+$0x7C30] =	vst v4;
	v2 =	vadd.f32 v2, v6  }
0x102: {  	v4 =	vld [tilespmem:s0+$0x11C30];
	[tilespmem:s24+$0x7C40] =	vst v3;
	v1 =	vadd.f32 v1, v7  }
0x103: {  	v3 =	vld [tilespmem:s0+$0x11C40];
	[tilespmem:s24+$0x7C50] =	vst v2;
	v0 =	vadd.f32 v0, v10  }
0x104: {  	v2 =	vld [tilespmem:s0+$0x11C50];
	[tilespmem:s24+$0x7C60] =	vst v1  }
0x105: {  	v1 =	vld [tilespmem:s0+$0x11C60];
	[tilespmem:s24+$0x7C70] =	vst v0;
	s24 =	smov.u32 s0  }
0x106: {  	v0 =	vld [tilespmem:s24+$0x11C70]  }
0x107: {  	v6 =	vld [tilespmem:s24+$0x7C00]  }
0x108: {  	v7 =	vld [tilespmem:s24+$0x7C10]  }
.Ltmp3:
0x109: {  	v10 =	vld [tilespmem:s24+$0x7C20];
	(pc) =	sbr.rel @p0 .LBB2_9-.Ltmp3, $4  }
0x10a: {  	v9 =	vld [tilespmem:s24+$0x7C30]  }
0x10b: {  	v8 =	vld [tilespmem:s24+$0x7C40]  }
0x10c: {  	v12 =	vadd.f32 v12, v6;
	v6 =	vld [tilespmem:s24+$0x7C50]  }
0x10d: {  	s30 =	sadd.s32 $0x200, s30;
	v11 =	vadd.f32 v11, v7;
	v7 =	vld [tilespmem:s24+$0x7C60]  }
0x10e: {  	[tilespmem:s24+$0x7C00] =	vst v12;
	v5 =	vadd.f32 v5, v10;
	v63 =	vld [tilespmem:s24+$0x7C70]  }
0x10f: {  	[tilespmem:s24+$0x7C10] =	vst v11;
	v4 =	vadd.f32 v4, v9  }
0x110: {  	[tilespmem:s24+$0x7C20] =	vst v5;
	v3 =	vadd.f32 v3, v8  }
0x111: {  	[tilespmem:s24+$0x7C30] =	vst v4;
	v2 =	vadd.f32 v2, v6  }
0x112: {  	[tilespmem:s24+$0x7C40] =	vst v3;
	v1 =	vadd.f32 v1, v7  }
0x113: {  	[tilespmem:s24+$0x7C50] =	vst v2;
	v0 =	vadd.f32 v0, v63  }
0x114: {  	s0 =	sshll.u32 s25, $0x4;
	p0 =	seq.s32 s14, $0x1E;
	[tilespmem:s24+$0x7C60] =	vst v1  }
.Ltmp4:
0x115: {  	s0 =	sadd.s32 s8, s0;
	[tilespmem:s24+$0x7C70] =	vst v0;
	(pc) =	sbr.rel @p0 .LBB2_12-.Ltmp4, $4  }
0x116: {  	[hbm4b:s0+s5] =	stream.linear.scatter [tilespmem:s16], [sflag:$0xC], $0x2800, $0x38;
	[tilespmem:$0x14400] =	vst v63  }
0x117: {  	_ =	swait.ge [sflag:s9], $0x2800  }
0x118: {  	[sflag:s9] =	ssyncset.done $0x0  }
0x119: {  	[sflag:s9] =	ssyncadd.s32 $0xFFFFD800  }
0x11a: {  	s0 =	rddreg [dreg:$0xb]  }
0x11b: {  	s0 =	sadd.s32 s23, s0  }
0x11c: {  	s0 =	sshrl.u32 s0, $0x3  }
0x11d: {  	s24 =	simm.s32 $0x80;
	s31 =	sadd.s32 s1, s0  }
0x11e: {  	[tilespmem:s24], [sflag:$0xD] =	stream.linear.gather [hbm4b:s31+s5], $0x50, $0x38;
	[tilespmem:$0x14400] =	vst v63  }
0x11f: {  	_ =	swait.ge [sflag:s18], $0x50  }
0x120: {  	[sflag:s18] =	ssyncset.done $0x0  }
0x121: {  	s25 =	simm.s32 $0x280;
	s0 =	sadd.s32 s2, s0;
	[sflag:s18] =	ssyncadd.s32 $0xFFFFFFB0  }
0x122: {  	[tilespmem:s25], [sflag:$0xD] =	stream.linear.gather [hbm4b:s0+s5], $0x50, $0x38;
	[tilespmem:$0x14400] =	vst v63  }
0x123: {  	_ =	swait.ge [sflag:s18], $0x50  }
.Ltmp5:
0x124: {  	[sflag:s18] =	ssyncset.done $0x0;
	(pc) =	sbr.rel .LBB2_2-.Ltmp5, $4  }
0x125: {  	s30 =	simm.s32 $0x2C00;
	[sflag:s18] =	ssyncadd.s32 $0xFFFFFFB0  }
0x126: {  	[tilespmem:s30], [sflag:$0x2] =	stream.indirect.gather [hbm4b:s4+s20], $0x80, s24, s20, $0xb8;
	[tilespmem:$0x14400] =	vst v63  }
0x127: {  	s14 =	sadd.s32 $0x1, s14;
	s31 =	simm.s32 $0xCC00  }
0x128: {  	[tilespmem:s31], [sflag:$0x6] =	stream.indirect.gather [hbm4b:s7+s20], $0x80, s25, s20, $0xb8;
	[tilespmem:$0x14400] =	vst v63  }
.LBB2_12:
0x129: {  	_ =	swait.ge [sflag:s28], $0x2800  }
0x12a: {  	[sflag:s28] =	ssyncset.done $0x0  }
0x12b: {  	[sflag:s28] =	ssyncadd.s32 $0xFFFFD800  }
0x12c: {  	_ =	swait.ge [sflag:s29], $0x2800  }
0x12d: {  	[sflag:s29] =	ssyncset.done $0x0  }
0x12e: {  	s14 =	simm.s32 $0x0;
	[sflag:s29] =	ssyncadd.s32 $0xFFFFD800  }
0x12f: {  	v7 =	vld [tilespmem:s14+$0xA400]  }
0x130: {  	v11 =	vld [tilespmem:s14+$0xA410]  }
0x131: {  	v5 =	vld [tilespmem:s14+$0xA420]  }
0x132: {  	v4 =	vld [tilespmem:s14+$0xA430]  }
0x133: {  	v3 =	vld [tilespmem:s14+$0xA440]  }
0x134: {  	v2 =	vld [tilespmem:s14+$0xA450]  }
0x135: {  	v1 =	vld [tilespmem:s14+$0xA460]  }
0x136: {  	v0 =	vld [tilespmem:s14+$0xA470]  }
0x137: {  	v12 =	vld [tilespmem:s14+$0x400]  }
0x138: {  	v13 =	vld [tilespmem:s14+$0x410]  }
0x139: {  	v10 =	vld [tilespmem:s14+$0x420]  }
0x13a: {  	v9 =	vld [tilespmem:s14+$0x430]  }
0x13b: {  	v8 =	vld [tilespmem:s14+$0x440]  }
0x13c: {  	v6 =	vld [tilespmem:s14+$0x450];
	v12 =	vadd.f32 v7, v12  }
0x13d: {  	s23 =	simm.s32 $0x200;
	v11 =	vadd.f32 v11, v13;
	v7 =	vld [tilespmem:s14+$0x460]  }
.LBB2_13:
0x13e: {  	s0 =	sshra.s32 s23, $0x2;
	p0 =	sne.s32 s23, $0x9E00;
	[tilespmem:s14+$0x400] =	vst v12;
	v5 =	vadd.f32 v5, v10;
	v10 =	vld [tilespmem:s14+$0x470]  }
0x13f: {  	v12 =	vld [tilespmem:s0+$0xA400];
	[tilespmem:s14+$0x410] =	vst v11;
	v4 =	vadd.f32 v4, v9  }
0x140: {  	v11 =	vld [tilespmem:s0+$0xA410];
	[tilespmem:s14+$0x420] =	vst v5;
	v3 =	vadd.f32 v3, v8  }
0x141: {  	v5 =	vld [tilespmem:s0+$0xA420];
	[tilespmem:s14+$0x430] =	vst v4;
	v2 =	vadd.f32 v2, v6  }
0x142: {  	v4 =	vld [tilespmem:s0+$0xA430];
	[tilespmem:s14+$0x440] =	vst v3;
	v1 =	vadd.f32 v1, v7  }
0x143: {  	v3 =	vld [tilespmem:s0+$0xA440];
	[tilespmem:s14+$0x450] =	vst v2;
	v0 =	vadd.f32 v0, v10  }
0x144: {  	v2 =	vld [tilespmem:s0+$0xA450];
	[tilespmem:s14+$0x460] =	vst v1  }
0x145: {  	v1 =	vld [tilespmem:s0+$0xA460];
	[tilespmem:s14+$0x470] =	vst v0;
	s14 =	smov.u32 s0  }
0x146: {  	v0 =	vld [tilespmem:s14+$0xA470]  }
0x147: {  	v6 =	vld [tilespmem:s14+$0x400]  }
0x148: {  	v7 =	vld [tilespmem:s14+$0x410]  }
.Ltmp6:
0x149: {  	v10 =	vld [tilespmem:s14+$0x420];
	(pc) =	sbr.rel @p0 .LBB2_13-.Ltmp6, $4  }
0x14a: {  	v9 =	vld [tilespmem:s14+$0x430]  }
0x14b: {  	v8 =	vld [tilespmem:s14+$0x440]  }
0x14c: {  	v12 =	vadd.f32 v12, v6;
	v6 =	vld [tilespmem:s14+$0x450]  }
0x14d: {  	s23 =	sadd.s32 $0x200, s23;
	v11 =	vadd.f32 v11, v7;
	v7 =	vld [tilespmem:s14+$0x460]  }
0x14e: {  	[tilespmem:s14+$0x400] =	vst v12;
	v5 =	vadd.f32 v5, v10;
	v63 =	vld [tilespmem:s14+$0x470]  }
0x14f: {  	[tilespmem:s14+$0x410] =	vst v11;
	v4 =	vadd.f32 v4, v9  }
0x150: {  	[tilespmem:s14+$0x420] =	vst v5;
	v3 =	vadd.f32 v3, v8  }
0x151: {  	[tilespmem:s14+$0x430] =	vst v4;
	v2 =	vadd.f32 v2, v6  }
0x152: {  	[tilespmem:s14+$0x440] =	vst v3;
	v1 =	vadd.f32 v1, v7  }
0x153: {  	[tilespmem:s14+$0x450] =	vst v2;
	v0 =	vadd.f32 v0, v63  }
0x154: {  	[tilespmem:s14+$0x460] =	vst v1  }
0x155: {  	s0 =	rddreg [dreg:$0xc];
	s24 =	simm.s32 $0xB;
	[tilespmem:s14+$0x470] =	vst v0  }
0x156: {  	[hbm4b:s0+s5] =	stream.linear.scatter [tilespmem:s21], [sflag:$0x9], $0x2800, $0x38;
	[tilespmem:$0x14400] =	vst v63  }
0x157: {  	_ =	swait.ge [sflag:s24], $0x2800  }
0x158: {  	[sflag:s24] =	ssyncset.done $0x0  }
0x159: {  	s25 =	simm.s32 $0xC;
	[sflag:s24] =	ssyncadd.s32 $0xFFFFD800  }
0x15a: {  	_ =	swait.ge [sflag:s25], $0x2800  }
0x15b: {  	[sflag:s25] =	ssyncset.done $0x0  }
0x15c: {  	[sflag:s25] =	ssyncadd.s32 $0xFFFFD800  }
0x15d: {  	_ =	swait.ge [sflag:s17], $0x2800  }
0x15e: {  	s30 =	rddreg [dreg:$0xe]  }
0x15f: {  	s31 =	rddreg [dreg:$0xd];
	s14 =	sadd.s32 $0x1, s30  }
0x160: {  	p0 =	sne.s32 s14, s31  }
.Ltmp7:
0x161: {  	_ = 	snop;
	(pc) =	sbr.rel @p0 .LBB2_1-.Ltmp7, $3  }
0x162: {  	_ =	sdelay $0x1  }
0x163: {  	[sflag:s17] =	ssyncset.done $0x0  }
0x164: {  	[sflag:s17] =	ssyncadd.s32 $0xFFFFD800  }
0x165: {  	_ =	sfence.sel $0x180000  }
0x166: {  	[bflag:$0x0] =	sbarrier.arrive $0xFFFF  }
0x167: {  	_ =	strace $0x90000047  }
0x168: {  	s0 =	stileid.u32;
	[bflag:$0x2] =	sbarrier.arrive $0xFFFF  }
0x169: {  	p0 =	sne.s32 s0, $0x0;
	s0 =	rddreg [dreg:$0x4]  }
0x16a: {  	s0 =	sadd.s32 @!p0 $0x100000, s0  }
0x16b: {  	[sflag:s0] =	ssyncadd.tile.s32 @!p0 $0x1;
	_ =	shalt  }
.Lfunc_end2:
_tile_overlayer_lowered:
.L_overlay_start_2:
0x16c: {  	(tag) =	ssettag $0x2  }
0x16d: {  	s0 =	rddreg [dreg:$0x0];
	s2 =	stileid.u32  }
0x16e: {  	s1 =	rddreg [dreg:$0x1];
	p0 =	sne.s32 s2, $0x0  }
0x16f: {  	s3 =	rddreg [dreg:$0x2];
	[bflag:$0x3] =	sbarrier.arrive $0xFFFF;
	s2 =	simm.s32 @!p0 $0x1C0D  }
0x170: {  	[timem:s3], [sflag:s2] =	dma.local @!p0 [hbm:s0], s1  }
0x171: {  	s0 =	simm.s32 @!p0 $0xD  }
0x172: {  	_ =	swait.ge @!p0 [sflag:s0], s1  }
0x173: {  	s1 =	ssub.s32 @!p0 $0x0, s1;
	[sflag:s0] =	ssyncset.done @!p0 $0x0  }
0x174: {  	[sflag:s0] =	ssyncadd.s32 @!p0 s1  }
0x175: {  	[bflag:$0x3] =	sbarrier.arrive $0xFFFF  }
0x176: {  	_ =	shalt  }

</sc_bundles>
